<compile_context>
chip_gen: v7x
topology: tpu7x:2x2x1
jax: 0.10.2.dev20260603
libtpu: 0.0.44.dev20260713+nightly
codegen_flags: <defaults>
</compile_context>

<pallas_src>
import functools

import jax
import jax.numpy as jnp
from jax import lax
from jax.experimental import pallas as pl
from jax.experimental.pallas import tpu as pltpu
from jax.experimental.pallas import tpu_sc as plsc

B, C, H, W = 1, 512, 64, 64
HW = H * W
C2 = C // 2
RT = 512
NT = HW // RT
NEG_INF = float("-inf")
LANES = 16
NCH = HW // LANES



NB = HW // 128
MASK_BIAS = -1e30


def _cos_argmax_body(fw_ref, lw_ref, lwf_ref, fl_ref, flf_ref,
                     rm_ref, bq_ref, rmf_ref, bqf_ref,
                     s1_ref, b1_ref, s2_ref, b2_ref):
    @pl.when(pl.program_id(0) == 0)
    def _init():
        def side(lw, flags, s_ref, b_ref):
            nl = jnp.sum(lw * lw, axis=0)
            s_ref[...] = (1.0 / jnp.sqrt(nl))[None, :]
            b_ref[...] = jnp.where(flags == 0, 0.0, MASK_BIAS)

        side(lw_ref[...], fl_ref[...], s1_ref, b1_ref)
        side(lwf_ref[...], flf_ref[...], s2_ref, b2_ref)

    fw_t = fw_ref[...]
    nf = jnp.sum(fw_t * fw_t, axis=0)
    rnf = 1.0 / jnp.sqrt(nf)
    lane = lax.broadcasted_iota(jnp.int32, (RT, 128), 1)

    def one_side(lw, scale, bias):
        num = lax.dot_general(fw_t, lw, (((0,), (0,)), ((), ())),
                              preferred_element_type=jnp.float32)
        m_acc = jnp.full((RT, 128), NEG_INF, jnp.float32)
        b_acc = jnp.zeros((RT, 128), jnp.int32)
        for b in range(NB):
            sl = slice(b * 128, (b + 1) * 128)
            x = num[:, sl] * scale[0:1, sl] + bias[0:1, sl]
            better = x > m_acc
            m_acc = jnp.where(better, x, m_acc)
            b_acc = jnp.where(better, b, b_acc)
        i_acc = b_acc * 128 + lane
        m_t = m_acc.T
        i_t = i_acc.T
        m = jnp.max(m_t, axis=0)
        idx = jnp.min(jnp.where(m_t == m[None, :], i_t, HW), axis=0)
        return m * rnf, idx

    m, idx = one_side(lw_ref[...], s1_ref[...], b1_ref[...])
    mf, idxf = one_side(lwf_ref[...], s2_ref[...], b2_ref[...])
    rm_ref[...] = m.reshape(1, 1, RT)
    bq_ref[...] = idx.reshape(1, 1, RT)
    rmf_ref[...] = mf.reshape(1, 1, RT)
    bqf_ref[...] = idxf.reshape(1, 1, RT)


def _stage1(xf, lwfT, fl2d, flf2d):
    f32 = jnp.float32
    outs = [jax.ShapeDtypeStruct((NT, 1, RT), f32),
            jax.ShapeDtypeStruct((NT, 1, RT), jnp.int32),
            jax.ShapeDtypeStruct((NT, 1, RT), f32),
            jax.ShapeDtypeStruct((NT, 1, RT), jnp.int32)]
    in_specs = [
        pl.BlockSpec((C2, RT), lambda i: (0, i)),
        pl.BlockSpec((C2, HW), lambda i: (1, 0)),
        pl.BlockSpec((C2, HW), lambda i: (0, 0)),
        pl.BlockSpec((1, HW), lambda i: (0, 0)),
        pl.BlockSpec((1, HW), lambda i: (0, 0)),
    ]
    out_specs = [pl.BlockSpec((1, 1, RT), lambda i: (i, 0, 0))] * 4
    return pl.pallas_call(
        _cos_argmax_body, grid=(NT,), in_specs=in_specs,
        out_specs=out_specs, out_shape=outs,
        scratch_shapes=[
            pltpu.VMEM((1, HW), f32),
            pltpu.VMEM((1, HW), f32),
            pltpu.VMEM((1, HW), f32),
            pltpu.VMEM((1, HW), f32),
        ],
    )(xf, xf, lwfT, fl2d, flf2d)



_SC_PARAMS = dict(
    compiler_params=pltpu.CompilerParams(needs_layout_passes=False),
)


def _is_w0():
    return jnp.logical_and(lax.axis_index("c") == 0, lax.axis_index("s") == 0)


def _ranks_body(fl_hbm, flf_hbm, rank1_hbm, rankf_hbm,
                fl_v, flf_v, rank1_v, rankf_v):
    @pl.when(_is_w0())
    def _():
        pltpu.sync_copy(fl_hbm, fl_v)
        pltpu.sync_copy(flf_hbm, flf_v)

        def p(j, carry):
            c1, c2 = carry
            ds = pl.ds(j * LANES, LANES)
            flv = fl_v[ds]
            flfv = flf_v[ds]
            cs1 = plsc.cumsum(flv)
            cs2 = plsc.cumsum(flfv)
            rank1_v[ds] = cs1 - flv + c1
            rankf_v[ds] = cs2 - flfv + c2
            return (c1 + jnp.sum(flv), c2 + jnp.sum(flfv))

        lax.fori_loop(0, NCH, p, (jnp.int32(0), jnp.int32(0)), unroll=4)
        pltpu.sync_copy(rank1_v, rank1_hbm)
        pltpu.sync_copy(rankf_v, rankf_hbm)


def _stage2a(fl, flf):
    i32 = jnp.int32
    mesh = plsc.VectorSubcoreMesh(core_axis_name="c", subcore_axis_name="s")
    run = functools.partial(
        pl.kernel, mesh=mesh,
        out_type=[jax.ShapeDtypeStruct((HW,), i32)] * 2,
        scratch_types=[pltpu.VMEM((HW,), i32)] * 4,
        **_SC_PARAMS,
    )(_ranks_body)
    return run(fl, flf)


def _masks_body(rm_hbm, rmf_hbm, bq_hbm, bqf_hbm, fl_hbm, flf_hbm,
                rank1_hbm, rankf_hbm,
                orm_hbm, ormf_hbm, ocm_hbm, ocmf_hbm,
                rm_v, rmf_v, bq_v, bqf_v, fl_v, flf_v,
                rank1_v, rankf_v, compf_v, o_rm, o_rmf, o_cm, o_cmf):
    @pl.when(_is_w0())
    def _():
        pltpu.sync_copy(rm_hbm, rm_v)
        pltpu.sync_copy(rmf_hbm, rmf_v)
        pltpu.sync_copy(bq_hbm, bq_v)
        pltpu.sync_copy(bqf_hbm, bqf_v)
        pltpu.sync_copy(fl_hbm, fl_v)
        pltpu.sync_copy(flf_hbm, flf_v)
        pltpu.sync_copy(rank1_hbm, rank1_v)
        pltpu.sync_copy(rankf_hbm, rankf_v)

        zf = jnp.zeros((LANES,), jnp.float32)

        def zero_body(j, _):
            ds = pl.ds(j * LANES, LANES)
            o_cm[ds] = zf
            o_cmf[ds] = zf
            return 0

        lax.fori_loop(0, NCH, zero_body, 0, unroll=8)

        ones16 = jnp.ones((LANES,), jnp.float32)

        def p1(j, _):
            ds = pl.ds(j * LANES, LANES)
            flv = fl_v[ds]
            flfv = flf_v[ds]
            plsc.store_scatter(compf_v, [rankf_v[ds]], rmf_v[ds],
                               mask=flfv == 1)
            plsc.store_scatter(o_cm, [bq_v[ds]], ones16, mask=flv == 1)
            plsc.store_scatter(o_cmf, [bqf_v[ds]], ones16, mask=flfv == 1)
            return 0

        lax.fori_loop(0, NCH, p1, 0, unroll=4)

        def p2(j, _):
            ds = pl.ds(j * LANES, LANES)
            cfv = plsc.load_gather(compf_v, [rank1_v[ds]])
            olp = rm_v[ds] >= cfv
            flv = fl_v[ds]
            pix = lax.iota(jnp.int32, LANES) + j * LANES
            ok = jnp.logical_and(flv == 1, pix != 0)
            o_rm[ds] = jnp.where(jnp.logical_and(ok, olp), 1.0, 0.0)
            o_rmf[ds] = jnp.where(
                jnp.logical_and(ok, jnp.logical_not(olp)), 1.0, 0.0)
            return 0

        lax.fori_loop(0, NCH, p2, 0, unroll=4)

        pltpu.sync_copy(o_rm, orm_hbm)
        pltpu.sync_copy(o_rmf, ormf_hbm)
        pltpu.sync_copy(o_cm, ocm_hbm)
        pltpu.sync_copy(o_cmf, ocmf_hbm)


def _stage2b(rm, rmf, bq, bqf, fl, flf, rank1, rankf):
    f32 = jnp.float32
    i32 = jnp.int32
    mesh = plsc.VectorSubcoreMesh(core_axis_name="c", subcore_axis_name="s")
    run = functools.partial(
        pl.kernel, mesh=mesh,
        out_type=[jax.ShapeDtypeStruct((HW,), f32)] * 4,
        scratch_types=[
            pltpu.VMEM((HW,), f32),
            pltpu.VMEM((HW,), f32),
            pltpu.VMEM((HW,), i32),
            pltpu.VMEM((HW,), i32),
            pltpu.VMEM((HW,), i32),
            pltpu.VMEM((HW,), i32),
            pltpu.VMEM((HW,), i32),
            pltpu.VMEM((HW,), i32),
            pltpu.VMEM((HW,), f32),
            pltpu.VMEM((HW,), f32),
            pltpu.VMEM((HW,), f32),
            pltpu.VMEM((HW,), f32),
            pltpu.VMEM((HW,), f32),
        ],
        **_SC_PARAMS,
    )(_masks_body)
    return run(rm, rmf, bq, bqf, fl, flf, rank1, rankf)



def _paste_body(lw_ref, lwf_ref, rm_ref, rmf_ref, cm_ref, cmf_ref, out_ref):
    s = lax.dot_general(lw_ref[...], cm_ref[...], (((1,), (1,)), ((), ())),
                        preferred_element_type=jnp.float32)
    sf = lax.dot_general(lwf_ref[...], cmf_ref[...], (((1,), (1,)), ((), ())),
                         preferred_element_type=jnp.float32)
    out_ref[...] = s * rm_ref[...] + sf * rmf_ref[...]


def _stage3(xf, lwfT, rm2d, rmf2d, cm2d, cmf2d):
    in_specs = [
        pl.BlockSpec((C2, HW), lambda i: (1, 0)),
        pl.BlockSpec((C2, HW), lambda i: (0, 0)),
        pl.BlockSpec((1, HW), lambda i: (0, 0)),
        pl.BlockSpec((1, HW), lambda i: (0, 0)),
        pl.BlockSpec((1, HW), lambda i: (0, 0)),
        pl.BlockSpec((1, HW), lambda i: (0, 0)),
    ]
    return pl.pallas_call(
        _paste_body, grid=(1,), in_specs=in_specs,
        out_specs=pl.BlockSpec((C2, HW), lambda i: (0, 0)),
        out_shape=jax.ShapeDtypeStruct((C2, HW), jnp.float32),
    )(xf, lwfT, rm2d, rmf2d, cm2d, cmf2d)



def kernel(input, flip_feat, flag, flag_flip):
    xf = input[0].reshape(C, HW)
    lwfT = flip_feat[0].reshape(C2, HW)
    fl = flag[0].astype(jnp.int32)
    flf = flag_flip[0].astype(jnp.int32)

    rank1, rankf = _stage2a(fl, flf)

    rm3, bq3, rmf3, bqf3 = _stage1(xf, lwfT,
                                   fl.reshape(1, HW), flf.reshape(1, HW))
    rm = rm3.reshape(HW)
    bq = bq3.reshape(HW)
    rmf = rmf3.reshape(HW)
    bqf = bqf3.reshape(HW)

    orm, ormf, ocm, ocmf = _stage2b(rm, rmf, bq, bqf, fl, flf, rank1, rankf)

    shiftT = _stage3(xf, lwfT, orm.reshape(1, HW), ormf.reshape(1, HW),
                     ocm.reshape(1, HW), ocmf.reshape(1, HW))

    return jnp.concatenate([xf, shiftT], axis=0).reshape(1, C + C2, H, W)

# --- scband reference (transcript-rebuilt; emitter-appended) ---
"""Pipeline reference for scband-inner-face-shift-triple-41970420416942 (READ-ONLY COPY).

The authoritative reference and input builder live on the scoring server;
editing this copy changes nothing except your own understanding.
"""

import jax, jax.numpy as jnp
import numpy as np

B, C, H, W = 1, 512, 64, 64
HW = H * W
C2 = C // 2


def setup_inputs(seed: int = 0) -> dict:
    key = jax.random.key(seed)
    k1, k2, k3 = jax.random.split(key, 3)
    x = jax.random.normal(k1, (B, C, H, W), dtype=jnp.float32)
    flip_feat = jax.random.normal(k2, (B, C2, H, W), dtype=jnp.float32)
    flag2d = jax.random.randint(k3, (B, H, W), 0, 2)
    flag = flag2d.reshape(B, HW).astype(jnp.int64)
    # flag_flip is the horizontally flipped mask (same number of masked pixels)
    flag_flip = jnp.flip(flag2d, axis=2).reshape(B, HW).astype(jnp.int64)
    return {"input": x, "flip_feat": flip_feat, "flag": flag, "flag_flip": flag_flip}


def _unfold_flat(img):
    # patch_size=1, stride=1 unfold: [c,h,w] -> [h*w, c]
    c, h, w = img.shape
    return jnp.transpose(img.reshape(c, h * w), (1, 0))


def _cosine(former_img, latter_img, flag):
    fw = _unfold_flat(former_img)
    lw = _unfold_flat(latter_img)
    num = jnp.einsum('ik,jk->ij', fw, lw)
    nf = jnp.einsum('ij,ij->i', fw, fw)
    nl = jnp.einsum('ij,ij->i', lw, lw)
    den = jnp.sqrt(jnp.einsum('i,j->ij', nf, nl))
    cos_full = num / den
    masked = jnp.where((flag == 0)[None, :], cos_full, -jnp.inf)
    rowmax = jnp.max(masked, axis=1)
    best_q = jnp.argmax(masked, axis=1)
    return rowmax, best_q, lw


def _compact(vals, mask):
    rank = jnp.cumsum(mask) - mask
    idx = jnp.where(mask == 1, rank, HW)
    buf = jnp.zeros((HW + 1,), vals.dtype).at[idx].set(vals)
    return buf[:HW], rank


def _build_ind(fl, flf, former, latter, ff):
    rowmax, best_q, lw = _cosine(former, latter, fl)
    rowmaxf, best_qf, lwf = _cosine(former, ff, flf)
    cmax, rank1 = _compact(rowmax, fl)
    cmaxf, _rankf = _compact(rowmaxf, flf)
    ori_larger_i = (cmax >= cmaxf).astype(jnp.int64)
    olp = ori_larger_i[rank1]
    p_idx = jnp.arange(HW)
    row_mask = ((fl == 1) & (olp == 1) & (p_idx != 0)).astype(jnp.float32)
    row_mask_f = ((fl == 1) & (olp == 0) & (p_idx != 0)).astype(jnp.float32)
    col_mask = jnp.zeros((HW,), jnp.float32).at[best_q].max((fl == 1).astype(jnp.float32))
    col_mask_f = jnp.zeros((HW,), jnp.float32).at[best_qf].max((flf == 1).astype(jnp.float32))
    ind_lst = row_mask[:, None] * col_mask[None, :]
    ind_lst_flip = row_mask_f[:, None] * col_mask_f[None, :]
    return ind_lst, ind_lst_flip, lw, lwf


def reference(input, flip_feat, flag, flag_flip):
    former_all = input[:, :C2]
    latter_all = input[:, C2:]
    shifts = []
    for idx in range(B):
        ind_lst, ind_lst_flip, lw, lwf = _build_ind(flag[idx], flag_flip[idx], former_all[idx], latter_all[idx], flip_feat[idx])
        ori = jnp.transpose((ind_lst @ lw).reshape(H, W, C2), (2, 0, 1))
        ori_f = jnp.transpose((ind_lst_flip @ lwf).reshape(H, W, C2), (2, 0, 1))
        shifts.append(ori + ori_f)
    shift_all = jnp.stack(shifts, axis=0)
    return jnp.concatenate([former_all, latter_all, shift_all], axis=1)

if __name__ == "__main__":
    import jax
    _d = setup_inputs()
    print(jax.jit(kernel)(*tuple(_d.values())))

</pallas_src>

<mosaic_0001>
#map = affine_map<(d0, d1) -> (0)>
module attributes {stable_mosaic.version = 14 : i64} {
  func.func @_ranks_body(%arg0: i32, %arg1: i32, %arg2: memref<4096xi32, #tpu.memory_space<hbm>>, %arg3: memref<4096xi32, #tpu.memory_space<hbm>>, %arg4: memref<4096xi32, #tpu.memory_space<hbm>>, %arg5: memref<4096xi32, #tpu.memory_space<hbm>>, %arg6: memref<4096xi32, #tpu.memory_space<vmem>>, %arg7: memref<4096xi32, #tpu.memory_space<vmem>>, %arg8: memref<4096xi32, #tpu.memory_space<vmem>>, %arg9: memref<4096xi32, #tpu.memory_space<vmem>>) attributes {dimension_semantics = [#tpu.dimension_semantics<core_parallel>, #tpu.dimension_semantics<subcore_parallel>], iteration_bounds = array<i64: 2, 16>, scalar_prefetch = 0 : i64, scratch_operands = 4 : i64, tpu.core_type = #tpu.core_type<sc_vector_subcore>, window_params = [{transform_indices = #map}, {transform_indices = #map}, {transform_indices = #map}, {transform_indices = #map}]} {
    %eq3A = arith.constant 0 : i32
    %eq3A_0 = arith.cmpi eq, %arg0, %eq3A : i32
    %eq3A_1 = arith.constant 0 : i32
    %eq3A_2 = arith.cmpi eq, %arg1, %eq3A_1 : i32
    %and3A = arith.andi %eq3A_0, %eq3A_2 : i1
    %convert_element_type3A = arith.extui %and3A : i1 to i32
    %cond3A = arith.constant 0 : i32
    %cond3A_3 = arith.cmpi ne, %convert_element_type3A, %cond3A : i32
    scf.if %cond3A_3 {
      "tpu.region"() ({
        %run_scoped3A = tpu.sem_alloc : memref<!tpu.dma_semaphore, #tpu.memory_space<semaphore_mem>>
        tpu.enqueue_dma source(%arg2 : memref<4096xi32, #tpu.memory_space<hbm>>) target(%arg6 : memref<4096xi32, #tpu.memory_space<vmem>>) target_semaphore(%run_scoped3A : memref<!tpu.dma_semaphore, #tpu.memory_space<semaphore_mem>>)
        tpu.wait_dma2 semaphore(%run_scoped3A : memref<!tpu.dma_semaphore, #tpu.memory_space<semaphore_mem>>) src(%arg2 : memref<4096xi32, #tpu.memory_space<hbm>>) dst(%arg6 : memref<4096xi32, #tpu.memory_space<vmem>>)
        tpu.yield
      }) : () -> ()
      "tpu.region"() ({
        %run_scoped3A = tpu.sem_alloc : memref<!tpu.dma_semaphore, #tpu.memory_space<semaphore_mem>>
        tpu.enqueue_dma source(%arg3 : memref<4096xi32, #tpu.memory_space<hbm>>) target(%arg7 : memref<4096xi32, #tpu.memory_space<vmem>>) target_semaphore(%run_scoped3A : memref<!tpu.dma_semaphore, #tpu.memory_space<semaphore_mem>>)
        tpu.wait_dma2 semaphore(%run_scoped3A : memref<!tpu.dma_semaphore, #tpu.memory_space<semaphore_mem>>) src(%arg3 : memref<4096xi32, #tpu.memory_space<hbm>>) dst(%arg7 : memref<4096xi32, #tpu.memory_space<vmem>>)
        tpu.yield
      }) : () -> ()
      %scan3A = arith.constant 0 : i32
      %scan3A_4 = arith.constant 0 : i32
      %scan3A_5 = arith.constant 0 : i32
      %scan3A_6 = arith.constant 256 : i32
      %scan3A_7 = arith.addi %scan3A_5, %scan3A_6 : i32
      %scan3A_8 = arith.constant 4 : i32
      %scan3A_9:2 = scf.for %scan3A_11 = %scan3A_5 to %scan3A_7 step %scan3A_8 iter_args(%scan3A_12 = %scan3A, %scan3A_13 = %scan3A_4) -> (i32, i32)  : i32 {
        %mul3A = arith.constant 16 : i32
        %mul3A_14 = arith.muli %scan3A_11, %mul3A : i32
        %get3A = arith.index_cast %mul3A_14 : i32 to index
        %get3A_15 = tpu.vector_load %arg6[%get3A] {strides = array<i32>} : memref<4096xi32, #tpu.memory_space<vmem>>, vector<16xi32>,
        %get3A_16 = arith.index_cast %mul3A_14 : i32 to index
        %get3A_17 = tpu.vector_load %arg7[%get3A_16] {strides = array<i32>} : memref<4096xi32, #tpu.memory_space<vmem>>, vector<16xi32>,
        %broadcast_in_dim3A = arith.constant true
        %broadcast_in_dim3A_18 = vector.broadcast %broadcast_in_dim3A : i1 to vector<16xi1>
        %masked_cumsum3A = tpu.scan <sum>, %get3A_15 masked %broadcast_in_dim3A_18 : vector<16xi32>, vector<16xi1> -> vector<16xi32>
        %broadcast_in_dim3A_19 = arith.constant true
        %broadcast_in_dim3A_20 = vector.broadcast %broadcast_in_dim3A_19 : i1 to vector<16xi1>
        %masked_cumsum3A_21 = tpu.scan <sum>, %get3A_17 masked %broadcast_in_dim3A_20 : vector<16xi32>, vector<16xi1> -> vector<16xi32>
        %sub3A = arith.subi %masked_cumsum3A, %get3A_15 : vector<16xi32>
        %add3A = vector.broadcast %scan3A_12 : i32 to vector<16xi32>
        %add3A_22 = arith.addi %sub3A, %add3A : vector<16xi32>
        %swap3A = arith.index_cast %mul3A_14 : i32 to index
        %swap3A_23 = tpu.vector_load %arg8[%swap3A] {strides = array<i32>} : memref<4096xi32, #tpu.memory_space<vmem>>, vector<16xi32>,
        tpu.vector_store %arg8[%swap3A], %add3A_22 {strides = array<i32>} : memref<4096xi32, #tpu.memory_space<vmem>>, vector<16xi32>,
        %sub3A_24 = arith.subi %masked_cumsum3A_21, %get3A_17 : vector<16xi32>
        %add3A_25 = vector.broadcast %scan3A_13 : i32 to vector<16xi32>
        %add3A_26 = arith.addi %sub3A_24, %add3A_25 : vector<16xi32>
        %swap3A_27 = arith.index_cast %mul3A_14 : i32 to index
        %swap3A_28 = tpu.vector_load %arg9[%swap3A_27] {strides = array<i32>} : memref<4096xi32, #tpu.memory_space<vmem>>, vector<16xi32>,
        tpu.vector_store %arg9[%swap3A_27], %add3A_26 {strides = array<i32>} : memref<4096xi32, #tpu.memory_space<vmem>>, vector<16xi32>,
        %reduce_sum3A = arith.constant true
        %reduce_sum3A_29 = vector.broadcast %reduce_sum3A : i1 to vector<16xi1>
        %reduce_sum3A_30 = tpu.scan <sum>, %get3A_15 masked %reduce_sum3A_29 : vector<16xi32>, vector<16xi1> -> vector<16xi32>
        %reduce_sum3A_31 = vector.extract %reduce_sum3A_30[15] : i32 from vector<16xi32>
        %add3A_32 = arith.addi %scan3A_12, %reduce_sum3A_31 : i32
        %reduce_sum3A_33 = arith.constant true
        %reduce_sum3A_34 = vector.broadcast %reduce_sum3A_33 : i1 to vector<16xi1>
        %reduce_sum3A_35 = tpu.scan <sum>, %get3A_17 masked %reduce_sum3A_34 : vector<16xi32>, vector<16xi1> -> vector<16xi32>
        %reduce_sum3A_36 = vector.extract %reduce_sum3A_35[15] : i32 from vector<16xi32>
        %add3A_37 = arith.addi %scan3A_13, %reduce_sum3A_36 : i32
        %scan3A_38 = arith.constant 1 : i32
        %scan3A_39 = arith.addi %scan3A_11, %scan3A_38 : i32
        %mul3A_40 = arith.constant 16 : i32
        %mul3A_41 = arith.muli %scan3A_39, %mul3A_40 : i32
        %get3A_42 = arith.index_cast %mul3A_41 : i32 to index
        %get3A_43 = tpu.vector_load %arg6[%get3A_42] {strides = array<i32>} : memref<4096xi32, #tpu.memory_space<vmem>>, vector<16xi32>,
        %get3A_44 = arith.index_cast %mul3A_41 : i32 to index
        %get3A_45 = tpu.vector_load %arg7[%get3A_44] {strides = array<i32>} : memref<4096xi32, #tpu.memory_space<vmem>>, vector<16xi32>,
        %broadcast_in_dim3A_46 = arith.constant true
        %broadcast_in_dim3A_47 = vector.broadcast %broadcast_in_dim3A_46 : i1 to vector<16xi1>
        %masked_cumsum3A_48 = tpu.scan <sum>, %get3A_43 masked %broadcast_in_dim3A_47 : vector<16xi32>, vector<16xi1> -> vector<16xi32>
        %broadcast_in_dim3A_49 = arith.constant true
        %broadcast_in_dim3A_50 = vector.broadcast %broadcast_in_dim3A_49 : i1 to vector<16xi1>
        %masked_cumsum3A_51 = tpu.scan <sum>, %get3A_45 masked %broadcast_in_dim3A_50 : vector<16xi32>, vector<16xi1> -> vector<16xi32>
        %sub3A_52 = arith.subi %masked_cumsum3A_48, %get3A_43 : vector<16xi32>
        %add3A_53 = vector.broadcast %add3A_32 : i32 to vector<16xi32>
        %add3A_54 = arith.addi %sub3A_52, %add3A_53 : vector<16xi32>
        %swap3A_55 = arith.index_cast %mul3A_41 : i32 to index
        %swap3A_56 = tpu.vector_load %arg8[%swap3A_55] {strides = array<i32>} : memref<4096xi32, #tpu.memory_space<vmem>>, vector<16xi32>,
        tpu.vector_store %arg8[%swap3A_55], %add3A_54 {strides = array<i32>} : memref<4096xi32, #tpu.memory_space<vmem>>, vector<16xi32>,
        %sub3A_57 = arith.subi %masked_cumsum3A_51, %get3A_45 : vector<16xi32>
        %add3A_58 = vector.broadcast %add3A_37 : i32 to vector<16xi32>
        %add3A_59 = arith.addi %sub3A_57, %add3A_58 : vector<16xi32>
        %swap3A_60 = arith.index_cast %mul3A_41 : i32 to index
        %swap3A_61 = tpu.vector_load %arg9[%swap3A_60] {strides = array<i32>} : memref<4096xi32, #tpu.memory_space<vmem>>, vector<16xi32>,
        tpu.vector_store %arg9[%swap3A_60], %add3A_59 {strides = array<i32>} : memref<4096xi32, #tpu.memory_space<vmem>>, vector<16xi32>,
        %reduce_sum3A_62 = arith.constant true
        %reduce_sum3A_63 = vector.broadcast %reduce_sum3A_62 : i1 to vector<16xi1>
        %reduce_sum3A_64 = tpu.scan <sum>, %get3A_43 masked %reduce_sum3A_63 : vector<16xi32>, vector<16xi1> -> vector<16xi32>
        %reduce_sum3A_65 = vector.extract %reduce_sum3A_64[15] : i32 from vector<16xi32>
        %add3A_66 = arith.addi %add3A_32, %reduce_sum3A_65 : i32
        %reduce_sum3A_67 = arith.constant true
        %reduce_sum3A_68 = vector.broadcast %reduce_sum3A_67 : i1 to vector<16xi1>
        %reduce_sum3A_69 = tpu.scan <sum>, %get3A_45 masked %reduce_sum3A_68 : vector<16xi32>, vector<16xi1> -> vector<16xi32>
        %reduce_sum3A_70 = vector.extract %reduce_sum3A_69[15] : i32 from vector<16xi32>
        %add3A_71 = arith.addi %add3A_37, %reduce_sum3A_70 : i32
        %scan3A_72 = arith.constant 2 : i32
        %scan3A_73 = arith.addi %scan3A_11, %scan3A_72 : i32
        %mul3A_74 = arith.constant 16 : i32
        %mul3A_75 = arith.muli %scan3A_73, %mul3A_74 : i32
        %get3A_76 = arith.index_cast %mul3A_75 : i32 to index
        %get3A_77 = tpu.vector_load %arg6[%get3A_76] {strides = array<i32>} : memref<4096xi32, #tpu.memory_space<vmem>>, vector<16xi32>,
        %get3A_78 = arith.index_cast %mul3A_75 : i32 to index
        %get3A_79 = tpu.vector_load %arg7[%get3A_78] {strides = array<i32>} : memref<4096xi32, #tpu.memory_space<vmem>>, vector<16xi32>,
        %broadcast_in_dim3A_80 = arith.constant true
        %broadcast_in_dim3A_81 = vector.broadcast %broadcast_in_dim3A_80 : i1 to vector<16xi1>
        %masked_cumsum3A_82 = tpu.scan <sum>, %get3A_77 masked %broadcast_in_dim3A_81 : vector<16xi32>, vector<16xi1> -> vector<16xi32>
        %broadcast_in_dim3A_83 = arith.constant true
        %broadcast_in_dim3A_84 = vector.broadcast %broadcast_in_dim3A_83 : i1 to vector<16xi1>
        %masked_cumsum3A_85 = tpu.scan <sum>, %get3A_79 masked %broadcast_in_dim3A_84 : vector<16xi32>, vector<16xi1> -> vector<16xi32>
        %sub3A_86 = arith.subi %masked_cumsum3A_82, %get3A_77 : vector<16xi32>
        %add3A_87 = vector.broadcast %add3A_66 : i32 to vector<16xi32>
        %add3A_88 = arith.addi %sub3A_86, %add3A_87 : vector<16xi32>
        %swap3A_89 = arith.index_cast %mul3A_75 : i32 to index
        %swap3A_90 = tpu.vector_load %arg8[%swap3A_89] {strides = array<i32>} : memref<4096xi32, #tpu.memory_space<vmem>>, vector<16xi32>,
        tpu.vector_store %arg8[%swap3A_89], %add3A_88 {strides = array<i32>} : memref<4096xi32, #tpu.memory_space<vmem>>, vector<16xi32>,
        %sub3A_91 = arith.subi %masked_cumsum3A_85, %get3A_79 : vector<16xi32>
        %add3A_92 = vector.broadcast %add3A_71 : i32 to vector<16xi32>
        %add3A_93 = arith.addi %sub3A_91, %add3A_92 : vector<16xi32>
        %swap3A_94 = arith.index_cast %mul3A_75 : i32 to index
        %swap3A_95 = tpu.vector_load %arg9[%swap3A_94] {strides = array<i32>} : memref<4096xi32, #tpu.memory_space<vmem>>, vector<16xi32>,
        tpu.vector_store %arg9[%swap3A_94], %add3A_93 {strides = array<i32>} : memref<4096xi32, #tpu.memory_space<vmem>>, vector<16xi32>,
        %reduce_sum3A_96 = arith.constant true
        %reduce_sum3A_97 = vector.broadcast %reduce_sum3A_96 : i1 to vector<16xi1>
        %reduce_sum3A_98 = tpu.scan <sum>, %get3A_77 masked %reduce_sum3A_97 : vector<16xi32>, vector<16xi1> -> vector<16xi32>
        %reduce_sum3A_99 = vector.extract %reduce_sum3A_98[15] : i32 from vector<16xi32>
        %add3A_100 = arith.addi %add3A_66, %reduce_sum3A_99 : i32
        %reduce_sum3A_101 = arith.constant true
        %reduce_sum3A_102 = vector.broadcast %reduce_sum3A_101 : i1 to vector<16xi1>
        %reduce_sum3A_103 = tpu.scan <sum>, %get3A_79 masked %reduce_sum3A_102 : vector<16xi32>, vector<16xi1> -> vector<16xi32>
        %reduce_sum3A_104 = vector.extract %reduce_sum3A_103[15] : i32 from vector<16xi32>
        %add3A_105 = arith.addi %add3A_71, %reduce_sum3A_104 : i32
        %scan3A_106 = arith.constant 3 : i32
        %scan3A_107 = arith.addi %scan3A_11, %scan3A_106 : i32
        %mul3A_108 = arith.constant 16 : i32
        %mul3A_109 = arith.muli %scan3A_107, %mul3A_108 : i32
        %get3A_110 = arith.index_cast %mul3A_109 : i32 to index
        %get3A_111 = tpu.vector_load %arg6[%get3A_110] {strides = array<i32>} : memref<4096xi32, #tpu.memory_space<vmem>>, vector<16xi32>,
        %get3A_112 = arith.index_cast %mul3A_109 : i32 to index
        %get3A_113 = tpu.vector_load %arg7[%get3A_112] {strides = array<i32>} : memref<4096xi32, #tpu.memory_space<vmem>>, vector<16xi32>,
        %broadcast_in_dim3A_114 = arith.constant true
        %broadcast_in_dim3A_115 = vector.broadcast %broadcast_in_dim3A_114 : i1 to vector<16xi1>
        %masked_cumsum3A_116 = tpu.scan <sum>, %get3A_111 masked %broadcast_in_dim3A_115 : vector<16xi32>, vector<16xi1> -> vector<16xi32>
        %broadcast_in_dim3A_117 = arith.constant true
        %broadcast_in_dim3A_118 = vector.broadcast %broadcast_in_dim3A_117 : i1 to vector<16xi1>
        %masked_cumsum3A_119 = tpu.scan <sum>, %get3A_113 masked %broadcast_in_dim3A_118 : vector<16xi32>, vector<16xi1> -> vector<16xi32>
        %sub3A_120 = arith.subi %masked_cumsum3A_116, %get3A_111 : vector<16xi32>
        %add3A_121 = vector.broadcast %add3A_100 : i32 to vector<16xi32>
        %add3A_122 = arith.addi %sub3A_120, %add3A_121 : vector<16xi32>
        %swap3A_123 = arith.index_cast %mul3A_109 : i32 to index
        %swap3A_124 = tpu.vector_load %arg8[%swap3A_123] {strides = array<i32>} : memref<4096xi32, #tpu.memory_space<vmem>>, vector<16xi32>,
        tpu.vector_store %arg8[%swap3A_123], %add3A_122 {strides = array<i32>} : memref<4096xi32, #tpu.memory_space<vmem>>, vector<16xi32>,
        %sub3A_125 = arith.subi %masked_cumsum3A_119, %get3A_113 : vector<16xi32>
        %add3A_126 = vector.broadcast %add3A_105 : i32 to vector<16xi32>
        %add3A_127 = arith.addi %sub3A_125, %add3A_126 : vector<16xi32>
        %swap3A_128 = arith.index_cast %mul3A_109 : i32 to index
        %swap3A_129 = tpu.vector_load %arg9[%swap3A_128] {strides = array<i32>} : memref<4096xi32, #tpu.memory_space<vmem>>, vector<16xi32>,
        tpu.vector_store %arg9[%swap3A_128], %add3A_127 {strides = array<i32>} : memref<4096xi32, #tpu.memory_space<vmem>>, vector<16xi32>,
        %reduce_sum3A_130 = arith.constant true
        %reduce_sum3A_131 = vector.broadcast %reduce_sum3A_130 : i1 to vector<16xi1>
        %reduce_sum3A_132 = tpu.scan <sum>, %get3A_111 masked %reduce_sum3A_131 : vector<16xi32>, vector<16xi1> -> vector<16xi32>
        %reduce_sum3A_133 = vector.extract %reduce_sum3A_132[15] : i32 from vector<16xi32>
        %add3A_134 = arith.addi %add3A_100, %reduce_sum3A_133 : i32
        %reduce_sum3A_135 = arith.constant true
        %reduce_sum3A_136 = vector.broadcast %reduce_sum3A_135 : i1 to vector<16xi1>
        %reduce_sum3A_137 = tpu.scan <sum>, %get3A_113 masked %reduce_sum3A_136 : vector<16xi32>, vector<16xi1> -> vector<16xi32>
        %reduce_sum3A_138 = vector.extract %reduce_sum3A_137[15] : i32 from vector<16xi32>
        %add3A_139 = arith.addi %add3A_105, %reduce_sum3A_138 : i32
        scf.yield %add3A_134, %add3A_139 : i32, i32
      }
      %scan3A_10 = arith.constant 256 : i32
      "tpu.region"() ({
        %run_scoped3A = tpu.sem_alloc : memref<!tpu.dma_semaphore, #tpu.memory_space<semaphore_mem>>
        tpu.enqueue_dma source(%arg8 : memref<4096xi32, #tpu.memory_space<vmem>>) target(%arg4 : memref<4096xi32, #tpu.memory_space<hbm>>) target_semaphore(%run_scoped3A : memref<!tpu.dma_semaphore, #tpu.memory_space<semaphore_mem>>)
        tpu.wait_dma2 semaphore(%run_scoped3A : memref<!tpu.dma_semaphore, #tpu.memory_space<semaphore_mem>>) src(%arg8 : memref<4096xi32, #tpu.memory_space<vmem>>) dst(%arg4 : memref<4096xi32, #tpu.memory_space<hbm>>)
        tpu.yield
      }) : () -> ()
      "tpu.region"() ({
        %run_scoped3A = tpu.sem_alloc : memref<!tpu.dma_semaphore, #tpu.memory_space<semaphore_mem>>
        tpu.enqueue_dma source(%arg9 : memref<4096xi32, #tpu.memory_space<vmem>>) target(%arg5 : memref<4096xi32, #tpu.memory_space<hbm>>) target_semaphore(%run_scoped3A : memref<!tpu.dma_semaphore, #tpu.memory_space<semaphore_mem>>)
        tpu.wait_dma2 semaphore(%run_scoped3A : memref<!tpu.dma_semaphore, #tpu.memory_space<semaphore_mem>>) src(%arg9 : memref<4096xi32, #tpu.memory_space<vmem>>) dst(%arg5 : memref<4096xi32, #tpu.memory_space<hbm>>)
        tpu.yield
      }) : () -> ()
    } else {
    }
    return
  }
}

#map = affine_map<(d0, d1) -> (0)>
module attributes {stable_mosaic.version = 14 : i64} {
  func.func @_masks_body(%arg0: i32, %arg1: i32, %arg2: memref<4096xf32, #tpu.memory_space<hbm>>, %arg3: memref<4096xf32, #tpu.memory_space<hbm>>, %arg4: memref<4096xi32, #tpu.memory_space<hbm>>, %arg5: memref<4096xi32, #tpu.memory_space<hbm>>, %arg6: memref<4096xi32, #tpu.memory_space<hbm>>, %arg7: memref<4096xi32, #tpu.memory_space<hbm>>, %arg8: memref<4096xi32, #tpu.memory_space<hbm>>, %arg9: memref<4096xi32, #tpu.memory_space<hbm>>, %arg10: memref<4096xf32, #tpu.memory_space<hbm>>, %arg11: memref<4096xf32, #tpu.memory_space<hbm>>, %arg12: memref<4096xf32, #tpu.memory_space<hbm>>, %arg13: memref<4096xf32, #tpu.memory_space<hbm>>, %arg14: memref<4096xf32, #tpu.memory_space<vmem>>, %arg15: memref<4096xf32, #tpu.memory_space<vmem>>, %arg16: memref<4096xi32, #tpu.memory_space<vmem>>, %arg17: memref<4096xi32, #tpu.memory_space<vmem>>, %arg18: memref<4096xi32, #tpu.memory_space<vmem>>, %arg19: memref<4096xi32, #tpu.memory_space<vmem>>, %arg20: memref<4096xi32, #tpu.memory_space<vmem>>, %arg21: memref<4096xi32, #tpu.memory_space<vmem>>, %arg22: memref<4096xf32, #tpu.memory_space<vmem>>, %arg23: memref<4096xf32, #tpu.memory_space<vmem>>, %arg24: memref<4096xf32, #tpu.memory_space<vmem>>, %arg25: memref<4096xf32, #tpu.memory_space<vmem>>, %arg26: memref<4096xf32, #tpu.memory_space<vmem>>) attributes {dimension_semantics = [#tpu.dimension_semantics<core_parallel>, #tpu.dimension_semantics<subcore_parallel>], iteration_bounds = array<i64: 2, 16>, scalar_prefetch = 0 : i64, scratch_operands = 13 : i64, tpu.core_type = #tpu.core_type<sc_vector_subcore>, window_params = [{transform_indices = #map}, {transform_indices = #map}, {transform_indices = #map}, {transform_indices = #map}, {transform_indices = #map}, {transform_indices = #map}, {transform_indices = #map}, {transform_indices = #map}, {transform_indices = #map}, {transform_indices = #map}, {transform_indices = #map}, {transform_indices = #map}]} {
    %eq3A = arith.constant 0 : i32
    %eq3A_0 = arith.cmpi eq, %arg0, %eq3A : i32
    %eq3A_1 = arith.constant 0 : i32
    %eq3A_2 = arith.cmpi eq, %arg1, %eq3A_1 : i32
    %and3A = arith.andi %eq3A_0, %eq3A_2 : i1
    %convert_element_type3A = arith.extui %and3A : i1 to i32
    %cond3A = arith.constant 0 : i32
    %cond3A_3 = arith.cmpi ne, %convert_element_type3A, %cond3A : i32
    scf.if %cond3A_3 {
      "tpu.region"() ({
        %run_scoped3A = tpu.sem_alloc : memref<!tpu.dma_semaphore, #tpu.memory_space<semaphore_mem>>
        tpu.enqueue_dma source(%arg2 : memref<4096xf32, #tpu.memory_space<hbm>>) target(%arg14 : memref<4096xf32, #tpu.memory_space<vmem>>) target_semaphore(%run_scoped3A : memref<!tpu.dma_semaphore, #tpu.memory_space<semaphore_mem>>)
        tpu.wait_dma2 semaphore(%run_scoped3A : memref<!tpu.dma_semaphore, #tpu.memory_space<semaphore_mem>>) src(%arg2 : memref<4096xf32, #tpu.memory_space<hbm>>) dst(%arg14 : memref<4096xf32, #tpu.memory_space<vmem>>)
        tpu.yield
      }) : () -> ()
      "tpu.region"() ({
        %run_scoped3A = tpu.sem_alloc : memref<!tpu.dma_semaphore, #tpu.memory_space<semaphore_mem>>
        tpu.enqueue_dma source(%arg3 : memref<4096xf32, #tpu.memory_space<hbm>>) target(%arg15 : memref<4096xf32, #tpu.memory_space<vmem>>) target_semaphore(%run_scoped3A : memref<!tpu.dma_semaphore, #tpu.memory_space<semaphore_mem>>)
        tpu.wait_dma2 semaphore(%run_scoped3A : memref<!tpu.dma_semaphore, #tpu.memory_space<semaphore_mem>>) src(%arg3 : memref<4096xf32, #tpu.memory_space<hbm>>) dst(%arg15 : memref<4096xf32, #tpu.memory_space<vmem>>)
        tpu.yield
      }) : () -> ()
      "tpu.region"() ({
        %run_scoped3A = tpu.sem_alloc : memref<!tpu.dma_semaphore, #tpu.memory_space<semaphore_mem>>
        tpu.enqueue_dma source(%arg4 : memref<4096xi32, #tpu.memory_space<hbm>>) target(%arg16 : memref<4096xi32, #tpu.memory_space<vmem>>) target_semaphore(%run_scoped3A : memref<!tpu.dma_semaphore, #tpu.memory_space<semaphore_mem>>)
        tpu.wait_dma2 semaphore(%run_scoped3A : memref<!tpu.dma_semaphore, #tpu.memory_space<semaphore_mem>>) src(%arg4 : memref<4096xi32, #tpu.memory_space<hbm>>) dst(%arg16 : memref<4096xi32, #tpu.memory_space<vmem>>)
        tpu.yield
      }) : () -> ()
      "tpu.region"() ({
        %run_scoped3A = tpu.sem_alloc : memref<!tpu.dma_semaphore, #tpu.memory_space<semaphore_mem>>
        tpu.enqueue_dma source(%arg5 : memref<4096xi32, #tpu.memory_space<hbm>>) target(%arg17 : memref<4096xi32, #tpu.memory_space<vmem>>) target_semaphore(%run_scoped3A : memref<!tpu.dma_semaphore, #tpu.memory_space<semaphore_mem>>)
        tpu.wait_dma2 semaphore(%run_scoped3A : memref<!tpu.dma_semaphore, #tpu.memory_space<semaphore_mem>>) src(%arg5 : memref<4096xi32, #tpu.memory_space<hbm>>) dst(%arg17 : memref<4096xi32, #tpu.memory_space<vmem>>)
        tpu.yield
      }) : () -> ()
      "tpu.region"() ({
        %run_scoped3A = tpu.sem_alloc : memref<!tpu.dma_semaphore, #tpu.memory_space<semaphore_mem>>
        tpu.enqueue_dma source(%arg6 : memref<4096xi32, #tpu.memory_space<hbm>>) target(%arg18 : memref<4096xi32, #tpu.memory_space<vmem>>) target_semaphore(%run_scoped3A : memref<!tpu.dma_semaphore, #tpu.memory_space<semaphore_mem>>)
        tpu.wait_dma2 semaphore(%run_scoped3A : memref<!tpu.dma_semaphore, #tpu.memory_space<semaphore_mem>>) src(%arg6 : memref<4096xi32, #tpu.memory_space<hbm>>) dst(%arg18 : memref<4096xi32, #tpu.memory_space<vmem>>)
        tpu.yield
      }) : () -> ()
      "tpu.region"() ({
        %run_scoped3A = tpu.sem_alloc : memref<!tpu.dma_semaphore, #tpu.memory_space<semaphore_mem>>
        tpu.enqueue_dma source(%arg7 : memref<4096xi32, #tpu.memory_space<hbm>>) target(%arg19 : memref<4096xi32, #tpu.memory_space<vmem>>) target_semaphore(%run_scoped3A : memref<!tpu.dma_semaphore, #tpu.memory_space<semaphore_mem>>)
        tpu.wait_dma2 semaphore(%run_scoped3A : memref<!tpu.dma_semaphore, #tpu.memory_space<semaphore_mem>>) src(%arg7 : memref<4096xi32, #tpu.memory_space<hbm>>) dst(%arg19 : memref<4096xi32, #tpu.memory_space<vmem>>)
        tpu.yield
      }) : () -> ()
      "tpu.region"() ({
        %run_scoped3A = tpu.sem_alloc : memref<!tpu.dma_semaphore, #tpu.memory_space<semaphore_mem>>
        tpu.enqueue_dma source(%arg8 : memref<4096xi32, #tpu.memory_space<hbm>>) target(%arg20 : memref<4096xi32, #tpu.memory_space<vmem>>) target_semaphore(%run_scoped3A : memref<!tpu.dma_semaphore, #tpu.memory_space<semaphore_mem>>)
        tpu.wait_dma2 semaphore(%run_scoped3A : memref<!tpu.dma_semaphore, #tpu.memory_space<semaphore_mem>>) src(%arg8 : memref<4096xi32, #tpu.memory_space<hbm>>) dst(%arg20 : memref<4096xi32, #tpu.memory_space<vmem>>)
        tpu.yield
      }) : () -> ()
      "tpu.region"() ({
        %run_scoped3A = tpu.sem_alloc : memref<!tpu.dma_semaphore, #tpu.memory_space<semaphore_mem>>
        tpu.enqueue_dma source(%arg9 : memref<4096xi32, #tpu.memory_space<hbm>>) target(%arg21 : memref<4096xi32, #tpu.memory_space<vmem>>) target_semaphore(%run_scoped3A : memref<!tpu.dma_semaphore, #tpu.memory_space<semaphore_mem>>)
        tpu.wait_dma2 semaphore(%run_scoped3A : memref<!tpu.dma_semaphore, #tpu.memory_space<semaphore_mem>>) src(%arg9 : memref<4096xi32, #tpu.memory_space<hbm>>) dst(%arg21 : memref<4096xi32, #tpu.memory_space<vmem>>)
        tpu.yield
      }) : () -> ()
      %broadcast_in_dim3A = arith.constant 0.000000e+00 : f32
      %broadcast_in_dim3A_4 = vector.broadcast %broadcast_in_dim3A : f32 to vector<16xf32>
      %scan3A = arith.constant 0 : i32
      %scan3A_5 = arith.constant 0 : i32
      %scan3A_6 = arith.constant 256 : i32
      %scan3A_7 = arith.addi %scan3A_5, %scan3A_6 : i32
      %scan3A_8 = arith.constant 8 : i32
      %scan3A_9 = scf.for %scan3A_27 = %scan3A_5 to %scan3A_7 step %scan3A_8 iter_args(%scan3A_28 = %scan3A) -> (i32)  : i32 {
        %mul3A = arith.constant 16 : i32
        %mul3A_29 = arith.muli %scan3A_27, %mul3A : i32
        %swap3A = arith.index_cast %mul3A_29 : i32 to index
        %swap3A_30 = tpu.vector_load %arg25[%swap3A] {strides = array<i32>} : memref<4096xf32, #tpu.memory_space<vmem>>, vector<16xf32>,
        tpu.vector_store %arg25[%swap3A], %broadcast_in_dim3A_4 {strides = array<i32>} : memref<4096xf32, #tpu.memory_space<vmem>>, vector<16xf32>,
        %swap3A_31 = arith.index_cast %mul3A_29 : i32 to index
        %swap3A_32 = tpu.vector_load %arg26[%swap3A_31] {strides = array<i32>} : memref<4096xf32, #tpu.memory_space<vmem>>, vector<16xf32>,
        tpu.vector_store %arg26[%swap3A_31], %broadcast_in_dim3A_4 {strides = array<i32>} : memref<4096xf32, #tpu.memory_space<vmem>>, vector<16xf32>,
        %scan3A_33 = arith.constant 0 : i32
        %scan3A_34 = arith.constant 1 : i32
        %scan3A_35 = arith.addi %scan3A_27, %scan3A_34 : i32
        %mul3A_36 = arith.constant 16 : i32
        %mul3A_37 = arith.muli %scan3A_35, %mul3A_36 : i32
        %swap3A_38 = arith.index_cast %mul3A_37 : i32 to index
        %swap3A_39 = tpu.vector_load %arg25[%swap3A_38] {strides = array<i32>} : memref<4096xf32, #tpu.memory_space<vmem>>, vector<16xf32>,
        tpu.vector_store %arg25[%swap3A_38], %broadcast_in_dim3A_4 {strides = array<i32>} : memref<4096xf32, #tpu.memory_space<vmem>>, vector<16xf32>,
        %swap3A_40 = arith.index_cast %mul3A_37 : i32 to index
        %swap3A_41 = tpu.vector_load %arg26[%swap3A_40] {strides = array<i32>} : memref<4096xf32, #tpu.memory_space<vmem>>, vector<16xf32>,
        tpu.vector_store %arg26[%swap3A_40], %broadcast_in_dim3A_4 {strides = array<i32>} : memref<4096xf32, #tpu.memory_space<vmem>>, vector<16xf32>,
        %scan3A_42 = arith.constant 0 : i32
        %scan3A_43 = arith.constant 2 : i32
        %scan3A_44 = arith.addi %scan3A_27, %scan3A_43 : i32
        %mul3A_45 = arith.constant 16 : i32
        %mul3A_46 = arith.muli %scan3A_44, %mul3A_45 : i32
        %swap3A_47 = arith.index_cast %mul3A_46 : i32 to index
        %swap3A_48 = tpu.vector_load %arg25[%swap3A_47] {strides = array<i32>} : memref<4096xf32, #tpu.memory_space<vmem>>, vector<16xf32>,
        tpu.vector_store %arg25[%swap3A_47], %broadcast_in_dim3A_4 {strides = array<i32>} : memref<4096xf32, #tpu.memory_space<vmem>>, vector<16xf32>,
        %swap3A_49 = arith.index_cast %mul3A_46 : i32 to index
        %swap3A_50 = tpu.vector_load %arg26[%swap3A_49] {strides = array<i32>} : memref<4096xf32, #tpu.memory_space<vmem>>, vector<16xf32>,
        tpu.vector_store %arg26[%swap3A_49], %broadcast_in_dim3A_4 {strides = array<i32>} : memref<4096xf32, #tpu.memory_space<vmem>>, vector<16xf32>,
        %scan3A_51 = arith.constant 0 : i32
        %scan3A_52 = arith.constant 3 : i32
        %scan3A_53 = arith.addi %scan3A_27, %scan3A_52 : i32
        %mul3A_54 = arith.constant 16 : i32
        %mul3A_55 = arith.muli %scan3A_53, %mul3A_54 : i32
        %swap3A_56 = arith.index_cast %mul3A_55 : i32 to index
        %swap3A_57 = tpu.vector_load %arg25[%swap3A_56] {strides = array<i32>} : memref<4096xf32, #tpu.memory_space<vmem>>, vector<16xf32>,
        tpu.vector_store %arg25[%swap3A_56], %broadcast_in_dim3A_4 {strides = array<i32>} : memref<4096xf32, #tpu.memory_space<vmem>>, vector<16xf32>,
        %swap3A_58 = arith.index_cast %mul3A_55 : i32 to index
        %swap3A_59 = tpu.vector_load %arg26[%swap3A_58] {strides = array<i32>} : memref<4096xf32, #tpu.memory_space<vmem>>, vector<16xf32>,
        tpu.vector_store %arg26[%swap3A_58], %broadcast_in_dim3A_4 {strides = array<i32>} : memref<4096xf32, #tpu.memory_space<vmem>>, vector<16xf32>,
        %scan3A_60 = arith.constant 0 : i32
        %scan3A_61 = arith.constant 4 : i32
        %scan3A_62 = arith.addi %scan3A_27, %scan3A_61 : i32
        %mul3A_63 = arith.constant 16 : i32
        %mul3A_64 = arith.muli %scan3A_62, %mul3A_63 : i32
        %swap3A_65 = arith.index_cast %mul3A_64 : i32 to index
        %swap3A_66 = tpu.vector_load %arg25[%swap3A_65] {strides = array<i32>} : memref<4096xf32, #tpu.memory_space<vmem>>, vector<16xf32>,
        tpu.vector_store %arg25[%swap3A_65], %broadcast_in_dim3A_4 {strides = array<i32>} : memref<4096xf32, #tpu.memory_space<vmem>>, vector<16xf32>,
        %swap3A_67 = arith.index_cast %mul3A_64 : i32 to index
        %swap3A_68 = tpu.vector_load %arg26[%swap3A_67] {strides = array<i32>} : memref<4096xf32, #tpu.memory_space<vmem>>, vector<16xf32>,
        tpu.vector_store %arg26[%swap3A_67], %broadcast_in_dim3A_4 {strides = array<i32>} : memref<4096xf32, #tpu.memory_space<vmem>>, vector<16xf32>,
        %scan3A_69 = arith.constant 0 : i32
        %scan3A_70 = arith.constant 5 : i32
        %scan3A_71 = arith.addi %scan3A_27, %scan3A_70 : i32
        %mul3A_72 = arith.constant 16 : i32
        %mul3A_73 = arith.muli %scan3A_71, %mul3A_72 : i32
        %swap3A_74 = arith.index_cast %mul3A_73 : i32 to index
        %swap3A_75 = tpu.vector_load %arg25[%swap3A_74] {strides = array<i32>} : memref<4096xf32, #tpu.memory_space<vmem>>, vector<16xf32>,
        tpu.vector_store %arg25[%swap3A_74], %broadcast_in_dim3A_4 {strides = array<i32>} : memref<4096xf32, #tpu.memory_space<vmem>>, vector<16xf32>,
        %swap3A_76 = arith.index_cast %mul3A_73 : i32 to index
        %swap3A_77 = tpu.vector_load %arg26[%swap3A_76] {strides = array<i32>} : memref<4096xf32, #tpu.memory_space<vmem>>, vector<16xf32>,
        tpu.vector_store %arg26[%swap3A_76], %broadcast_in_dim3A_4 {strides = array<i32>} : memref<4096xf32, #tpu.memory_space<vmem>>, vector<16xf32>,
        %scan3A_78 = arith.constant 0 : i32
        %scan3A_79 = arith.constant 6 : i32
        %scan3A_80 = arith.addi %scan3A_27, %scan3A_79 : i32
        %mul3A_81 = arith.constant 16 : i32
        %mul3A_82 = arith.muli %scan3A_80, %mul3A_81 : i32
        %swap3A_83 = arith.index_cast %mul3A_82 : i32 to index
        %swap3A_84 = tpu.vector_load %arg25[%swap3A_83] {strides = array<i32>} : memref<4096xf32, #tpu.memory_space<vmem>>, vector<16xf32>,
        tpu.vector_store %arg25[%swap3A_83], %broadcast_in_dim3A_4 {strides = array<i32>} : memref<4096xf32, #tpu.memory_space<vmem>>, vector<16xf32>,
        %swap3A_85 = arith.index_cast %mul3A_82 : i32 to index
        %swap3A_86 = tpu.vector_load %arg26[%swap3A_85] {strides = array<i32>} : memref<4096xf32, #tpu.memory_space<vmem>>, vector<16xf32>,
        tpu.vector_store %arg26[%swap3A_85], %broadcast_in_dim3A_4 {strides = array<i32>} : memref<4096xf32, #tpu.memory_space<vmem>>, vector<16xf32>,
        %scan3A_87 = arith.constant 0 : i32
        %scan3A_88 = arith.constant 7 : i32
        %scan3A_89 = arith.addi %scan3A_27, %scan3A_88 : i32
        %mul3A_90 = arith.constant 16 : i32
        %mul3A_91 = arith.muli %scan3A_89, %mul3A_90 : i32
        %swap3A_92 = arith.index_cast %mul3A_91 : i32 to index
        %swap3A_93 = tpu.vector_load %arg25[%swap3A_92] {strides = array<i32>} : memref<4096xf32, #tpu.memory_space<vmem>>, vector<16xf32>,
        tpu.vector_store %arg25[%swap3A_92], %broadcast_in_dim3A_4 {strides = array<i32>} : memref<4096xf32, #tpu.memory_space<vmem>>, vector<16xf32>,
        %swap3A_94 = arith.index_cast %mul3A_91 : i32 to index
        %swap3A_95 = tpu.vector_load %arg26[%swap3A_94] {strides = array<i32>} : memref<4096xf32, #tpu.memory_space<vmem>>, vector<16xf32>,
        tpu.vector_store %arg26[%swap3A_94], %broadcast_in_dim3A_4 {strides = array<i32>} : memref<4096xf32, #tpu.memory_space<vmem>>, vector<16xf32>,
        %scan3A_96 = arith.constant 0 : i32
        scf.yield %scan3A_96 : i32
      }
      %scan3A_10 = arith.constant 256 : i32
      %broadcast_in_dim3A_11 = arith.constant 1.000000e+00 : f32
      %broadcast_in_dim3A_12 = vector.broadcast %broadcast_in_dim3A_11 : f32 to vector<16xf32>
      %scan3A_13 = arith.constant 0 : i32
      %scan3A_14 = arith.constant 0 : i32
      %scan3A_15 = arith.constant 256 : i32
      %scan3A_16 = arith.addi %scan3A_14, %scan3A_15 : i32
      %scan3A_17 = arith.constant 4 : i32
      %scan3A_18 = scf.for %scan3A_27 = %scan3A_14 to %scan3A_16 step %scan3A_17 iter_args(%scan3A_28 = %scan3A_13) -> (i32)  : i32 {
        %mul3A = arith.constant 16 : i32
        %mul3A_29 = arith.muli %scan3A_27, %mul3A : i32
        %get3A = arith.index_cast %mul3A_29 : i32 to index
        %get3A_30 = tpu.vector_load %arg18[%get3A] {strides = array<i32>} : memref<4096xi32, #tpu.memory_space<vmem>>, vector<16xi32>,
        %get3A_31 = arith.index_cast %mul3A_29 : i32 to index
        %get3A_32 = tpu.vector_load %arg19[%get3A_31] {strides = array<i32>} : memref<4096xi32, #tpu.memory_space<vmem>>, vector<16xi32>,
        %get3A_33 = arith.index_cast %mul3A_29 : i32 to index
        %get3A_34 = tpu.vector_load %arg21[%get3A_33] {strides = array<i32>} : memref<4096xi32, #tpu.memory_space<vmem>>, vector<16xi32>,
        %get3A_35 = arith.index_cast %mul3A_29 : i32 to index
        %get3A_36 = tpu.vector_load %arg15[%get3A_35] {strides = array<i32>} : memref<4096xf32, #tpu.memory_space<vmem>>, vector<16xf32>,
        %eq3A_37 = arith.constant 1 : i32
        %eq3A_38 = vector.broadcast %eq3A_37 : i32 to vector<16xi32>
        %eq3A_39 = arith.cmpi eq, %get3A_32, %eq3A_38 : vector<16xi32>
        tpu.vector_store_idx %arg22[%get3A_34], %get3A_36 masked %eq3A_39 : memref<4096xf32, #tpu.memory_space<vmem>>[vector<16xi32>], vector<16xf32>, vector<16xi1>
        %get3A_40 = arith.index_cast %mul3A_29 : i32 to index
        %get3A_41 = tpu.vector_load %arg16[%get3A_40] {strides = array<i32>} : memref<4096xi32, #tpu.memory_space<vmem>>, vector<16xi32>,
        %eq3A_42 = arith.constant 1 : i32
        %eq3A_43 = vector.broadcast %eq3A_42 : i32 to vector<16xi32>
        %eq3A_44 = arith.cmpi eq, %get3A_30, %eq3A_43 : vector<16xi32>
        tpu.vector_store_idx %arg25[%get3A_41], %broadcast_in_dim3A_12 masked %eq3A_44 : memref<4096xf32, #tpu.memory_space<vmem>>[vector<16xi32>], vector<16xf32>, vector<16xi1>
        %get3A_45 = arith.index_cast %mul3A_29 : i32 to index
        %get3A_46 = tpu.vector_load %arg17[%get3A_45] {strides = array<i32>} : memref<4096xi32, #tpu.memory_space<vmem>>, vector<16xi32>,
        %eq3A_47 = arith.constant 1 : i32
        %eq3A_48 = vector.broadcast %eq3A_47 : i32 to vector<16xi32>
        %eq3A_49 = arith.cmpi eq, %get3A_32, %eq3A_48 : vector<16xi32>
        tpu.vector_store_idx %arg26[%get3A_46], %broadcast_in_dim3A_12 masked %eq3A_49 : memref<4096xf32, #tpu.memory_space<vmem>>[vector<16xi32>], vector<16xf32>, vector<16xi1>
        %scan3A_50 = arith.constant 0 : i32
        %scan3A_51 = arith.constant 1 : i32
        %scan3A_52 = arith.addi %scan3A_27, %scan3A_51 : i32
        %mul3A_53 = arith.constant 16 : i32
        %mul3A_54 = arith.muli %scan3A_52, %mul3A_53 : i32
        %get3A_55 = arith.index_cast %mul3A_54 : i32 to index
        %get3A_56 = tpu.vector_load %arg18[%get3A_55] {strides = array<i32>} : memref<4096xi32, #tpu.memory_space<vmem>>, vector<16xi32>,
        %get3A_57 = arith.index_cast %mul3A_54 : i32 to index
        %get3A_58 = tpu.vector_load %arg19[%get3A_57] {strides = array<i32>} : memref<4096xi32, #tpu.memory_space<vmem>>, vector<16xi32>,
        %get3A_59 = arith.index_cast %mul3A_54 : i32 to index
        %get3A_60 = tpu.vector_load %arg21[%get3A_59] {strides = array<i32>} : memref<4096xi32, #tpu.memory_space<vmem>>, vector<16xi32>,
        %get3A_61 = arith.index_cast %mul3A_54 : i32 to index
        %get3A_62 = tpu.vector_load %arg15[%get3A_61] {strides = array<i32>} : memref<4096xf32, #tpu.memory_space<vmem>>, vector<16xf32>,
        %eq3A_63 = arith.constant 1 : i32
        %eq3A_64 = vector.broadcast %eq3A_63 : i32 to vector<16xi32>
        %eq3A_65 = arith.cmpi eq, %get3A_58, %eq3A_64 : vector<16xi32>
        tpu.vector_store_idx %arg22[%get3A_60], %get3A_62 masked %eq3A_65 : memref<4096xf32, #tpu.memory_space<vmem>>[vector<16xi32>], vector<16xf32>, vector<16xi1>
        %get3A_66 = arith.index_cast %mul3A_54 : i32 to index
        %get3A_67 = tpu.vector_load %arg16[%get3A_66] {strides = array<i32>} : memref<4096xi32, #tpu.memory_space<vmem>>, vector<16xi32>,
        %eq3A_68 = arith.constant 1 : i32
        %eq3A_69 = vector.broadcast %eq3A_68 : i32 to vector<16xi32>
        %eq3A_70 = arith.cmpi eq, %get3A_56, %eq3A_69 : vector<16xi32>
        tpu.vector_store_idx %arg25[%get3A_67], %broadcast_in_dim3A_12 masked %eq3A_70 : memref<4096xf32, #tpu.memory_space<vmem>>[vector<16xi32>], vector<16xf32>, vector<16xi1>
        %get3A_71 = arith.index_cast %mul3A_54 : i32 to index
        %get3A_72 = tpu.vector_load %arg17[%get3A_71] {strides = array<i32>} : memref<4096xi32, #tpu.memory_space<vmem>>, vector<16xi32>,
        %eq3A_73 = arith.constant 1 : i32
        %eq3A_74 = vector.broadcast %eq3A_73 : i32 to vector<16xi32>
        %eq3A_75 = arith.cmpi eq, %get3A_58, %eq3A_74 : vector<16xi32>
        tpu.vector_store_idx %arg26[%get3A_72], %broadcast_in_dim3A_12 masked %eq3A_75 : memref<4096xf32, #tpu.memory_space<vmem>>[vector<16xi32>], vector<16xf32>, vector<16xi1>
        %scan3A_76 = arith.constant 0 : i32
        %scan3A_77 = arith.constant 2 : i32
        %scan3A_78 = arith.addi %scan3A_27, %scan3A_77 : i32
        %mul3A_79 = arith.constant 16 : i32
        %mul3A_80 = arith.muli %scan3A_78, %mul3A_79 : i32
        %get3A_81 = arith.index_cast %mul3A_80 : i32 to index
        %get3A_82 = tpu.vector_load %arg18[%get3A_81] {strides = array<i32>} : memref<4096xi32, #tpu.memory_space<vmem>>, vector<16xi32>,
        %get3A_83 = arith.index_cast %mul3A_80 : i32 to index
        %get3A_84 = tpu.vector_load %arg19[%get3A_83] {strides = array<i32>} : memref<4096xi32, #tpu.memory_space<vmem>>, vector<16xi32>,
        %get3A_85 = arith.index_cast %mul3A_80 : i32 to index
        %get3A_86 = tpu.vector_load %arg21[%get3A_85] {strides = array<i32>} : memref<4096xi32, #tpu.memory_space<vmem>>, vector<16xi32>,
        %get3A_87 = arith.index_cast %mul3A_80 : i32 to index
        %get3A_88 = tpu.vector_load %arg15[%get3A_87] {strides = array<i32>} : memref<4096xf32, #tpu.memory_space<vmem>>, vector<16xf32>,
        %eq3A_89 = arith.constant 1 : i32
        %eq3A_90 = vector.broadcast %eq3A_89 : i32 to vector<16xi32>
        %eq3A_91 = arith.cmpi eq, %get3A_84, %eq3A_90 : vector<16xi32>
        tpu.vector_store_idx %arg22[%get3A_86], %get3A_88 masked %eq3A_91 : memref<4096xf32, #tpu.memory_space<vmem>>[vector<16xi32>], vector<16xf32>, vector<16xi1>
        %get3A_92 = arith.index_cast %mul3A_80 : i32 to index
        %get3A_93 = tpu.vector_load %arg16[%get3A_92] {strides = array<i32>} : memref<4096xi32, #tpu.memory_space<vmem>>, vector<16xi32>,
        %eq3A_94 = arith.constant 1 : i32
        %eq3A_95 = vector.broadcast %eq3A_94 : i32 to vector<16xi32>
        %eq3A_96 = arith.cmpi eq, %get3A_82, %eq3A_95 : vector<16xi32>
        tpu.vector_store_idx %arg25[%get3A_93], %broadcast_in_dim3A_12 masked %eq3A_96 : memref<4096xf32, #tpu.memory_space<vmem>>[vector<16xi32>], vector<16xf32>, vector<16xi1>
        %get3A_97 = arith.index_cast %mul3A_80 : i32 to index
        %get3A_98 = tpu.vector_load %arg17[%get3A_97] {strides = array<i32>} : memref<4096xi32, #tpu.memory_space<vmem>>, vector<16xi32>,
        %eq3A_99 = arith.constant 1 : i32
        %eq3A_100 = vector.broadcast %eq3A_99 : i32 to vector<16xi32>
        %eq3A_101 = arith.cmpi eq, %get3A_84, %eq3A_100 : vector<16xi32>
        tpu.vector_store_idx %arg26[%get3A_98], %broadcast_in_dim3A_12 masked %eq3A_101 : memref<4096xf32, #tpu.memory_space<vmem>>[vector<16xi32>], vector<16xf32>, vector<16xi1>
        %scan3A_102 = arith.constant 0 : i32
        %scan3A_103 = arith.constant 3 : i32
        %scan3A_104 = arith.addi %scan3A_27, %scan3A_103 : i32
        %mul3A_105 = arith.constant 16 : i32
        %mul3A_106 = arith.muli %scan3A_104, %mul3A_105 : i32
        %get3A_107 = arith.index_cast %mul3A_106 : i32 to index
        %get3A_108 = tpu.vector_load %arg18[%get3A_107] {strides = array<i32>} : memref<4096xi32, #tpu.memory_space<vmem>>, vector<16xi32>,
        %get3A_109 = arith.index_cast %mul3A_106 : i32 to index
        %get3A_110 = tpu.vector_load %arg19[%get3A_109] {strides = array<i32>} : memref<4096xi32, #tpu.memory_space<vmem>>, vector<16xi32>,
        %get3A_111 = arith.index_cast %mul3A_106 : i32 to index
        %get3A_112 = tpu.vector_load %arg21[%get3A_111] {strides = array<i32>} : memref<4096xi32, #tpu.memory_space<vmem>>, vector<16xi32>,
        %get3A_113 = arith.index_cast %mul3A_106 : i32 to index
        %get3A_114 = tpu.vector_load %arg15[%get3A_113] {strides = array<i32>} : memref<4096xf32, #tpu.memory_space<vmem>>, vector<16xf32>,
        %eq3A_115 = arith.constant 1 : i32
        %eq3A_116 = vector.broadcast %eq3A_115 : i32 to vector<16xi32>
        %eq3A_117 = arith.cmpi eq, %get3A_110, %eq3A_116 : vector<16xi32>
        tpu.vector_store_idx %arg22[%get3A_112], %get3A_114 masked %eq3A_117 : memref<4096xf32, #tpu.memory_space<vmem>>[vector<16xi32>], vector<16xf32>, vector<16xi1>
        %get3A_118 = arith.index_cast %mul3A_106 : i32 to index
        %get3A_119 = tpu.vector_load %arg16[%get3A_118] {strides = array<i32>} : memref<4096xi32, #tpu.memory_space<vmem>>, vector<16xi32>,
        %eq3A_120 = arith.constant 1 : i32
        %eq3A_121 = vector.broadcast %eq3A_120 : i32 to vector<16xi32>
        %eq3A_122 = arith.cmpi eq, %get3A_108, %eq3A_121 : vector<16xi32>
        tpu.vector_store_idx %arg25[%get3A_119], %broadcast_in_dim3A_12 masked %eq3A_122 : memref<4096xf32, #tpu.memory_space<vmem>>[vector<16xi32>], vector<16xf32>, vector<16xi1>
        %get3A_123 = arith.index_cast %mul3A_106 : i32 to index
        %get3A_124 = tpu.vector_load %arg17[%get3A_123] {strides = array<i32>} : memref<4096xi32, #tpu.memory_space<vmem>>, vector<16xi32>,
        %eq3A_125 = arith.constant 1 : i32
        %eq3A_126 = vector.broadcast %eq3A_125 : i32 to vector<16xi32>
        %eq3A_127 = arith.cmpi eq, %get3A_110, %eq3A_126 : vector<16xi32>
        tpu.vector_store_idx %arg26[%get3A_124], %broadcast_in_dim3A_12 masked %eq3A_127 : memref<4096xf32, #tpu.memory_space<vmem>>[vector<16xi32>], vector<16xf32>, vector<16xi1>
        %scan3A_128 = arith.constant 0 : i32
        scf.yield %scan3A_128 : i32
      }
      %scan3A_19 = arith.constant 256 : i32
      %scan3A_20 = arith.constant 0 : i32
      %scan3A_21 = arith.constant 0 : i32
      %scan3A_22 = arith.constant 256 : i32
      %scan3A_23 = arith.addi %scan3A_21, %scan3A_22 : i32
      %scan3A_24 = arith.constant 4 : i32
      %scan3A_25 = scf.for %scan3A_27 = %scan3A_21 to %scan3A_23 step %scan3A_24 iter_args(%scan3A_28 = %scan3A_20) -> (i32)  : i32 {
        %mul3A = arith.constant 16 : i32
        %mul3A_29 = arith.muli %scan3A_27, %mul3A : i32
        %get3A = arith.index_cast %mul3A_29 : i32 to index
        %get3A_30 = tpu.vector_load %arg20[%get3A] {strides = array<i32>} : memref<4096xi32, #tpu.memory_space<vmem>>, vector<16xi32>,
        %gather3A = tpu.vector_load_idx %arg22[%get3A_30] : memref<4096xf32, #tpu.memory_space<vmem>>[vector<16xi32>], vector<16xf32>,
        %get3A_31 = arith.index_cast %mul3A_29 : i32 to index
        %get3A_32 = tpu.vector_load %arg14[%get3A_31] {strides = array<i32>} : memref<4096xf32, #tpu.memory_space<vmem>>, vector<16xf32>,
        %ge3A = arith.cmpf oge, %get3A_32, %gather3A : vector<16xf32>
        %get3A_33 = arith.index_cast %mul3A_29 : i32 to index
        %get3A_34 = tpu.vector_load %arg18[%get3A_33] {strides = array<i32>} : memref<4096xi32, #tpu.memory_space<vmem>>, vector<16xi32>,
        %iota3A = tpu.iota {dimensions = array<i32: 0>} : vector<16xi32>
        %mul3A_35 = arith.constant 16 : i32
        %mul3A_36 = arith.muli %scan3A_27, %mul3A_35 : i32
        %add3A = vector.broadcast %mul3A_36 : i32 to vector<16xi32>
        %add3A_37 = arith.addi %iota3A, %add3A : vector<16xi32>
        %eq3A_38 = arith.constant 1 : i32
        %eq3A_39 = vector.broadcast %eq3A_38 : i32 to vector<16xi32>
        %eq3A_40 = arith.cmpi eq, %get3A_34, %eq3A_39 : vector<16xi32>
        %ne3A = arith.constant 0 : i32
        %ne3A_41 = vector.broadcast %ne3A : i32 to vector<16xi32>
        %ne3A_42 = arith.cmpi ne, %add3A_37, %ne3A_41 : vector<16xi32>
        %and3A_43 = arith.andi %eq3A_40, %ne3A_42 : vector<16xi1>
        %and3A_44 = arith.andi %and3A_43, %ge3A : vector<16xi1>
        %jit3A = arith.constant 1.000000e+00 : f32
        %jit3A_45 = arith.constant 0.000000e+00 : f32
        %broadcast_in_dim3A_46 = vector.broadcast %jit3A : f32 to vector<16xf32>
        %broadcast_in_dim3A_47 = vector.broadcast %jit3A_45 : f32 to vector<16xf32>
        %select_n3A = arith.select %and3A_44, %broadcast_in_dim3A_46, %broadcast_in_dim3A_47 : vector<16xi1>, vector<16xf32>
        %swap3A = arith.index_cast %mul3A_29 : i32 to index
        %swap3A_48 = tpu.vector_load %arg23[%swap3A] {strides = array<i32>} : memref<4096xf32, #tpu.memory_space<vmem>>, vector<16xf32>,
        tpu.vector_store %arg23[%swap3A], %select_n3A {strides = array<i32>} : memref<4096xf32, #tpu.memory_space<vmem>>, vector<16xf32>,
        %not3A = arith.constant dense<true> : vector<16xi1>
        %not3A_49 = arith.xori %ge3A, %not3A : vector<16xi1>
        %and3A_50 = arith.andi %and3A_43, %not3A_49 : vector<16xi1>
        %jit3A_51 = arith.constant 1.000000e+00 : f32
        %jit3A_52 = arith.constant 0.000000e+00 : f32
        %broadcast_in_dim3A_53 = vector.broadcast %jit3A_51 : f32 to vector<16xf32>
        %broadcast_in_dim3A_54 = vector.broadcast %jit3A_52 : f32 to vector<16xf32>
        %select_n3A_55 = arith.select %and3A_50, %broadcast_in_dim3A_53, %broadcast_in_dim3A_54 : vector<16xi1>, vector<16xf32>
        %swap3A_56 = arith.index_cast %mul3A_29 : i32 to index
        %swap3A_57 = tpu.vector_load %arg24[%swap3A_56] {strides = array<i32>} : memref<4096xf32, #tpu.memory_space<vmem>>, vector<16xf32>,
        tpu.vector_store %arg24[%swap3A_56], %select_n3A_55 {strides = array<i32>} : memref<4096xf32, #tpu.memory_space<vmem>>, vector<16xf32>,
        %scan3A_58 = arith.constant 0 : i32
        %scan3A_59 = arith.constant 1 : i32
        %scan3A_60 = arith.addi %scan3A_27, %scan3A_59 : i32
        %mul3A_61 = arith.constant 16 : i32
        %mul3A_62 = arith.muli %scan3A_60, %mul3A_61 : i32
        %get3A_63 = arith.index_cast %mul3A_62 : i32 to index
        %get3A_64 = tpu.vector_load %arg20[%get3A_63] {strides = array<i32>} : memref<4096xi32, #tpu.memory_space<vmem>>, vector<16xi32>,
        %gather3A_65 = tpu.vector_load_idx %arg22[%get3A_64] : memref<4096xf32, #tpu.memory_space<vmem>>[vector<16xi32>], vector<16xf32>,
        %get3A_66 = arith.index_cast %mul3A_62 : i32 to index
        %get3A_67 = tpu.vector_load %arg14[%get3A_66] {strides = array<i32>} : memref<4096xf32, #tpu.memory_space<vmem>>, vector<16xf32>,
        %ge3A_68 = arith.cmpf oge, %get3A_67, %gather3A_65 : vector<16xf32>
        %get3A_69 = arith.index_cast %mul3A_62 : i32 to index
        %get3A_70 = tpu.vector_load %arg18[%get3A_69] {strides = array<i32>} : memref<4096xi32, #tpu.memory_space<vmem>>, vector<16xi32>,
        %iota3A_71 = tpu.iota {dimensions = array<i32: 0>} : vector<16xi32>
        %mul3A_72 = arith.constant 16 : i32
        %mul3A_73 = arith.muli %scan3A_60, %mul3A_72 : i32
        %add3A_74 = vector.broadcast %mul3A_73 : i32 to vector<16xi32>
        %add3A_75 = arith.addi %iota3A_71, %add3A_74 : vector<16xi32>
        %eq3A_76 = arith.constant 1 : i32
        %eq3A_77 = vector.broadcast %eq3A_76 : i32 to vector<16xi32>
        %eq3A_78 = arith.cmpi eq, %get3A_70, %eq3A_77 : vector<16xi32>
        %ne3A_79 = arith.constant 0 : i32
        %ne3A_80 = vector.broadcast %ne3A_79 : i32 to vector<16xi32>
        %ne3A_81 = arith.cmpi ne, %add3A_75, %ne3A_80 : vector<16xi32>
        %and3A_82 = arith.andi %eq3A_78, %ne3A_81 : vector<16xi1>
        %and3A_83 = arith.andi %and3A_82, %ge3A_68 : vector<16xi1>
        %jit3A_84 = arith.constant 1.000000e+00 : f32
        %jit3A_85 = arith.constant 0.000000e+00 : f32
        %broadcast_in_dim3A_86 = vector.broadcast %jit3A_84 : f32 to vector<16xf32>
        %broadcast_in_dim3A_87 = vector.broadcast %jit3A_85 : f32 to vector<16xf32>
        %select_n3A_88 = arith.select %and3A_83, %broadcast_in_dim3A_86, %broadcast_in_dim3A_87 : vector<16xi1>, vector<16xf32>
        %swap3A_89 = arith.index_cast %mul3A_62 : i32 to index
        %swap3A_90 = tpu.vector_load %arg23[%swap3A_89] {strides = array<i32>} : memref<4096xf32, #tpu.memory_space<vmem>>, vector<16xf32>,
        tpu.vector_store %arg23[%swap3A_89], %select_n3A_88 {strides = array<i32>} : memref<4096xf32, #tpu.memory_space<vmem>>, vector<16xf32>,
        %not3A_91 = arith.constant dense<true> : vector<16xi1>
        %not3A_92 = arith.xori %ge3A_68, %not3A_91 : vector<16xi1>
        %and3A_93 = arith.andi %and3A_82, %not3A_92 : vector<16xi1>
        %jit3A_94 = arith.constant 1.000000e+00 : f32
        %jit3A_95 = arith.constant 0.000000e+00 : f32
        %broadcast_in_dim3A_96 = vector.broadcast %jit3A_94 : f32 to vector<16xf32>
        %broadcast_in_dim3A_97 = vector.broadcast %jit3A_95 : f32 to vector<16xf32>
        %select_n3A_98 = arith.select %and3A_93, %broadcast_in_dim3A_96, %broadcast_in_dim3A_97 : vector<16xi1>, vector<16xf32>
        %swap3A_99 = arith.index_cast %mul3A_62 : i32 to index
        %swap3A_100 = tpu.vector_load %arg24[%swap3A_99] {strides = array<i32>} : memref<4096xf32, #tpu.memory_space<vmem>>, vector<16xf32>,
        tpu.vector_store %arg24[%swap3A_99], %select_n3A_98 {strides = array<i32>} : memref<4096xf32, #tpu.memory_space<vmem>>, vector<16xf32>,
        %scan3A_101 = arith.constant 0 : i32
        %scan3A_102 = arith.constant 2 : i32
        %scan3A_103 = arith.addi %scan3A_27, %scan3A_102 : i32
        %mul3A_104 = arith.constant 16 : i32
        %mul3A_105 = arith.muli %scan3A_103, %mul3A_104 : i32
        %get3A_106 = arith.index_cast %mul3A_105 : i32 to index
        %get3A_107 = tpu.vector_load %arg20[%get3A_106] {strides = array<i32>} : memref<4096xi32, #tpu.memory_space<vmem>>, vector<16xi32>,
        %gather3A_108 = tpu.vector_load_idx %arg22[%get3A_107] : memref<4096xf32, #tpu.memory_space<vmem>>[vector<16xi32>], vector<16xf32>,
        %get3A_109 = arith.index_cast %mul3A_105 : i32 to index
        %get3A_110 = tpu.vector_load %arg14[%get3A_109] {strides = array<i32>} : memref<4096xf32, #tpu.memory_space<vmem>>, vector<16xf32>,
        %ge3A_111 = arith.cmpf oge, %get3A_110, %gather3A_108 : vector<16xf32>
        %get3A_112 = arith.index_cast %mul3A_105 : i32 to index
        %get3A_113 = tpu.vector_load %arg18[%get3A_112] {strides = array<i32>} : memref<4096xi32, #tpu.memory_space<vmem>>, vector<16xi32>,
        %iota3A_114 = tpu.iota {dimensions = array<i32: 0>} : vector<16xi32>
        %mul3A_115 = arith.constant 16 : i32
        %mul3A_116 = arith.muli %scan3A_103, %mul3A_115 : i32
        %add3A_117 = vector.broadcast %mul3A_116 : i32 to vector<16xi32>
        %add3A_118 = arith.addi %iota3A_114, %add3A_117 : vector<16xi32>
        %eq3A_119 = arith.constant 1 : i32
        %eq3A_120 = vector.broadcast %eq3A_119 : i32 to vector<16xi32>
        %eq3A_121 = arith.cmpi eq, %get3A_113, %eq3A_120 : vector<16xi32>
        %ne3A_122 = arith.constant 0 : i32
        %ne3A_123 = vector.broadcast %ne3A_122 : i32 to vector<16xi32>
        %ne3A_124 = arith.cmpi ne, %add3A_118, %ne3A_123 : vector<16xi32>
        %and3A_125 = arith.andi %eq3A_121, %ne3A_124 : vector<16xi1>
        %and3A_126 = arith.andi %and3A_125, %ge3A_111 : vector<16xi1>
        %jit3A_127 = arith.constant 1.000000e+00 : f32
        %jit3A_128 = arith.constant 0.000000e+00 : f32
        %broadcast_in_dim3A_129 = vector.broadcast %jit3A_127 : f32 to vector<16xf32>
        %broadcast_in_dim3A_130 = vector.broadcast %jit3A_128 : f32 to vector<16xf32>
        %select_n3A_131 = arith.select %and3A_126, %broadcast_in_dim3A_129, %broadcast_in_dim3A_130 : vector<16xi1>, vector<16xf32>
        %swap3A_132 = arith.index_cast %mul3A_105 : i32 to index
        %swap3A_133 = tpu.vector_load %arg23[%swap3A_132] {strides = array<i32>} : memref<4096xf32, #tpu.memory_space<vmem>>, vector<16xf32>,
        tpu.vector_store %arg23[%swap3A_132], %select_n3A_131 {strides = array<i32>} : memref<4096xf32, #tpu.memory_space<vmem>>, vector<16xf32>,
        %not3A_134 = arith.constant dense<true> : vector<16xi1>
        %not3A_135 = arith.xori %ge3A_111, %not3A_134 : vector<16xi1>
        %and3A_136 = arith.andi %and3A_125, %not3A_135 : vector<16xi1>
        %jit3A_137 = arith.constant 1.000000e+00 : f32
        %jit3A_138 = arith.constant 0.000000e+00 : f32
        %broadcast_in_dim3A_139 = vector.broadcast %jit3A_137 : f32 to vector<16xf32>
        %broadcast_in_dim3A_140 = vector.broadcast %jit3A_138 : f32 to vector<16xf32>
        %select_n3A_141 = arith.select %and3A_136, %broadcast_in_dim3A_139, %broadcast_in_dim3A_140 : vector<16xi1>, vector<16xf32>
        %swap3A_142 = arith.index_cast %mul3A_105 : i32 to index
        %swap3A_143 = tpu.vector_load %arg24[%swap3A_142] {strides = array<i32>} : memref<4096xf32, #tpu.memory_space<vmem>>, vector<16xf32>,
        tpu.vector_store %arg24[%swap3A_142], %select_n3A_141 {strides = array<i32>} : memref<4096xf32, #tpu.memory_space<vmem>>, vector<16xf32>,
        %scan3A_144 = arith.constant 0 : i32
        %scan3A_145 = arith.constant 3 : i32
        %scan3A_146 = arith.addi %scan3A_27, %scan3A_145 : i32
        %mul3A_147 = arith.constant 16 : i32
        %mul3A_148 = arith.muli %scan3A_146, %mul3A_147 : i32
        %get3A_149 = arith.index_cast %mul3A_148 : i32 to index
        %get3A_150 = tpu.vector_load %arg20[%get3A_149] {strides = array<i32>} : memref<4096xi32, #tpu.memory_space<vmem>>, vector<16xi32>,
        %gather3A_151 = tpu.vector_load_idx %arg22[%get3A_150] : memref<4096xf32, #tpu.memory_space<vmem>>[vector<16xi32>], vector<16xf32>,
        %get3A_152 = arith.index_cast %mul3A_148 : i32 to index
        %get3A_153 = tpu.vector_load %arg14[%get3A_152] {strides = array<i32>} : memref<4096xf32, #tpu.memory_space<vmem>>, vector<16xf32>,
        %ge3A_154 = arith.cmpf oge, %get3A_153, %gather3A_151 : vector<16xf32>
        %get3A_155 = arith.index_cast %mul3A_148 : i32 to index
        %get3A_156 = tpu.vector_load %arg18[%get3A_155] {strides = array<i32>} : memref<4096xi32, #tpu.memory_space<vmem>>, vector<16xi32>,
        %iota3A_157 = tpu.iota {dimensions = array<i32: 0>} : vector<16xi32>
        %mul3A_158 = arith.constant 16 : i32
        %mul3A_159 = arith.muli %scan3A_146, %mul3A_158 : i32
        %add3A_160 = vector.broadcast %mul3A_159 : i32 to vector<16xi32>
        %add3A_161 = arith.addi %iota3A_157, %add3A_160 : vector<16xi32>
        %eq3A_162 = arith.constant 1 : i32
        %eq3A_163 = vector.broadcast %eq3A_162 : i32 to vector<16xi32>
        %eq3A_164 = arith.cmpi eq, %get3A_156, %eq3A_163 : vector<16xi32>
        %ne3A_165 = arith.constant 0 : i32
        %ne3A_166 = vector.broadcast %ne3A_165 : i32 to vector<16xi32>
        %ne3A_167 = arith.cmpi ne, %add3A_161, %ne3A_166 : vector<16xi32>
        %and3A_168 = arith.andi %eq3A_164, %ne3A_167 : vector<16xi1>
        %and3A_169 = arith.andi %and3A_168, %ge3A_154 : vector<16xi1>
        %jit3A_170 = arith.constant 1.000000e+00 : f32
        %jit3A_171 = arith.constant 0.000000e+00 : f32
        %broadcast_in_dim3A_172 = vector.broadcast %jit3A_170 : f32 to vector<16xf32>
        %broadcast_in_dim3A_173 = vector.broadcast %jit3A_171 : f32 to vector<16xf32>
        %select_n3A_174 = arith.select %and3A_169, %broadcast_in_dim3A_172, %broadcast_in_dim3A_173 : vector<16xi1>, vector<16xf32>
        %swap3A_175 = arith.index_cast %mul3A_148 : i32 to index
        %swap3A_176 = tpu.vector_load %arg23[%swap3A_175] {strides = array<i32>} : memref<4096xf32, #tpu.memory_space<vmem>>, vector<16xf32>,
        tpu.vector_store %arg23[%swap3A_175], %select_n3A_174 {strides = array<i32>} : memref<4096xf32, #tpu.memory_space<vmem>>, vector<16xf32>,
        %not3A_177 = arith.constant dense<true> : vector<16xi1>
        %not3A_178 = arith.xori %ge3A_154, %not3A_177 : vector<16xi1>
        %and3A_179 = arith.andi %and3A_168, %not3A_178 : vector<16xi1>
        %jit3A_180 = arith.constant 1.000000e+00 : f32
        %jit3A_181 = arith.constant 0.000000e+00 : f32
        %broadcast_in_dim3A_182 = vector.broadcast %jit3A_180 : f32 to vector<16xf32>
        %broadcast_in_dim3A_183 = vector.broadcast %jit3A_181 : f32 to vector<16xf32>
        %select_n3A_184 = arith.select %and3A_179, %broadcast_in_dim3A_182, %broadcast_in_dim3A_183 : vector<16xi1>, vector<16xf32>
        %swap3A_185 = arith.index_cast %mul3A_148 : i32 to index
        %swap3A_186 = tpu.vector_load %arg24[%swap3A_185] {strides = array<i32>} : memref<4096xf32, #tpu.memory_space<vmem>>, vector<16xf32>,
        tpu.vector_store %arg24[%swap3A_185], %select_n3A_184 {strides = array<i32>} : memref<4096xf32, #tpu.memory_space<vmem>>, vector<16xf32>,
        %scan3A_187 = arith.constant 0 : i32
        scf.yield %scan3A_187 : i32
      }
      %scan3A_26 = arith.constant 256 : i32
      "tpu.region"() ({
        %run_scoped3A = tpu.sem_alloc : memref<!tpu.dma_semaphore, #tpu.memory_space<semaphore_mem>>
        tpu.enqueue_dma source(%arg23 : memref<4096xf32, #tpu.memory_space<vmem>>) target(%arg10 : memref<4096xf32, #tpu.memory_space<hbm>>) target_semaphore(%run_scoped3A : memref<!tpu.dma_semaphore, #tpu.memory_space<semaphore_mem>>)
        tpu.wait_dma2 semaphore(%run_scoped3A : memref<!tpu.dma_semaphore, #tpu.memory_space<semaphore_mem>>) src(%arg23 : memref<4096xf32, #tpu.memory_space<vmem>>) dst(%arg10 : memref<4096xf32, #tpu.memory_space<hbm>>)
        tpu.yield
      }) : () -> ()
      "tpu.region"() ({
        %run_scoped3A = tpu.sem_alloc : memref<!tpu.dma_semaphore, #tpu.memory_space<semaphore_mem>>
        tpu.enqueue_dma source(%arg24 : memref<4096xf32, #tpu.memory_space<vmem>>) target(%arg11 : memref<4096xf32, #tpu.memory_space<hbm>>) target_semaphore(%run_scoped3A : memref<!tpu.dma_semaphore, #tpu.memory_space<semaphore_mem>>)
        tpu.wait_dma2 semaphore(%run_scoped3A : memref<!tpu.dma_semaphore, #tpu.memory_space<semaphore_mem>>) src(%arg24 : memref<4096xf32, #tpu.memory_space<vmem>>) dst(%arg11 : memref<4096xf32, #tpu.memory_space<hbm>>)
        tpu.yield
      }) : () -> ()
      "tpu.region"() ({
        %run_scoped3A = tpu.sem_alloc : memref<!tpu.dma_semaphore, #tpu.memory_space<semaphore_mem>>
        tpu.enqueue_dma source(%arg25 : memref<4096xf32, #tpu.memory_space<vmem>>) target(%arg12 : memref<4096xf32, #tpu.memory_space<hbm>>) target_semaphore(%run_scoped3A : memref<!tpu.dma_semaphore, #tpu.memory_space<semaphore_mem>>)
        tpu.wait_dma2 semaphore(%run_scoped3A : memref<!tpu.dma_semaphore, #tpu.memory_space<semaphore_mem>>) src(%arg25 : memref<4096xf32, #tpu.memory_space<vmem>>) dst(%arg12 : memref<4096xf32, #tpu.memory_space<hbm>>)
        tpu.yield
      }) : () -> ()
      "tpu.region"() ({
        %run_scoped3A = tpu.sem_alloc : memref<!tpu.dma_semaphore, #tpu.memory_space<semaphore_mem>>
        tpu.enqueue_dma source(%arg26 : memref<4096xf32, #tpu.memory_space<vmem>>) target(%arg13 : memref<4096xf32, #tpu.memory_space<hbm>>) target_semaphore(%run_scoped3A : memref<!tpu.dma_semaphore, #tpu.memory_space<semaphore_mem>>)
        tpu.wait_dma2 semaphore(%run_scoped3A : memref<!tpu.dma_semaphore, #tpu.memory_space<semaphore_mem>>) src(%arg26 : memref<4096xf32, #tpu.memory_space<vmem>>) dst(%arg13 : memref<4096xf32, #tpu.memory_space<hbm>>)
        tpu.yield
      }) : () -> ()
    } else {
    }
    return
  }
}

module attributes {stable_mosaic.version = 14 : i64} {
  func.func @_paste_body(%arg0: i32, %arg1: memref<256x4096xf32, #tpu.memory_space<vmem>>, %arg2: memref<256x4096xf32, #tpu.memory_space<vmem>>, %arg3: memref<1x4096xf32, #tpu.memory_space<vmem>>, %arg4: memref<1x4096xf32, #tpu.memory_space<vmem>>, %arg5: memref<1x4096xf32, #tpu.memory_space<vmem>>, %arg6: memref<1x4096xf32, #tpu.memory_space<vmem>>, %arg7: memref<256x4096xf32, #tpu.memory_space<vmem>>) attributes {dimension_semantics = [#tpu.dimension_semantics<arbitrary>], iteration_bounds = array<i64: 1>, scalar_prefetch = 0 : i64, scratch_operands = 0 : i64, tpu.core_type = #tpu.core_type<tc>, window_params = [{transform_indices = @transform_0, window_bounds = array<i64: 256, 4096>}, {pipeline_mode = #tpu.pipeline_mode<synchronous>, transform_indices = @transform_1, window_bounds = array<i64: 256, 4096>}, {pipeline_mode = #tpu.pipeline_mode<synchronous>, transform_indices = @transform_2, window_bounds = array<i64: 1, 4096>}, {pipeline_mode = #tpu.pipeline_mode<synchronous>, transform_indices = @transform_3, window_bounds = array<i64: 1, 4096>}, {pipeline_mode = #tpu.pipeline_mode<synchronous>, transform_indices = @transform_4, window_bounds = array<i64: 1, 4096>}, {pipeline_mode = #tpu.pipeline_mode<synchronous>, transform_indices = @transform_5, window_bounds = array<i64: 1, 4096>}, {pipeline_mode = #tpu.pipeline_mode<synchronous>, transform_indices = @transform_6, window_bounds = array<i64: 256, 4096>}]} {
    %get3A = arith.constant 0 : index
    %get3A_0 = arith.constant 0 : index
    %get3A_1 = vector.load %arg1[%get3A, %get3A_0] : memref<256x4096xf32, #tpu.memory_space<vmem>>, vector<256x4096xf32>
    %get3A_2 = arith.constant 0 : index
    %get3A_3 = arith.constant 0 : index
    %get3A_4 = vector.load %arg5[%get3A_2, %get3A_3] : memref<1x4096xf32, #tpu.memory_space<vmem>>, vector<1x4096xf32>
    %dot_general3A = arith.constant dense<0.000000e+00> : vector<256x1xf32>
    %dot_general3A_5 = tpu.matmul %get3A_1, %get3A_4, %dot_general3A {dimension_numbers = #tpu.dot_dimension_numbers<[1], [1], [0], [0], [0, 0, 1, 0], [], []>, transpose_lhs_hint = false} : vector<256x4096xf32>, vector<1x4096xf32>, vector<256x1xf32> -> vector<256x1xf32>
    %get3A_6 = arith.constant 0 : index
    %get3A_7 = arith.constant 0 : index
    %get3A_8 = vector.load %arg2[%get3A_6, %get3A_7] : memref<256x4096xf32, #tpu.memory_space<vmem>>, vector<256x4096xf32>
    %get3A_9 = arith.constant 0 : index
    %get3A_10 = arith.constant 0 : index
    %get3A_11 = vector.load %arg6[%get3A_9, %get3A_10] : memref<1x4096xf32, #tpu.memory_space<vmem>>, vector<1x4096xf32>
    %dot_general3A_12 = arith.constant dense<0.000000e+00> : vector<256x1xf32>
    %dot_general3A_13 = tpu.matmul %get3A_8, %get3A_11, %dot_general3A_12 {dimension_numbers = #tpu.dot_dimension_numbers<[1], [1], [0], [0], [0, 0, 1, 0], [], []>, transpose_lhs_hint = false} : vector<256x4096xf32>, vector<1x4096xf32>, vector<256x1xf32> -> vector<256x1xf32>
    %get3A_14 = arith.constant 0 : index
    %get3A_15 = arith.constant 0 : index
    %get3A_16 = vector.load %arg3[%get3A_14, %get3A_15] : memref<1x4096xf32, #tpu.memory_space<vmem>>, vector<1x4096xf32>
    %mul3A = vector.broadcast %dot_general3A_5 : vector<256x1xf32> to vector<256x4096xf32>
    %mul3A_17 = vector.broadcast %get3A_16 : vector<1x4096xf32> to vector<256x4096xf32>
    %mul3A_18 = arith.mulf %mul3A, %mul3A_17 : vector<256x4096xf32>
    %get3A_19 = arith.constant 0 : index
    %get3A_20 = arith.constant 0 : index
    %get3A_21 = vector.load %arg4[%get3A_19, %get3A_20] : memref<1x4096xf32, #tpu.memory_space<vmem>>, vector<1x4096xf32>
    %mul3A_22 = vector.broadcast %dot_general3A_13 : vector<256x1xf32> to vector<256x4096xf32>
    %mul3A_23 = vector.broadcast %get3A_21 : vector<1x4096xf32> to vector<256x4096xf32>
    %mul3A_24 = arith.mulf %mul3A_22, %mul3A_23 : vector<256x4096xf32>
    %add3A = arith.addf %mul3A_18, %mul3A_24 : vector<256x4096xf32>
    %swap3A = arith.constant 0 : index
    %swap3A_25 = arith.constant 0 : index
    %swap3A_26 = vector.load %arg7[%swap3A, %swap3A_25] : memref<256x4096xf32, #tpu.memory_space<vmem>>, vector<256x4096xf32>
    tpu.vector_store %arg7[%swap3A, %swap3A_25], %add3A {strides = array<i32>} : memref<256x4096xf32, #tpu.memory_space<vmem>>, vector<256x4096xf32>,
    return
  }
  func.func @transform_0(%arg0: i32) -> (i32, i32) {
    %c1_i32 = arith.constant 1 : i32
    %c0_i32 = arith.constant 0 : i32
    %c0_i32_0 = arith.constant 0 : i32
    return %c1_i32, %c0_i32 : i32, i32
  }
  func.func @transform_1(%arg0: i32) -> (i32, i32) {
    %c0_i32 = arith.constant 0 : i32
    %c0_i32_0 = arith.constant 0 : i32
    %c0_i32_1 = arith.constant 0 : i32
    return %c0_i32, %c0_i32_0 : i32, i32
  }
  func.func @transform_2(%arg0: i32) -> (i32, i32) {
    %c0_i32 = arith.constant 0 : i32
    %c0_i32_0 = arith.constant 0 : i32
    %c0_i32_1 = arith.constant 0 : i32
    return %c0_i32, %c0_i32_0 : i32, i32
  }
  func.func @transform_3(%arg0: i32) -> (i32, i32) {
    %c0_i32 = arith.constant 0 : i32
    %c0_i32_0 = arith.constant 0 : i32
    %c0_i32_1 = arith.constant 0 : i32
    return %c0_i32, %c0_i32_0 : i32, i32
  }
  func.func @transform_4(%arg0: i32) -> (i32, i32) {
    %c0_i32 = arith.constant 0 : i32
    %c0_i32_0 = arith.constant 0 : i32
    %c0_i32_1 = arith.constant 0 : i32
    return %c0_i32, %c0_i32_0 : i32, i32
  }
  func.func @transform_5(%arg0: i32) -> (i32, i32) {
    %c0_i32 = arith.constant 0 : i32
    %c0_i32_0 = arith.constant 0 : i32
    %c0_i32_1 = arith.constant 0 : i32
    return %c0_i32, %c0_i32_0 : i32, i32
  }
  func.func @transform_6(%arg0: i32) -> (i32, i32) {
    %c0_i32 = arith.constant 0 : i32
    %c0_i32_0 = arith.constant 0 : i32
    %c0_i32_1 = arith.constant 0 : i32
    return %c0_i32, %c0_i32_0 : i32, i32
  }
}

module attributes {stable_mosaic.version = 14 : i64} {
  func.func @_cos_argmax_body(%arg0: i32, %arg1: memref<256x512xf32, #tpu.memory_space<vmem>>, %arg2: memref<256x4096xf32, #tpu.memory_space<vmem>>, %arg3: memref<256x4096xf32, #tpu.memory_space<vmem>>, %arg4: memref<1x4096xi32, #tpu.memory_space<vmem>>, %arg5: memref<1x4096xi32, #tpu.memory_space<vmem>>, %arg6: memref<1x1x512xf32, #tpu.memory_space<vmem>>, %arg7: memref<1x1x512xi32, #tpu.memory_space<vmem>>, %arg8: memref<1x1x512xf32, #tpu.memory_space<vmem>>, %arg9: memref<1x1x512xi32, #tpu.memory_space<vmem>>, %arg10: memref<1x4096xf32, #tpu.memory_space<vmem>>, %arg11: memref<1x4096xf32, #tpu.memory_space<vmem>>, %arg12: memref<1x4096xf32, #tpu.memory_space<vmem>>, %arg13: memref<1x4096xf32, #tpu.memory_space<vmem>>) attributes {dimension_semantics = [#tpu.dimension_semantics<arbitrary>], iteration_bounds = array<i64: 8>, scalar_prefetch = 0 : i64, scratch_operands = 4 : i64, tpu.core_type = #tpu.core_type<tc>, window_params = [{transform_indices = @transform_0, window_bounds = array<i64: 256, 512>}, {transform_indices = @transform_1, window_bounds = array<i64: 256, 4096>}, {pipeline_mode = #tpu.pipeline_mode<synchronous>, transform_indices = @transform_2, window_bounds = array<i64: 256, 4096>}, {pipeline_mode = #tpu.pipeline_mode<synchronous>, transform_indices = @transform_3, window_bounds = array<i64: 1, 4096>}, {pipeline_mode = #tpu.pipeline_mode<synchronous>, transform_indices = @transform_4, window_bounds = array<i64: 1, 4096>}, {transform_indices = @transform_5, window_bounds = array<i64: 1, 1, 512>}, {transform_indices = @transform_6, window_bounds = array<i64: 1, 1, 512>}, {transform_indices = @transform_7, window_bounds = array<i64: 1, 1, 512>}, {transform_indices = @transform_8, window_bounds = array<i64: 1, 1, 512>}]} {
    %eq3A = arith.constant 0 : i32
    %eq3A_0 = arith.cmpi eq, %arg0, %eq3A : i32
    %convert_element_type3A = arith.extui %eq3A_0 : i1 to i32
    %cond3A = arith.constant 0 : i32
    %cond3A_1 = arith.cmpi ne, %convert_element_type3A, %cond3A : i32
    scf.if %cond3A_1 {
      %get3A_847 = arith.constant 0 : index
      %get3A_848 = arith.constant 0 : index
      %get3A_849 = vector.load %arg2[%get3A_847, %get3A_848] : memref<256x4096xf32, #tpu.memory_space<vmem>>, vector<256x4096xf32>
      %get3A_850 = arith.constant 0 : index
      %get3A_851 = arith.constant 0 : index
      %get3A_852 = vector.load %arg4[%get3A_850, %get3A_851] : memref<1x4096xi32, #tpu.memory_space<vmem>>, vector<1x4096xi32>
      %mul3A_853 = arith.mulf %get3A_849, %get3A_849 : vector<256x4096xf32>
      %reduce_sum3A_854 = arith.constant dense<0.000000e+00> : vector<4096xf32>
      %reduce_sum3A_855 = vector.multi_reduction <add>, %mul3A_853, %reduce_sum3A_854 [0] : vector<256x4096xf32> to vector<4096xf32>
      %sqrt3A_856 = math.sqrt %reduce_sum3A_855 : vector<4096xf32>
      %div3A_857 = arith.constant 1.000000e+00 : f32
      %div3A_858 = vector.broadcast %div3A_857 : f32 to vector<4096xf32>
      %div3A_859 = arith.divf %div3A_858, %sqrt3A_856 : vector<4096xf32>
      %broadcast_in_dim3A_860 = vector.shape_cast %div3A_859 : vector<4096xf32> to vector<1x4096xf32>
      %swap3A_861 = arith.constant 0 : index
      %swap3A_862 = arith.constant 0 : index
      %swap3A_863 = vector.load %arg10[%swap3A_861, %swap3A_862] : memref<1x4096xf32, #tpu.memory_space<vmem>>, vector<1x4096xf32>
      tpu.vector_store %arg10[%swap3A_861, %swap3A_862], %broadcast_in_dim3A_860 {strides = array<i32>} : memref<1x4096xf32, #tpu.memory_space<vmem>>, vector<1x4096xf32>,
      %eq3A_864 = arith.constant 0 : i32
      %eq3A_865 = vector.broadcast %eq3A_864 : i32 to vector<1x4096xi32>
      %eq3A_866 = arith.cmpi eq, %get3A_852, %eq3A_865 : vector<1x4096xi32>
      %jit3A_867 = arith.constant 0.000000e+00 : f32
      %jit3A_868 = arith.constant -1.000000e+30 : f32
      %broadcast_in_dim3A_869 = vector.broadcast %jit3A_867 : f32 to vector<1x4096xf32>
      %broadcast_in_dim3A_870 = vector.broadcast %jit3A_868 : f32 to vector<1x4096xf32>
      %select_n3A_871 = arith.select %eq3A_866, %broadcast_in_dim3A_869, %broadcast_in_dim3A_870 : vector<1x4096xi1>, vector<1x4096xf32>
      %swap3A_872 = arith.constant 0 : index
      %swap3A_873 = arith.constant 0 : index
      %swap3A_874 = vector.load %arg11[%swap3A_872, %swap3A_873] : memref<1x4096xf32, #tpu.memory_space<vmem>>, vector<1x4096xf32>
      tpu.vector_store %arg11[%swap3A_872, %swap3A_873], %select_n3A_871 {strides = array<i32>} : memref<1x4096xf32, #tpu.memory_space<vmem>>, vector<1x4096xf32>,
      %get3A_875 = arith.constant 0 : index
      %get3A_876 = arith.constant 0 : index
      %get3A_877 = vector.load %arg3[%get3A_875, %get3A_876] : memref<256x4096xf32, #tpu.memory_space<vmem>>, vector<256x4096xf32>
      %get3A_878 = arith.constant 0 : index
      %get3A_879 = arith.constant 0 : index
      %get3A_880 = vector.load %arg5[%get3A_878, %get3A_879] : memref<1x4096xi32, #tpu.memory_space<vmem>>, vector<1x4096xi32>
      %mul3A_881 = arith.mulf %get3A_877, %get3A_877 : vector<256x4096xf32>
      %reduce_sum3A_882 = arith.constant dense<0.000000e+00> : vector<4096xf32>
      %reduce_sum3A_883 = vector.multi_reduction <add>, %mul3A_881, %reduce_sum3A_882 [0] : vector<256x4096xf32> to vector<4096xf32>
      %sqrt3A_884 = math.sqrt %reduce_sum3A_883 : vector<4096xf32>
      %div3A_885 = arith.constant 1.000000e+00 : f32
      %div3A_886 = vector.broadcast %div3A_885 : f32 to vector<4096xf32>
      %div3A_887 = arith.divf %div3A_886, %sqrt3A_884 : vector<4096xf32>
      %broadcast_in_dim3A_888 = vector.shape_cast %div3A_887 : vector<4096xf32> to vector<1x4096xf32>
      %swap3A_889 = arith.constant 0 : index
      %swap3A_890 = arith.constant 0 : index
      %swap3A_891 = vector.load %arg12[%swap3A_889, %swap3A_890] : memref<1x4096xf32, #tpu.memory_space<vmem>>, vector<1x4096xf32>
      tpu.vector_store %arg12[%swap3A_889, %swap3A_890], %broadcast_in_dim3A_888 {strides = array<i32>} : memref<1x4096xf32, #tpu.memory_space<vmem>>, vector<1x4096xf32>,
      %eq3A_892 = arith.constant 0 : i32
      %eq3A_893 = vector.broadcast %eq3A_892 : i32 to vector<1x4096xi32>
      %eq3A_894 = arith.cmpi eq, %get3A_880, %eq3A_893 : vector<1x4096xi32>
      %jit3A_895 = arith.constant 0.000000e+00 : f32
      %jit3A_896 = arith.constant -1.000000e+30 : f32
      %broadcast_in_dim3A_897 = vector.broadcast %jit3A_895 : f32 to vector<1x4096xf32>
      %broadcast_in_dim3A_898 = vector.broadcast %jit3A_896 : f32 to vector<1x4096xf32>
      %select_n3A_899 = arith.select %eq3A_894, %broadcast_in_dim3A_897, %broadcast_in_dim3A_898 : vector<1x4096xi1>, vector<1x4096xf32>
      %swap3A_900 = arith.constant 0 : index
      %swap3A_901 = arith.constant 0 : index
      %swap3A_902 = vector.load %arg13[%swap3A_900, %swap3A_901] : memref<1x4096xf32, #tpu.memory_space<vmem>>, vector<1x4096xf32>
      tpu.vector_store %arg13[%swap3A_900, %swap3A_901], %select_n3A_899 {strides = array<i32>} : memref<1x4096xf32, #tpu.memory_space<vmem>>, vector<1x4096xf32>,
    } else {
    }
    %get3A = arith.constant 0 : index
    %get3A_2 = arith.constant 0 : index
    %get3A_3 = vector.load %arg1[%get3A, %get3A_2] : memref<256x512xf32, #tpu.memory_space<vmem>>, vector<256x512xf32>
    %mul3A = arith.mulf %get3A_3, %get3A_3 : vector<256x512xf32>
    %reduce_sum3A = arith.constant dense<0.000000e+00> : vector<512xf32>
    %reduce_sum3A_4 = vector.multi_reduction <add>, %mul3A, %reduce_sum3A [0] : vector<256x512xf32> to vector<512xf32>
    %sqrt3A = math.sqrt %reduce_sum3A_4 : vector<512xf32>
    %div3A = arith.constant 1.000000e+00 : f32
    %div3A_5 = vector.broadcast %div3A : f32 to vector<512xf32>
    %div3A_6 = arith.divf %div3A_5, %sqrt3A : vector<512xf32>
    %iota3A = tpu.iota {dimensions = array<i32: 1>} : vector<512x128xi32>
    %get3A_7 = arith.constant 0 : index
    %get3A_8 = arith.constant 0 : index
    %get3A_9 = vector.load %arg2[%get3A_7, %get3A_8] : memref<256x4096xf32, #tpu.memory_space<vmem>>, vector<256x4096xf32>
    %get3A_10 = arith.constant 0 : index
    %get3A_11 = arith.constant 0 : index
    %get3A_12 = vector.load %arg10[%get3A_10, %get3A_11] : memref<1x4096xf32, #tpu.memory_space<vmem>>, vector<1x4096xf32>
    %get3A_13 = arith.constant 0 : index
    %get3A_14 = arith.constant 0 : index
    %get3A_15 = vector.load %arg11[%get3A_13, %get3A_14] : memref<1x4096xf32, #tpu.memory_space<vmem>>, vector<1x4096xf32>
    %dot_general3A = arith.constant dense<0.000000e+00> : vector<512x4096xf32>
    %dot_general3A_16 = tpu.matmul %get3A_3, %get3A_9, %dot_general3A {dimension_numbers = #tpu.dot_dimension_numbers<[0], [0], [1], [1], [0, 1, 1, 1], [], []>, transpose_lhs_hint = false} : vector<256x512xf32>, vector<256x4096xf32>, vector<512x4096xf32> -> vector<512x4096xf32>
    %broadcast_in_dim3A = arith.constant 0xFF800000 : f32
    %broadcast_in_dim3A_17 = vector.broadcast %broadcast_in_dim3A : f32 to vector<512x128xf32>
    %broadcast_in_dim3A_18 = arith.constant 0 : i32
    %broadcast_in_dim3A_19 = vector.broadcast %broadcast_in_dim3A_18 : i32 to vector<512x128xi32>
    %slice3A = vector.extract_strided_slice %dot_general3A_16 {offsets = [0, 0], sizes = [512, 128], strides = [1, 1]} : vector<512x4096xf32> to vector<512x128xf32>
    %slice3A_20 = vector.extract_strided_slice %get3A_12 {offsets = [0, 0], sizes = [1, 128], strides = [1, 1]} : vector<1x4096xf32> to vector<1x128xf32>
    %mul3A_21 = vector.broadcast %slice3A_20 : vector<1x128xf32> to vector<512x128xf32>
    %mul3A_22 = arith.mulf %slice3A, %mul3A_21 : vector<512x128xf32>
    %slice3A_23 = vector.extract_strided_slice %get3A_15 {offsets = [0, 0], sizes = [1, 128], strides = [1, 1]} : vector<1x4096xf32> to vector<1x128xf32>
    %add3A = vector.broadcast %slice3A_23 : vector<1x128xf32> to vector<512x128xf32>
    %add3A_24 = arith.addf %mul3A_22, %add3A : vector<512x128xf32>
    %gt3A = arith.cmpf ogt, %add3A_24, %broadcast_in_dim3A_17 : vector<512x128xf32>
    %select_n3A = arith.select %gt3A, %add3A_24, %broadcast_in_dim3A_17 : vector<512x128xi1>, vector<512x128xf32>
    %jit3A = arith.constant 0 : i32
    %broadcast_in_dim3A_25 = vector.broadcast %jit3A : i32 to vector<512x128xi32>
    %select_n3A_26 = arith.select %gt3A, %broadcast_in_dim3A_25, %broadcast_in_dim3A_19 : vector<512x128xi1>, vector<512x128xi32>
    %slice3A_27 = vector.extract_strided_slice %dot_general3A_16 {offsets = [0, 128], sizes = [512, 128], strides = [1, 1]} : vector<512x4096xf32> to vector<512x128xf32>
    %slice3A_28 = vector.extract_strided_slice %get3A_12 {offsets = [0, 128], sizes = [1, 128], strides = [1, 1]} : vector<1x4096xf32> to vector<1x128xf32>
    %mul3A_29 = vector.broadcast %slice3A_28 : vector<1x128xf32> to vector<512x128xf32>
    %mul3A_30 = arith.mulf %slice3A_27, %mul3A_29 : vector<512x128xf32>
    %slice3A_31 = vector.extract_strided_slice %get3A_15 {offsets = [0, 128], sizes = [1, 128], strides = [1, 1]} : vector<1x4096xf32> to vector<1x128xf32>
    %add3A_32 = vector.broadcast %slice3A_31 : vector<1x128xf32> to vector<512x128xf32>
    %add3A_33 = arith.addf %mul3A_30, %add3A_32 : vector<512x128xf32>
    %gt3A_34 = arith.cmpf ogt, %add3A_33, %select_n3A : vector<512x128xf32>
    %select_n3A_35 = arith.select %gt3A_34, %add3A_33, %select_n3A : vector<512x128xi1>, vector<512x128xf32>
    %jit3A_36 = arith.constant 1 : i32
    %broadcast_in_dim3A_37 = vector.broadcast %jit3A_36 : i32 to vector<512x128xi32>
    %select_n3A_38 = arith.select %gt3A_34, %broadcast_in_dim3A_37, %select_n3A_26 : vector<512x128xi1>, vector<512x128xi32>
    %slice3A_39 = vector.extract_strided_slice %dot_general3A_16 {offsets = [0, 256], sizes = [512, 128], strides = [1, 1]} : vector<512x4096xf32> to vector<512x128xf32>
    %slice3A_40 = vector.extract_strided_slice %get3A_12 {offsets = [0, 256], sizes = [1, 128], strides = [1, 1]} : vector<1x4096xf32> to vector<1x128xf32>
    %mul3A_41 = vector.broadcast %slice3A_40 : vector<1x128xf32> to vector<512x128xf32>
    %mul3A_42 = arith.mulf %slice3A_39, %mul3A_41 : vector<512x128xf32>
    %slice3A_43 = vector.extract_strided_slice %get3A_15 {offsets = [0, 256], sizes = [1, 128], strides = [1, 1]} : vector<1x4096xf32> to vector<1x128xf32>
    %add3A_44 = vector.broadcast %slice3A_43 : vector<1x128xf32> to vector<512x128xf32>
    %add3A_45 = arith.addf %mul3A_42, %add3A_44 : vector<512x128xf32>
    %gt3A_46 = arith.cmpf ogt, %add3A_45, %select_n3A_35 : vector<512x128xf32>
    %select_n3A_47 = arith.select %gt3A_46, %add3A_45, %select_n3A_35 : vector<512x128xi1>, vector<512x128xf32>
    %jit3A_48 = arith.constant 2 : i32
    %broadcast_in_dim3A_49 = vector.broadcast %jit3A_48 : i32 to vector<512x128xi32>
    %select_n3A_50 = arith.select %gt3A_46, %broadcast_in_dim3A_49, %select_n3A_38 : vector<512x128xi1>, vector<512x128xi32>
    %slice3A_51 = vector.extract_strided_slice %dot_general3A_16 {offsets = [0, 384], sizes = [512, 128], strides = [1, 1]} : vector<512x4096xf32> to vector<512x128xf32>
    %slice3A_52 = vector.extract_strided_slice %get3A_12 {offsets = [0, 384], sizes = [1, 128], strides = [1, 1]} : vector<1x4096xf32> to vector<1x128xf32>
    %mul3A_53 = vector.broadcast %slice3A_52 : vector<1x128xf32> to vector<512x128xf32>
    %mul3A_54 = arith.mulf %slice3A_51, %mul3A_53 : vector<512x128xf32>
    %slice3A_55 = vector.extract_strided_slice %get3A_15 {offsets = [0, 384], sizes = [1, 128], strides = [1, 1]} : vector<1x4096xf32> to vector<1x128xf32>
    %add3A_56 = vector.broadcast %slice3A_55 : vector<1x128xf32> to vector<512x128xf32>
    %add3A_57 = arith.addf %mul3A_54, %add3A_56 : vector<512x128xf32>
    %gt3A_58 = arith.cmpf ogt, %add3A_57, %select_n3A_47 : vector<512x128xf32>
    %select_n3A_59 = arith.select %gt3A_58, %add3A_57, %select_n3A_47 : vector<512x128xi1>, vector<512x128xf32>
    %jit3A_60 = arith.constant 3 : i32
    %broadcast_in_dim3A_61 = vector.broadcast %jit3A_60 : i32 to vector<512x128xi32>
    %select_n3A_62 = arith.select %gt3A_58, %broadcast_in_dim3A_61, %select_n3A_50 : vector<512x128xi1>, vector<512x128xi32>
    %slice3A_63 = vector.extract_strided_slice %dot_general3A_16 {offsets = [0, 512], sizes = [512, 128], strides = [1, 1]} : vector<512x4096xf32> to vector<512x128xf32>
    %slice3A_64 = vector.extract_strided_slice %get3A_12 {offsets = [0, 512], sizes = [1, 128], strides = [1, 1]} : vector<1x4096xf32> to vector<1x128xf32>
    %mul3A_65 = vector.broadcast %slice3A_64 : vector<1x128xf32> to vector<512x128xf32>
    %mul3A_66 = arith.mulf %slice3A_63, %mul3A_65 : vector<512x128xf32>
    %slice3A_67 = vector.extract_strided_slice %get3A_15 {offsets = [0, 512], sizes = [1, 128], strides = [1, 1]} : vector<1x4096xf32> to vector<1x128xf32>
    %add3A_68 = vector.broadcast %slice3A_67 : vector<1x128xf32> to vector<512x128xf32>
    %add3A_69 = arith.addf %mul3A_66, %add3A_68 : vector<512x128xf32>
    %gt3A_70 = arith.cmpf ogt, %add3A_69, %select_n3A_59 : vector<512x128xf32>
    %select_n3A_71 = arith.select %gt3A_70, %add3A_69, %select_n3A_59 : vector<512x128xi1>, vector<512x128xf32>
    %jit3A_72 = arith.constant 4 : i32
    %broadcast_in_dim3A_73 = vector.broadcast %jit3A_72 : i32 to vector<512x128xi32>
    %select_n3A_74 = arith.select %gt3A_70, %broadcast_in_dim3A_73, %select_n3A_62 : vector<512x128xi1>, vector<512x128xi32>
    %slice3A_75 = vector.extract_strided_slice %dot_general3A_16 {offsets = [0, 640], sizes = [512, 128], strides = [1, 1]} : vector<512x4096xf32> to vector<512x128xf32>
    %slice3A_76 = vector.extract_strided_slice %get3A_12 {offsets = [0, 640], sizes = [1, 128], strides = [1, 1]} : vector<1x4096xf32> to vector<1x128xf32>
    %mul3A_77 = vector.broadcast %slice3A_76 : vector<1x128xf32> to vector<512x128xf32>
    %mul3A_78 = arith.mulf %slice3A_75, %mul3A_77 : vector<512x128xf32>
    %slice3A_79 = vector.extract_strided_slice %get3A_15 {offsets = [0, 640], sizes = [1, 128], strides = [1, 1]} : vector<1x4096xf32> to vector<1x128xf32>
    %add3A_80 = vector.broadcast %slice3A_79 : vector<1x128xf32> to vector<512x128xf32>
    %add3A_81 = arith.addf %mul3A_78, %add3A_80 : vector<512x128xf32>
    %gt3A_82 = arith.cmpf ogt, %add3A_81, %select_n3A_71 : vector<512x128xf32>
    %select_n3A_83 = arith.select %gt3A_82, %add3A_81, %select_n3A_71 : vector<512x128xi1>, vector<512x128xf32>
    %jit3A_84 = arith.constant 5 : i32
    %broadcast_in_dim3A_85 = vector.broadcast %jit3A_84 : i32 to vector<512x128xi32>
    %select_n3A_86 = arith.select %gt3A_82, %broadcast_in_dim3A_85, %select_n3A_74 : vector<512x128xi1>, vector<512x128xi32>
    %slice3A_87 = vector.extract_strided_slice %dot_general3A_16 {offsets = [0, 768], sizes = [512, 128], strides = [1, 1]} : vector<512x4096xf32> to vector<512x128xf32>
    %slice3A_88 = vector.extract_strided_slice %get3A_12 {offsets = [0, 768], sizes = [1, 128], strides = [1, 1]} : vector<1x4096xf32> to vector<1x128xf32>
    %mul3A_89 = vector.broadcast %slice3A_88 : vector<1x128xf32> to vector<512x128xf32>
    %mul3A_90 = arith.mulf %slice3A_87, %mul3A_89 : vector<512x128xf32>
    %slice3A_91 = vector.extract_strided_slice %get3A_15 {offsets = [0, 768], sizes = [1, 128], strides = [1, 1]} : vector<1x4096xf32> to vector<1x128xf32>
    %add3A_92 = vector.broadcast %slice3A_91 : vector<1x128xf32> to vector<512x128xf32>
    %add3A_93 = arith.addf %mul3A_90, %add3A_92 : vector<512x128xf32>
    %gt3A_94 = arith.cmpf ogt, %add3A_93, %select_n3A_83 : vector<512x128xf32>
    %select_n3A_95 = arith.select %gt3A_94, %add3A_93, %select_n3A_83 : vector<512x128xi1>, vector<512x128xf32>
    %jit3A_96 = arith.constant 6 : i32
    %broadcast_in_dim3A_97 = vector.broadcast %jit3A_96 : i32 to vector<512x128xi32>
    %select_n3A_98 = arith.select %gt3A_94, %broadcast_in_dim3A_97, %select_n3A_86 : vector<512x128xi1>, vector<512x128xi32>
    %slice3A_99 = vector.extract_strided_slice %dot_general3A_16 {offsets = [0, 896], sizes = [512, 128], strides = [1, 1]} : vector<512x4096xf32> to vector<512x128xf32>
    %slice3A_100 = vector.extract_strided_slice %get3A_12 {offsets = [0, 896], sizes = [1, 128], strides = [1, 1]} : vector<1x4096xf32> to vector<1x128xf32>
    %mul3A_101 = vector.broadcast %slice3A_100 : vector<1x128xf32> to vector<512x128xf32>
    %mul3A_102 = arith.mulf %slice3A_99, %mul3A_101 : vector<512x128xf32>
    %slice3A_103 = vector.extract_strided_slice %get3A_15 {offsets = [0, 896], sizes = [1, 128], strides = [1, 1]} : vector<1x4096xf32> to vector<1x128xf32>
    %add3A_104 = vector.broadcast %slice3A_103 : vector<1x128xf32> to vector<512x128xf32>
    %add3A_105 = arith.addf %mul3A_102, %add3A_104 : vector<512x128xf32>
    %gt3A_106 = arith.cmpf ogt, %add3A_105, %select_n3A_95 : vector<512x128xf32>
    %select_n3A_107 = arith.select %gt3A_106, %add3A_105, %select_n3A_95 : vector<512x128xi1>, vector<512x128xf32>
    %jit3A_108 = arith.constant 7 : i32
    %broadcast_in_dim3A_109 = vector.broadcast %jit3A_108 : i32 to vector<512x128xi32>
    %select_n3A_110 = arith.select %gt3A_106, %broadcast_in_dim3A_109, %select_n3A_98 : vector<512x128xi1>, vector<512x128xi32>
    %slice3A_111 = vector.extract_strided_slice %dot_general3A_16 {offsets = [0, 1024], sizes = [512, 128], strides = [1, 1]} : vector<512x4096xf32> to vector<512x128xf32>
    %slice3A_112 = vector.extract_strided_slice %get3A_12 {offsets = [0, 1024], sizes = [1, 128], strides = [1, 1]} : vector<1x4096xf32> to vector<1x128xf32>
    %mul3A_113 = vector.broadcast %slice3A_112 : vector<1x128xf32> to vector<512x128xf32>
    %mul3A_114 = arith.mulf %slice3A_111, %mul3A_113 : vector<512x128xf32>
    %slice3A_115 = vector.extract_strided_slice %get3A_15 {offsets = [0, 1024], sizes = [1, 128], strides = [1, 1]} : vector<1x4096xf32> to vector<1x128xf32>
    %add3A_116 = vector.broadcast %slice3A_115 : vector<1x128xf32> to vector<512x128xf32>
    %add3A_117 = arith.addf %mul3A_114, %add3A_116 : vector<512x128xf32>
    %gt3A_118 = arith.cmpf ogt, %add3A_117, %select_n3A_107 : vector<512x128xf32>
    %select_n3A_119 = arith.select %gt3A_118, %add3A_117, %select_n3A_107 : vector<512x128xi1>, vector<512x128xf32>
    %jit3A_120 = arith.constant 8 : i32
    %broadcast_in_dim3A_121 = vector.broadcast %jit3A_120 : i32 to vector<512x128xi32>
    %select_n3A_122 = arith.select %gt3A_118, %broadcast_in_dim3A_121, %select_n3A_110 : vector<512x128xi1>, vector<512x128xi32>
    %slice3A_123 = vector.extract_strided_slice %dot_general3A_16 {offsets = [0, 1152], sizes = [512, 128], strides = [1, 1]} : vector<512x4096xf32> to vector<512x128xf32>
    %slice3A_124 = vector.extract_strided_slice %get3A_12 {offsets = [0, 1152], sizes = [1, 128], strides = [1, 1]} : vector<1x4096xf32> to vector<1x128xf32>
    %mul3A_125 = vector.broadcast %slice3A_124 : vector<1x128xf32> to vector<512x128xf32>
    %mul3A_126 = arith.mulf %slice3A_123, %mul3A_125 : vector<512x128xf32>
    %slice3A_127 = vector.extract_strided_slice %get3A_15 {offsets = [0, 1152], sizes = [1, 128], strides = [1, 1]} : vector<1x4096xf32> to vector<1x128xf32>
    %add3A_128 = vector.broadcast %slice3A_127 : vector<1x128xf32> to vector<512x128xf32>
    %add3A_129 = arith.addf %mul3A_126, %add3A_128 : vector<512x128xf32>
    %gt3A_130 = arith.cmpf ogt, %add3A_129, %select_n3A_119 : vector<512x128xf32>
    %select_n3A_131 = arith.select %gt3A_130, %add3A_129, %select_n3A_119 : vector<512x128xi1>, vector<512x128xf32>
    %jit3A_132 = arith.constant 9 : i32
    %broadcast_in_dim3A_133 = vector.broadcast %jit3A_132 : i32 to vector<512x128xi32>
    %select_n3A_134 = arith.select %gt3A_130, %broadcast_in_dim3A_133, %select_n3A_122 : vector<512x128xi1>, vector<512x128xi32>
    %slice3A_135 = vector.extract_strided_slice %dot_general3A_16 {offsets = [0, 1280], sizes = [512, 128], strides = [1, 1]} : vector<512x4096xf32> to vector<512x128xf32>
    %slice3A_136 = vector.extract_strided_slice %get3A_12 {offsets = [0, 1280], sizes = [1, 128], strides = [1, 1]} : vector<1x4096xf32> to vector<1x128xf32>
    %mul3A_137 = vector.broadcast %slice3A_136 : vector<1x128xf32> to vector<512x128xf32>
    %mul3A_138 = arith.mulf %slice3A_135, %mul3A_137 : vector<512x128xf32>
    %slice3A_139 = vector.extract_strided_slice %get3A_15 {offsets = [0, 1280], sizes = [1, 128], strides = [1, 1]} : vector<1x4096xf32> to vector<1x128xf32>
    %add3A_140 = vector.broadcast %slice3A_139 : vector<1x128xf32> to vector<512x128xf32>
    %add3A_141 = arith.addf %mul3A_138, %add3A_140 : vector<512x128xf32>
    %gt3A_142 = arith.cmpf ogt, %add3A_141, %select_n3A_131 : vector<512x128xf32>
    %select_n3A_143 = arith.select %gt3A_142, %add3A_141, %select_n3A_131 : vector<512x128xi1>, vector<512x128xf32>
    %jit3A_144 = arith.constant 10 : i32
    %broadcast_in_dim3A_145 = vector.broadcast %jit3A_144 : i32 to vector<512x128xi32>
    %select_n3A_146 = arith.select %gt3A_142, %broadcast_in_dim3A_145, %select_n3A_134 : vector<512x128xi1>, vector<512x128xi32>
    %slice3A_147 = vector.extract_strided_slice %dot_general3A_16 {offsets = [0, 1408], sizes = [512, 128], strides = [1, 1]} : vector<512x4096xf32> to vector<512x128xf32>
    %slice3A_148 = vector.extract_strided_slice %get3A_12 {offsets = [0, 1408], sizes = [1, 128], strides = [1, 1]} : vector<1x4096xf32> to vector<1x128xf32>
    %mul3A_149 = vector.broadcast %slice3A_148 : vector<1x128xf32> to vector<512x128xf32>
    %mul3A_150 = arith.mulf %slice3A_147, %mul3A_149 : vector<512x128xf32>
    %slice3A_151 = vector.extract_strided_slice %get3A_15 {offsets = [0, 1408], sizes = [1, 128], strides = [1, 1]} : vector<1x4096xf32> to vector<1x128xf32>
    %add3A_152 = vector.broadcast %slice3A_151 : vector<1x128xf32> to vector<512x128xf32>
    %add3A_153 = arith.addf %mul3A_150, %add3A_152 : vector<512x128xf32>
    %gt3A_154 = arith.cmpf ogt, %add3A_153, %select_n3A_143 : vector<512x128xf32>
    %select_n3A_155 = arith.select %gt3A_154, %add3A_153, %select_n3A_143 : vector<512x128xi1>, vector<512x128xf32>
    %jit3A_156 = arith.constant 11 : i32
    %broadcast_in_dim3A_157 = vector.broadcast %jit3A_156 : i32 to vector<512x128xi32>
    %select_n3A_158 = arith.select %gt3A_154, %broadcast_in_dim3A_157, %select_n3A_146 : vector<512x128xi1>, vector<512x128xi32>
    %slice3A_159 = vector.extract_strided_slice %dot_general3A_16 {offsets = [0, 1536], sizes = [512, 128], strides = [1, 1]} : vector<512x4096xf32> to vector<512x128xf32>
    %slice3A_160 = vector.extract_strided_slice %get3A_12 {offsets = [0, 1536], sizes = [1, 128], strides = [1, 1]} : vector<1x4096xf32> to vector<1x128xf32>
    %mul3A_161 = vector.broadcast %slice3A_160 : vector<1x128xf32> to vector<512x128xf32>
    %mul3A_162 = arith.mulf %slice3A_159, %mul3A_161 : vector<512x128xf32>
    %slice3A_163 = vector.extract_strided_slice %get3A_15 {offsets = [0, 1536], sizes = [1, 128], strides = [1, 1]} : vector<1x4096xf32> to vector<1x128xf32>
    %add3A_164 = vector.broadcast %slice3A_163 : vector<1x128xf32> to vector<512x128xf32>
    %add3A_165 = arith.addf %mul3A_162, %add3A_164 : vector<512x128xf32>
    %gt3A_166 = arith.cmpf ogt, %add3A_165, %select_n3A_155 : vector<512x128xf32>
    %select_n3A_167 = arith.select %gt3A_166, %add3A_165, %select_n3A_155 : vector<512x128xi1>, vector<512x128xf32>
    %jit3A_168 = arith.constant 12 : i32
    %broadcast_in_dim3A_169 = vector.broadcast %jit3A_168 : i32 to vector<512x128xi32>
    %select_n3A_170 = arith.select %gt3A_166, %broadcast_in_dim3A_169, %select_n3A_158 : vector<512x128xi1>, vector<512x128xi32>
    %slice3A_171 = vector.extract_strided_slice %dot_general3A_16 {offsets = [0, 1664], sizes = [512, 128], strides = [1, 1]} : vector<512x4096xf32> to vector<512x128xf32>
    %slice3A_172 = vector.extract_strided_slice %get3A_12 {offsets = [0, 1664], sizes = [1, 128], strides = [1, 1]} : vector<1x4096xf32> to vector<1x128xf32>
    %mul3A_173 = vector.broadcast %slice3A_172 : vector<1x128xf32> to vector<512x128xf32>
    %mul3A_174 = arith.mulf %slice3A_171, %mul3A_173 : vector<512x128xf32>
    %slice3A_175 = vector.extract_strided_slice %get3A_15 {offsets = [0, 1664], sizes = [1, 128], strides = [1, 1]} : vector<1x4096xf32> to vector<1x128xf32>
    %add3A_176 = vector.broadcast %slice3A_175 : vector<1x128xf32> to vector<512x128xf32>
    %add3A_177 = arith.addf %mul3A_174, %add3A_176 : vector<512x128xf32>
    %gt3A_178 = arith.cmpf ogt, %add3A_177, %select_n3A_167 : vector<512x128xf32>
    %select_n3A_179 = arith.select %gt3A_178, %add3A_177, %select_n3A_167 : vector<512x128xi1>, vector<512x128xf32>
    %jit3A_180 = arith.constant 13 : i32
    %broadcast_in_dim3A_181 = vector.broadcast %jit3A_180 : i32 to vector<512x128xi32>
    %select_n3A_182 = arith.select %gt3A_178, %broadcast_in_dim3A_181, %select_n3A_170 : vector<512x128xi1>, vector<512x128xi32>
    %slice3A_183 = vector.extract_strided_slice %dot_general3A_16 {offsets = [0, 1792], sizes = [512, 128], strides = [1, 1]} : vector<512x4096xf32> to vector<512x128xf32>
    %slice3A_184 = vector.extract_strided_slice %get3A_12 {offsets = [0, 1792], sizes = [1, 128], strides = [1, 1]} : vector<1x4096xf32> to vector<1x128xf32>
    %mul3A_185 = vector.broadcast %slice3A_184 : vector<1x128xf32> to vector<512x128xf32>
    %mul3A_186 = arith.mulf %slice3A_183, %mul3A_185 : vector<512x128xf32>
    %slice3A_187 = vector.extract_strided_slice %get3A_15 {offsets = [0, 1792], sizes = [1, 128], strides = [1, 1]} : vector<1x4096xf32> to vector<1x128xf32>
    %add3A_188 = vector.broadcast %slice3A_187 : vector<1x128xf32> to vector<512x128xf32>
    %add3A_189 = arith.addf %mul3A_186, %add3A_188 : vector<512x128xf32>
    %gt3A_190 = arith.cmpf ogt, %add3A_189, %select_n3A_179 : vector<512x128xf32>
    %select_n3A_191 = arith.select %gt3A_190, %add3A_189, %select_n3A_179 : vector<512x128xi1>, vector<512x128xf32>
    %jit3A_192 = arith.constant 14 : i32
    %broadcast_in_dim3A_193 = vector.broadcast %jit3A_192 : i32 to vector<512x128xi32>
    %select_n3A_194 = arith.select %gt3A_190, %broadcast_in_dim3A_193, %select_n3A_182 : vector<512x128xi1>, vector<512x128xi32>
    %slice3A_195 = vector.extract_strided_slice %dot_general3A_16 {offsets = [0, 1920], sizes = [512, 128], strides = [1, 1]} : vector<512x4096xf32> to vector<512x128xf32>
    %slice3A_196 = vector.extract_strided_slice %get3A_12 {offsets = [0, 1920], sizes = [1, 128], strides = [1, 1]} : vector<1x4096xf32> to vector<1x128xf32>
    %mul3A_197 = vector.broadcast %slice3A_196 : vector<1x128xf32> to vector<512x128xf32>
    %mul3A_198 = arith.mulf %slice3A_195, %mul3A_197 : vector<512x128xf32>
    %slice3A_199 = vector.extract_strided_slice %get3A_15 {offsets = [0, 1920], sizes = [1, 128], strides = [1, 1]} : vector<1x4096xf32> to vector<1x128xf32>
    %add3A_200 = vector.broadcast %slice3A_199 : vector<1x128xf32> to vector<512x128xf32>
    %add3A_201 = arith.addf %mul3A_198, %add3A_200 : vector<512x128xf32>
    %gt3A_202 = arith.cmpf ogt, %add3A_201, %select_n3A_191 : vector<512x128xf32>
    %select_n3A_203 = arith.select %gt3A_202, %add3A_201, %select_n3A_191 : vector<512x128xi1>, vector<512x128xf32>
    %jit3A_204 = arith.constant 15 : i32
    %broadcast_in_dim3A_205 = vector.broadcast %jit3A_204 : i32 to vector<512x128xi32>
    %select_n3A_206 = arith.select %gt3A_202, %broadcast_in_dim3A_205, %select_n3A_194 : vector<512x128xi1>, vector<512x128xi32>
    %slice3A_207 = vector.extract_strided_slice %dot_general3A_16 {offsets = [0, 2048], sizes = [512, 128], strides = [1, 1]} : vector<512x4096xf32> to vector<512x128xf32>
    %slice3A_208 = vector.extract_strided_slice %get3A_12 {offsets = [0, 2048], sizes = [1, 128], strides = [1, 1]} : vector<1x4096xf32> to vector<1x128xf32>
    %mul3A_209 = vector.broadcast %slice3A_208 : vector<1x128xf32> to vector<512x128xf32>
    %mul3A_210 = arith.mulf %slice3A_207, %mul3A_209 : vector<512x128xf32>
    %slice3A_211 = vector.extract_strided_slice %get3A_15 {offsets = [0, 2048], sizes = [1, 128], strides = [1, 1]} : vector<1x4096xf32> to vector<1x128xf32>
    %add3A_212 = vector.broadcast %slice3A_211 : vector<1x128xf32> to vector<512x128xf32>
    %add3A_213 = arith.addf %mul3A_210, %add3A_212 : vector<512x128xf32>
    %gt3A_214 = arith.cmpf ogt, %add3A_213, %select_n3A_203 : vector<512x128xf32>
    %select_n3A_215 = arith.select %gt3A_214, %add3A_213, %select_n3A_203 : vector<512x128xi1>, vector<512x128xf32>
    %jit3A_216 = arith.constant 16 : i32
    %broadcast_in_dim3A_217 = vector.broadcast %jit3A_216 : i32 to vector<512x128xi32>
    %select_n3A_218 = arith.select %gt3A_214, %broadcast_in_dim3A_217, %select_n3A_206 : vector<512x128xi1>, vector<512x128xi32>
    %slice3A_219 = vector.extract_strided_slice %dot_general3A_16 {offsets = [0, 2176], sizes = [512, 128], strides = [1, 1]} : vector<512x4096xf32> to vector<512x128xf32>
    %slice3A_220 = vector.extract_strided_slice %get3A_12 {offsets = [0, 2176], sizes = [1, 128], strides = [1, 1]} : vector<1x4096xf32> to vector<1x128xf32>
    %mul3A_221 = vector.broadcast %slice3A_220 : vector<1x128xf32> to vector<512x128xf32>
    %mul3A_222 = arith.mulf %slice3A_219, %mul3A_221 : vector<512x128xf32>
    %slice3A_223 = vector.extract_strided_slice %get3A_15 {offsets = [0, 2176], sizes = [1, 128], strides = [1, 1]} : vector<1x4096xf32> to vector<1x128xf32>
    %add3A_224 = vector.broadcast %slice3A_223 : vector<1x128xf32> to vector<512x128xf32>
    %add3A_225 = arith.addf %mul3A_222, %add3A_224 : vector<512x128xf32>
    %gt3A_226 = arith.cmpf ogt, %add3A_225, %select_n3A_215 : vector<512x128xf32>
    %select_n3A_227 = arith.select %gt3A_226, %add3A_225, %select_n3A_215 : vector<512x128xi1>, vector<512x128xf32>
    %jit3A_228 = arith.constant 17 : i32
    %broadcast_in_dim3A_229 = vector.broadcast %jit3A_228 : i32 to vector<512x128xi32>
    %select_n3A_230 = arith.select %gt3A_226, %broadcast_in_dim3A_229, %select_n3A_218 : vector<512x128xi1>, vector<512x128xi32>
    %slice3A_231 = vector.extract_strided_slice %dot_general3A_16 {offsets = [0, 2304], sizes = [512, 128], strides = [1, 1]} : vector<512x4096xf32> to vector<512x128xf32>
    %slice3A_232 = vector.extract_strided_slice %get3A_12 {offsets = [0, 2304], sizes = [1, 128], strides = [1, 1]} : vector<1x4096xf32> to vector<1x128xf32>
    %mul3A_233 = vector.broadcast %slice3A_232 : vector<1x128xf32> to vector<512x128xf32>
    %mul3A_234 = arith.mulf %slice3A_231, %mul3A_233 : vector<512x128xf32>
    %slice3A_235 = vector.extract_strided_slice %get3A_15 {offsets = [0, 2304], sizes = [1, 128], strides = [1, 1]} : vector<1x4096xf32> to vector<1x128xf32>
    %add3A_236 = vector.broadcast %slice3A_235 : vector<1x128xf32> to vector<512x128xf32>
    %add3A_237 = arith.addf %mul3A_234, %add3A_236 : vector<512x128xf32>
    %gt3A_238 = arith.cmpf ogt, %add3A_237, %select_n3A_227 : vector<512x128xf32>
    %select_n3A_239 = arith.select %gt3A_238, %add3A_237, %select_n3A_227 : vector<512x128xi1>, vector<512x128xf32>
    %jit3A_240 = arith.constant 18 : i32
    %broadcast_in_dim3A_241 = vector.broadcast %jit3A_240 : i32 to vector<512x128xi32>
    %select_n3A_242 = arith.select %gt3A_238, %broadcast_in_dim3A_241, %select_n3A_230 : vector<512x128xi1>, vector<512x128xi32>
    %slice3A_243 = vector.extract_strided_slice %dot_general3A_16 {offsets = [0, 2432], sizes = [512, 128], strides = [1, 1]} : vector<512x4096xf32> to vector<512x128xf32>
    %slice3A_244 = vector.extract_strided_slice %get3A_12 {offsets = [0, 2432], sizes = [1, 128], strides = [1, 1]} : vector<1x4096xf32> to vector<1x128xf32>
    %mul3A_245 = vector.broadcast %slice3A_244 : vector<1x128xf32> to vector<512x128xf32>
    %mul3A_246 = arith.mulf %slice3A_243, %mul3A_245 : vector<512x128xf32>
    %slice3A_247 = vector.extract_strided_slice %get3A_15 {offsets = [0, 2432], sizes = [1, 128], strides = [1, 1]} : vector<1x4096xf32> to vector<1x128xf32>
    %add3A_248 = vector.broadcast %slice3A_247 : vector<1x128xf32> to vector<512x128xf32>
    %add3A_249 = arith.addf %mul3A_246, %add3A_248 : vector<512x128xf32>
    %gt3A_250 = arith.cmpf ogt, %add3A_249, %select_n3A_239 : vector<512x128xf32>
    %select_n3A_251 = arith.select %gt3A_250, %add3A_249, %select_n3A_239 : vector<512x128xi1>, vector<512x128xf32>
    %jit3A_252 = arith.constant 19 : i32
    %broadcast_in_dim3A_253 = vector.broadcast %jit3A_252 : i32 to vector<512x128xi32>
    %select_n3A_254 = arith.select %gt3A_250, %broadcast_in_dim3A_253, %select_n3A_242 : vector<512x128xi1>, vector<512x128xi32>
    %slice3A_255 = vector.extract_strided_slice %dot_general3A_16 {offsets = [0, 2560], sizes = [512, 128], strides = [1, 1]} : vector<512x4096xf32> to vector<512x128xf32>
    %slice3A_256 = vector.extract_strided_slice %get3A_12 {offsets = [0, 2560], sizes = [1, 128], strides = [1, 1]} : vector<1x4096xf32> to vector<1x128xf32>
    %mul3A_257 = vector.broadcast %slice3A_256 : vector<1x128xf32> to vector<512x128xf32>
    %mul3A_258 = arith.mulf %slice3A_255, %mul3A_257 : vector<512x128xf32>
    %slice3A_259 = vector.extract_strided_slice %get3A_15 {offsets = [0, 2560], sizes = [1, 128], strides = [1, 1]} : vector<1x4096xf32> to vector<1x128xf32>
    %add3A_260 = vector.broadcast %slice3A_259 : vector<1x128xf32> to vector<512x128xf32>
    %add3A_261 = arith.addf %mul3A_258, %add3A_260 : vector<512x128xf32>
    %gt3A_262 = arith.cmpf ogt, %add3A_261, %select_n3A_251 : vector<512x128xf32>
    %select_n3A_263 = arith.select %gt3A_262, %add3A_261, %select_n3A_251 : vector<512x128xi1>, vector<512x128xf32>
    %jit3A_264 = arith.constant 20 : i32
    %broadcast_in_dim3A_265 = vector.broadcast %jit3A_264 : i32 to vector<512x128xi32>
    %select_n3A_266 = arith.select %gt3A_262, %broadcast_in_dim3A_265, %select_n3A_254 : vector<512x128xi1>, vector<512x128xi32>
    %slice3A_267 = vector.extract_strided_slice %dot_general3A_16 {offsets = [0, 2688], sizes = [512, 128], strides = [1, 1]} : vector<512x4096xf32> to vector<512x128xf32>
    %slice3A_268 = vector.extract_strided_slice %get3A_12 {offsets = [0, 2688], sizes = [1, 128], strides = [1, 1]} : vector<1x4096xf32> to vector<1x128xf32>
    %mul3A_269 = vector.broadcast %slice3A_268 : vector<1x128xf32> to vector<512x128xf32>
    %mul3A_270 = arith.mulf %slice3A_267, %mul3A_269 : vector<512x128xf32>
    %slice3A_271 = vector.extract_strided_slice %get3A_15 {offsets = [0, 2688], sizes = [1, 128], strides = [1, 1]} : vector<1x4096xf32> to vector<1x128xf32>
    %add3A_272 = vector.broadcast %slice3A_271 : vector<1x128xf32> to vector<512x128xf32>
    %add3A_273 = arith.addf %mul3A_270, %add3A_272 : vector<512x128xf32>
    %gt3A_274 = arith.cmpf ogt, %add3A_273, %select_n3A_263 : vector<512x128xf32>
    %select_n3A_275 = arith.select %gt3A_274, %add3A_273, %select_n3A_263 : vector<512x128xi1>, vector<512x128xf32>
    %jit3A_276 = arith.constant 21 : i32
    %broadcast_in_dim3A_277 = vector.broadcast %jit3A_276 : i32 to vector<512x128xi32>
    %select_n3A_278 = arith.select %gt3A_274, %broadcast_in_dim3A_277, %select_n3A_266 : vector<512x128xi1>, vector<512x128xi32>
    %slice3A_279 = vector.extract_strided_slice %dot_general3A_16 {offsets = [0, 2816], sizes = [512, 128], strides = [1, 1]} : vector<512x4096xf32> to vector<512x128xf32>
    %slice3A_280 = vector.extract_strided_slice %get3A_12 {offsets = [0, 2816], sizes = [1, 128], strides = [1, 1]} : vector<1x4096xf32> to vector<1x128xf32>
    %mul3A_281 = vector.broadcast %slice3A_280 : vector<1x128xf32> to vector<512x128xf32>
    %mul3A_282 = arith.mulf %slice3A_279, %mul3A_281 : vector<512x128xf32>
    %slice3A_283 = vector.extract_strided_slice %get3A_15 {offsets = [0, 2816], sizes = [1, 128], strides = [1, 1]} : vector<1x4096xf32> to vector<1x128xf32>
    %add3A_284 = vector.broadcast %slice3A_283 : vector<1x128xf32> to vector<512x128xf32>
    %add3A_285 = arith.addf %mul3A_282, %add3A_284 : vector<512x128xf32>
    %gt3A_286 = arith.cmpf ogt, %add3A_285, %select_n3A_275 : vector<512x128xf32>
    %select_n3A_287 = arith.select %gt3A_286, %add3A_285, %select_n3A_275 : vector<512x128xi1>, vector<512x128xf32>
    %jit3A_288 = arith.constant 22 : i32
    %broadcast_in_dim3A_289 = vector.broadcast %jit3A_288 : i32 to vector<512x128xi32>
    %select_n3A_290 = arith.select %gt3A_286, %broadcast_in_dim3A_289, %select_n3A_278 : vector<512x128xi1>, vector<512x128xi32>
    %slice3A_291 = vector.extract_strided_slice %dot_general3A_16 {offsets = [0, 2944], sizes = [512, 128], strides = [1, 1]} : vector<512x4096xf32> to vector<512x128xf32>
    %slice3A_292 = vector.extract_strided_slice %get3A_12 {offsets = [0, 2944], sizes = [1, 128], strides = [1, 1]} : vector<1x4096xf32> to vector<1x128xf32>
    %mul3A_293 = vector.broadcast %slice3A_292 : vector<1x128xf32> to vector<512x128xf32>
    %mul3A_294 = arith.mulf %slice3A_291, %mul3A_293 : vector<512x128xf32>
    %slice3A_295 = vector.extract_strided_slice %get3A_15 {offsets = [0, 2944], sizes = [1, 128], strides = [1, 1]} : vector<1x4096xf32> to vector<1x128xf32>
    %add3A_296 = vector.broadcast %slice3A_295 : vector<1x128xf32> to vector<512x128xf32>
    %add3A_297 = arith.addf %mul3A_294, %add3A_296 : vector<512x128xf32>
    %gt3A_298 = arith.cmpf ogt, %add3A_297, %select_n3A_287 : vector<512x128xf32>
    %select_n3A_299 = arith.select %gt3A_298, %add3A_297, %select_n3A_287 : vector<512x128xi1>, vector<512x128xf32>
    %jit3A_300 = arith.constant 23 : i32
    %broadcast_in_dim3A_301 = vector.broadcast %jit3A_300 : i32 to vector<512x128xi32>
    %select_n3A_302 = arith.select %gt3A_298, %broadcast_in_dim3A_301, %select_n3A_290 : vector<512x128xi1>, vector<512x128xi32>
    %slice3A_303 = vector.extract_strided_slice %dot_general3A_16 {offsets = [0, 3072], sizes = [512, 128], strides = [1, 1]} : vector<512x4096xf32> to vector<512x128xf32>
    %slice3A_304 = vector.extract_strided_slice %get3A_12 {offsets = [0, 3072], sizes = [1, 128], strides = [1, 1]} : vector<1x4096xf32> to vector<1x128xf32>
    %mul3A_305 = vector.broadcast %slice3A_304 : vector<1x128xf32> to vector<512x128xf32>
    %mul3A_306 = arith.mulf %slice3A_303, %mul3A_305 : vector<512x128xf32>
    %slice3A_307 = vector.extract_strided_slice %get3A_15 {offsets = [0, 3072], sizes = [1, 128], strides = [1, 1]} : vector<1x4096xf32> to vector<1x128xf32>
    %add3A_308 = vector.broadcast %slice3A_307 : vector<1x128xf32> to vector<512x128xf32>
    %add3A_309 = arith.addf %mul3A_306, %add3A_308 : vector<512x128xf32>
    %gt3A_310 = arith.cmpf ogt, %add3A_309, %select_n3A_299 : vector<512x128xf32>
    %select_n3A_311 = arith.select %gt3A_310, %add3A_309, %select_n3A_299 : vector<512x128xi1>, vector<512x128xf32>
    %jit3A_312 = arith.constant 24 : i32
    %broadcast_in_dim3A_313 = vector.broadcast %jit3A_312 : i32 to vector<512x128xi32>
    %select_n3A_314 = arith.select %gt3A_310, %broadcast_in_dim3A_313, %select_n3A_302 : vector<512x128xi1>, vector<512x128xi32>
    %slice3A_315 = vector.extract_strided_slice %dot_general3A_16 {offsets = [0, 3200], sizes = [512, 128], strides = [1, 1]} : vector<512x4096xf32> to vector<512x128xf32>
    %slice3A_316 = vector.extract_strided_slice %get3A_12 {offsets = [0, 3200], sizes = [1, 128], strides = [1, 1]} : vector<1x4096xf32> to vector<1x128xf32>
    %mul3A_317 = vector.broadcast %slice3A_316 : vector<1x128xf32> to vector<512x128xf32>
    %mul3A_318 = arith.mulf %slice3A_315, %mul3A_317 : vector<512x128xf32>
    %slice3A_319 = vector.extract_strided_slice %get3A_15 {offsets = [0, 3200], sizes = [1, 128], strides = [1, 1]} : vector<1x4096xf32> to vector<1x128xf32>
    %add3A_320 = vector.broadcast %slice3A_319 : vector<1x128xf32> to vector<512x128xf32>
    %add3A_321 = arith.addf %mul3A_318, %add3A_320 : vector<512x128xf32>
    %gt3A_322 = arith.cmpf ogt, %add3A_321, %select_n3A_311 : vector<512x128xf32>
    %select_n3A_323 = arith.select %gt3A_322, %add3A_321, %select_n3A_311 : vector<512x128xi1>, vector<512x128xf32>
    %jit3A_324 = arith.constant 25 : i32
    %broadcast_in_dim3A_325 = vector.broadcast %jit3A_324 : i32 to vector<512x128xi32>
    %select_n3A_326 = arith.select %gt3A_322, %broadcast_in_dim3A_325, %select_n3A_314 : vector<512x128xi1>, vector<512x128xi32>
    %slice3A_327 = vector.extract_strided_slice %dot_general3A_16 {offsets = [0, 3328], sizes = [512, 128], strides = [1, 1]} : vector<512x4096xf32> to vector<512x128xf32>
    %slice3A_328 = vector.extract_strided_slice %get3A_12 {offsets = [0, 3328], sizes = [1, 128], strides = [1, 1]} : vector<1x4096xf32> to vector<1x128xf32>
    %mul3A_329 = vector.broadcast %slice3A_328 : vector<1x128xf32> to vector<512x128xf32>
    %mul3A_330 = arith.mulf %slice3A_327, %mul3A_329 : vector<512x128xf32>
    %slice3A_331 = vector.extract_strided_slice %get3A_15 {offsets = [0, 3328], sizes = [1, 128], strides = [1, 1]} : vector<1x4096xf32> to vector<1x128xf32>
    %add3A_332 = vector.broadcast %slice3A_331 : vector<1x128xf32> to vector<512x128xf32>
    %add3A_333 = arith.addf %mul3A_330, %add3A_332 : vector<512x128xf32>
    %gt3A_334 = arith.cmpf ogt, %add3A_333, %select_n3A_323 : vector<512x128xf32>
    %select_n3A_335 = arith.select %gt3A_334, %add3A_333, %select_n3A_323 : vector<512x128xi1>, vector<512x128xf32>
    %jit3A_336 = arith.constant 26 : i32
    %broadcast_in_dim3A_337 = vector.broadcast %jit3A_336 : i32 to vector<512x128xi32>
    %select_n3A_338 = arith.select %gt3A_334, %broadcast_in_dim3A_337, %select_n3A_326 : vector<512x128xi1>, vector<512x128xi32>
    %slice3A_339 = vector.extract_strided_slice %dot_general3A_16 {offsets = [0, 3456], sizes = [512, 128], strides = [1, 1]} : vector<512x4096xf32> to vector<512x128xf32>
    %slice3A_340 = vector.extract_strided_slice %get3A_12 {offsets = [0, 3456], sizes = [1, 128], strides = [1, 1]} : vector<1x4096xf32> to vector<1x128xf32>
    %mul3A_341 = vector.broadcast %slice3A_340 : vector<1x128xf32> to vector<512x128xf32>
    %mul3A_342 = arith.mulf %slice3A_339, %mul3A_341 : vector<512x128xf32>
    %slice3A_343 = vector.extract_strided_slice %get3A_15 {offsets = [0, 3456], sizes = [1, 128], strides = [1, 1]} : vector<1x4096xf32> to vector<1x128xf32>
    %add3A_344 = vector.broadcast %slice3A_343 : vector<1x128xf32> to vector<512x128xf32>
    %add3A_345 = arith.addf %mul3A_342, %add3A_344 : vector<512x128xf32>
    %gt3A_346 = arith.cmpf ogt, %add3A_345, %select_n3A_335 : vector<512x128xf32>
    %select_n3A_347 = arith.select %gt3A_346, %add3A_345, %select_n3A_335 : vector<512x128xi1>, vector<512x128xf32>
    %jit3A_348 = arith.constant 27 : i32
    %broadcast_in_dim3A_349 = vector.broadcast %jit3A_348 : i32 to vector<512x128xi32>
    %select_n3A_350 = arith.select %gt3A_346, %broadcast_in_dim3A_349, %select_n3A_338 : vector<512x128xi1>, vector<512x128xi32>
    %slice3A_351 = vector.extract_strided_slice %dot_general3A_16 {offsets = [0, 3584], sizes = [512, 128], strides = [1, 1]} : vector<512x4096xf32> to vector<512x128xf32>
    %slice3A_352 = vector.extract_strided_slice %get3A_12 {offsets = [0, 3584], sizes = [1, 128], strides = [1, 1]} : vector<1x4096xf32> to vector<1x128xf32>
    %mul3A_353 = vector.broadcast %slice3A_352 : vector<1x128xf32> to vector<512x128xf32>
    %mul3A_354 = arith.mulf %slice3A_351, %mul3A_353 : vector<512x128xf32>
    %slice3A_355 = vector.extract_strided_slice %get3A_15 {offsets = [0, 3584], sizes = [1, 128], strides = [1, 1]} : vector<1x4096xf32> to vector<1x128xf32>
    %add3A_356 = vector.broadcast %slice3A_355 : vector<1x128xf32> to vector<512x128xf32>
    %add3A_357 = arith.addf %mul3A_354, %add3A_356 : vector<512x128xf32>
    %gt3A_358 = arith.cmpf ogt, %add3A_357, %select_n3A_347 : vector<512x128xf32>
    %select_n3A_359 = arith.select %gt3A_358, %add3A_357, %select_n3A_347 : vector<512x128xi1>, vector<512x128xf32>
    %jit3A_360 = arith.constant 28 : i32
    %broadcast_in_dim3A_361 = vector.broadcast %jit3A_360 : i32 to vector<512x128xi32>
    %select_n3A_362 = arith.select %gt3A_358, %broadcast_in_dim3A_361, %select_n3A_350 : vector<512x128xi1>, vector<512x128xi32>
    %slice3A_363 = vector.extract_strided_slice %dot_general3A_16 {offsets = [0, 3712], sizes = [512, 128], strides = [1, 1]} : vector<512x4096xf32> to vector<512x128xf32>
    %slice3A_364 = vector.extract_strided_slice %get3A_12 {offsets = [0, 3712], sizes = [1, 128], strides = [1, 1]} : vector<1x4096xf32> to vector<1x128xf32>
    %mul3A_365 = vector.broadcast %slice3A_364 : vector<1x128xf32> to vector<512x128xf32>
    %mul3A_366 = arith.mulf %slice3A_363, %mul3A_365 : vector<512x128xf32>
    %slice3A_367 = vector.extract_strided_slice %get3A_15 {offsets = [0, 3712], sizes = [1, 128], strides = [1, 1]} : vector<1x4096xf32> to vector<1x128xf32>
    %add3A_368 = vector.broadcast %slice3A_367 : vector<1x128xf32> to vector<512x128xf32>
    %add3A_369 = arith.addf %mul3A_366, %add3A_368 : vector<512x128xf32>
    %gt3A_370 = arith.cmpf ogt, %add3A_369, %select_n3A_359 : vector<512x128xf32>
    %select_n3A_371 = arith.select %gt3A_370, %add3A_369, %select_n3A_359 : vector<512x128xi1>, vector<512x128xf32>
    %jit3A_372 = arith.constant 29 : i32
    %broadcast_in_dim3A_373 = vector.broadcast %jit3A_372 : i32 to vector<512x128xi32>
    %select_n3A_374 = arith.select %gt3A_370, %broadcast_in_dim3A_373, %select_n3A_362 : vector<512x128xi1>, vector<512x128xi32>
    %slice3A_375 = vector.extract_strided_slice %dot_general3A_16 {offsets = [0, 3840], sizes = [512, 128], strides = [1, 1]} : vector<512x4096xf32> to vector<512x128xf32>
    %slice3A_376 = vector.extract_strided_slice %get3A_12 {offsets = [0, 3840], sizes = [1, 128], strides = [1, 1]} : vector<1x4096xf32> to vector<1x128xf32>
    %mul3A_377 = vector.broadcast %slice3A_376 : vector<1x128xf32> to vector<512x128xf32>
    %mul3A_378 = arith.mulf %slice3A_375, %mul3A_377 : vector<512x128xf32>
    %slice3A_379 = vector.extract_strided_slice %get3A_15 {offsets = [0, 3840], sizes = [1, 128], strides = [1, 1]} : vector<1x4096xf32> to vector<1x128xf32>
    %add3A_380 = vector.broadcast %slice3A_379 : vector<1x128xf32> to vector<512x128xf32>
    %add3A_381 = arith.addf %mul3A_378, %add3A_380 : vector<512x128xf32>
    %gt3A_382 = arith.cmpf ogt, %add3A_381, %select_n3A_371 : vector<512x128xf32>
    %select_n3A_383 = arith.select %gt3A_382, %add3A_381, %select_n3A_371 : vector<512x128xi1>, vector<512x128xf32>
    %jit3A_384 = arith.constant 30 : i32
    %broadcast_in_dim3A_385 = vector.broadcast %jit3A_384 : i32 to vector<512x128xi32>
    %select_n3A_386 = arith.select %gt3A_382, %broadcast_in_dim3A_385, %select_n3A_374 : vector<512x128xi1>, vector<512x128xi32>
    %slice3A_387 = vector.extract_strided_slice %dot_general3A_16 {offsets = [0, 3968], sizes = [512, 128], strides = [1, 1]} : vector<512x4096xf32> to vector<512x128xf32>
    %slice3A_388 = vector.extract_strided_slice %get3A_12 {offsets = [0, 3968], sizes = [1, 128], strides = [1, 1]} : vector<1x4096xf32> to vector<1x128xf32>
    %mul3A_389 = vector.broadcast %slice3A_388 : vector<1x128xf32> to vector<512x128xf32>
    %mul3A_390 = arith.mulf %slice3A_387, %mul3A_389 : vector<512x128xf32>
    %slice3A_391 = vector.extract_strided_slice %get3A_15 {offsets = [0, 3968], sizes = [1, 128], strides = [1, 1]} : vector<1x4096xf32> to vector<1x128xf32>
    %add3A_392 = vector.broadcast %slice3A_391 : vector<1x128xf32> to vector<512x128xf32>
    %add3A_393 = arith.addf %mul3A_390, %add3A_392 : vector<512x128xf32>
    %gt3A_394 = arith.cmpf ogt, %add3A_393, %select_n3A_383 : vector<512x128xf32>
    %select_n3A_395 = arith.select %gt3A_394, %add3A_393, %select_n3A_383 : vector<512x128xi1>, vector<512x128xf32>
    %jit3A_396 = arith.constant 31 : i32
    %broadcast_in_dim3A_397 = vector.broadcast %jit3A_396 : i32 to vector<512x128xi32>
    %select_n3A_398 = arith.select %gt3A_394, %broadcast_in_dim3A_397, %select_n3A_386 : vector<512x128xi1>, vector<512x128xi32>
    %mul3A_399 = arith.constant 128 : i32
    %mul3A_400 = vector.broadcast %mul3A_399 : i32 to vector<512x128xi32>
    %mul3A_401 = arith.muli %select_n3A_398, %mul3A_400 : vector<512x128xi32>
    %add3A_402 = arith.addi %mul3A_401, %iota3A : vector<512x128xi32>
    %transpose3A = tpu.transpose %select_n3A_395, [1, 0] : vector<512x128xf32> -> vector<128x512xf32>
    %transpose3A_403 = tpu.transpose %add3A_402, [1, 0] : vector<512x128xi32> -> vector<128x512xi32>
    %reduce_max3A = arith.constant dense<0xFF800000> : vector<512xf32>
    %reduce_max3A_404 = vector.multi_reduction <maximumf>, %transpose3A, %reduce_max3A [0] : vector<128x512xf32> to vector<512xf32>
    %broadcast_in_dim3A_405 = vector.shape_cast %reduce_max3A_404 : vector<512xf32> to vector<1x512xf32>
    %eq3A_406 = vector.broadcast %broadcast_in_dim3A_405 : vector<1x512xf32> to vector<128x512xf32>
    %eq3A_407 = arith.cmpf oeq, %transpose3A, %eq3A_406 : vector<128x512xf32>
    %jit3A_408 = arith.constant 4096 : i32
    %broadcast_in_dim3A_409 = vector.broadcast %jit3A_408 : i32 to vector<128x512xi32>
    %select_n3A_410 = arith.select %eq3A_407, %transpose3A_403, %broadcast_in_dim3A_409 : vector<128x512xi1>, vector<128x512xi32>
    %reduce_min3A = arith.constant dense<2147483647> : vector<512xi32>
    %reduce_min3A_411 = vector.multi_reduction <minsi>, %select_n3A_410, %reduce_min3A [0] : vector<128x512xi32> to vector<512xi32>
    %mul3A_412 = arith.mulf %reduce_max3A_404, %div3A_6 : vector<512xf32>
    %get3A_413 = arith.constant 0 : index
    %get3A_414 = arith.constant 0 : index
    %get3A_415 = vector.load %arg3[%get3A_413, %get3A_414] : memref<256x4096xf32, #tpu.memory_space<vmem>>, vector<256x4096xf32>
    %get3A_416 = arith.constant 0 : index
    %get3A_417 = arith.constant 0 : index
    %get3A_418 = vector.load %arg12[%get3A_416, %get3A_417] : memref<1x4096xf32, #tpu.memory_space<vmem>>, vector<1x4096xf32>
    %get3A_419 = arith.constant 0 : index
    %get3A_420 = arith.constant 0 : index
    %get3A_421 = vector.load %arg13[%get3A_419, %get3A_420] : memref<1x4096xf32, #tpu.memory_space<vmem>>, vector<1x4096xf32>
    %dot_general3A_422 = arith.constant dense<0.000000e+00> : vector<512x4096xf32>
    %dot_general3A_423 = tpu.matmul %get3A_3, %get3A_415, %dot_general3A_422 {dimension_numbers = #tpu.dot_dimension_numbers<[0], [0], [1], [1], [0, 1, 1, 1], [], []>, transpose_lhs_hint = false} : vector<256x512xf32>, vector<256x4096xf32>, vector<512x4096xf32> -> vector<512x4096xf32>
    %broadcast_in_dim3A_424 = arith.constant 0xFF800000 : f32
    %broadcast_in_dim3A_425 = vector.broadcast %broadcast_in_dim3A_424 : f32 to vector<512x128xf32>
    %broadcast_in_dim3A_426 = arith.constant 0 : i32
    %broadcast_in_dim3A_427 = vector.broadcast %broadcast_in_dim3A_426 : i32 to vector<512x128xi32>
    %slice3A_428 = vector.extract_strided_slice %dot_general3A_423 {offsets = [0, 0], sizes = [512, 128], strides = [1, 1]} : vector<512x4096xf32> to vector<512x128xf32>
    %slice3A_429 = vector.extract_strided_slice %get3A_418 {offsets = [0, 0], sizes = [1, 128], strides = [1, 1]} : vector<1x4096xf32> to vector<1x128xf32>
    %mul3A_430 = vector.broadcast %slice3A_429 : vector<1x128xf32> to vector<512x128xf32>
    %mul3A_431 = arith.mulf %slice3A_428, %mul3A_430 : vector<512x128xf32>
    %slice3A_432 = vector.extract_strided_slice %get3A_421 {offsets = [0, 0], sizes = [1, 128], strides = [1, 1]} : vector<1x4096xf32> to vector<1x128xf32>
    %add3A_433 = vector.broadcast %slice3A_432 : vector<1x128xf32> to vector<512x128xf32>
    %add3A_434 = arith.addf %mul3A_431, %add3A_433 : vector<512x128xf32>
    %gt3A_435 = arith.cmpf ogt, %add3A_434, %broadcast_in_dim3A_425 : vector<512x128xf32>
    %select_n3A_436 = arith.select %gt3A_435, %add3A_434, %broadcast_in_dim3A_425 : vector<512x128xi1>, vector<512x128xf32>
    %jit3A_437 = arith.constant 0 : i32
    %broadcast_in_dim3A_438 = vector.broadcast %jit3A_437 : i32 to vector<512x128xi32>
    %select_n3A_439 = arith.select %gt3A_435, %broadcast_in_dim3A_438, %broadcast_in_dim3A_427 : vector<512x128xi1>, vector<512x128xi32>
    %slice3A_440 = vector.extract_strided_slice %dot_general3A_423 {offsets = [0, 128], sizes = [512, 128], strides = [1, 1]} : vector<512x4096xf32> to vector<512x128xf32>
    %slice3A_441 = vector.extract_strided_slice %get3A_418 {offsets = [0, 128], sizes = [1, 128], strides = [1, 1]} : vector<1x4096xf32> to vector<1x128xf32>
    %mul3A_442 = vector.broadcast %slice3A_441 : vector<1x128xf32> to vector<512x128xf32>
    %mul3A_443 = arith.mulf %slice3A_440, %mul3A_442 : vector<512x128xf32>
    %slice3A_444 = vector.extract_strided_slice %get3A_421 {offsets = [0, 128], sizes = [1, 128], strides = [1, 1]} : vector<1x4096xf32> to vector<1x128xf32>
    %add3A_445 = vector.broadcast %slice3A_444 : vector<1x128xf32> to vector<512x128xf32>
    %add3A_446 = arith.addf %mul3A_443, %add3A_445 : vector<512x128xf32>
    %gt3A_447 = arith.cmpf ogt, %add3A_446, %select_n3A_436 : vector<512x128xf32>
    %select_n3A_448 = arith.select %gt3A_447, %add3A_446, %select_n3A_436 : vector<512x128xi1>, vector<512x128xf32>
    %jit3A_449 = arith.constant 1 : i32
    %broadcast_in_dim3A_450 = vector.broadcast %jit3A_449 : i32 to vector<512x128xi32>
    %select_n3A_451 = arith.select %gt3A_447, %broadcast_in_dim3A_450, %select_n3A_439 : vector<512x128xi1>, vector<512x128xi32>
    %slice3A_452 = vector.extract_strided_slice %dot_general3A_423 {offsets = [0, 256], sizes = [512, 128], strides = [1, 1]} : vector<512x4096xf32> to vector<512x128xf32>
    %slice3A_453 = vector.extract_strided_slice %get3A_418 {offsets = [0, 256], sizes = [1, 128], strides = [1, 1]} : vector<1x4096xf32> to vector<1x128xf32>
    %mul3A_454 = vector.broadcast %slice3A_453 : vector<1x128xf32> to vector<512x128xf32>
    %mul3A_455 = arith.mulf %slice3A_452, %mul3A_454 : vector<512x128xf32>
    %slice3A_456 = vector.extract_strided_slice %get3A_421 {offsets = [0, 256], sizes = [1, 128], strides = [1, 1]} : vector<1x4096xf32> to vector<1x128xf32>
    %add3A_457 = vector.broadcast %slice3A_456 : vector<1x128xf32> to vector<512x128xf32>
    %add3A_458 = arith.addf %mul3A_455, %add3A_457 : vector<512x128xf32>
    %gt3A_459 = arith.cmpf ogt, %add3A_458, %select_n3A_448 : vector<512x128xf32>
    %select_n3A_460 = arith.select %gt3A_459, %add3A_458, %select_n3A_448 : vector<512x128xi1>, vector<512x128xf32>
    %jit3A_461 = arith.constant 2 : i32
    %broadcast_in_dim3A_462 = vector.broadcast %jit3A_461 : i32 to vector<512x128xi32>
    %select_n3A_463 = arith.select %gt3A_459, %broadcast_in_dim3A_462, %select_n3A_451 : vector<512x128xi1>, vector<512x128xi32>
    %slice3A_464 = vector.extract_strided_slice %dot_general3A_423 {offsets = [0, 384], sizes = [512, 128], strides = [1, 1]} : vector<512x4096xf32> to vector<512x128xf32>
    %slice3A_465 = vector.extract_strided_slice %get3A_418 {offsets = [0, 384], sizes = [1, 128], strides = [1, 1]} : vector<1x4096xf32> to vector<1x128xf32>
    %mul3A_466 = vector.broadcast %slice3A_465 : vector<1x128xf32> to vector<512x128xf32>
    %mul3A_467 = arith.mulf %slice3A_464, %mul3A_466 : vector<512x128xf32>
    %slice3A_468 = vector.extract_strided_slice %get3A_421 {offsets = [0, 384], sizes = [1, 128], strides = [1, 1]} : vector<1x4096xf32> to vector<1x128xf32>
    %add3A_469 = vector.broadcast %slice3A_468 : vector<1x128xf32> to vector<512x128xf32>
    %add3A_470 = arith.addf %mul3A_467, %add3A_469 : vector<512x128xf32>
    %gt3A_471 = arith.cmpf ogt, %add3A_470, %select_n3A_460 : vector<512x128xf32>
    %select_n3A_472 = arith.select %gt3A_471, %add3A_470, %select_n3A_460 : vector<512x128xi1>, vector<512x128xf32>
    %jit3A_473 = arith.constant 3 : i32
    %broadcast_in_dim3A_474 = vector.broadcast %jit3A_473 : i32 to vector<512x128xi32>
    %select_n3A_475 = arith.select %gt3A_471, %broadcast_in_dim3A_474, %select_n3A_463 : vector<512x128xi1>, vector<512x128xi32>
    %slice3A_476 = vector.extract_strided_slice %dot_general3A_423 {offsets = [0, 512], sizes = [512, 128], strides = [1, 1]} : vector<512x4096xf32> to vector<512x128xf32>
    %slice3A_477 = vector.extract_strided_slice %get3A_418 {offsets = [0, 512], sizes = [1, 128], strides = [1, 1]} : vector<1x4096xf32> to vector<1x128xf32>
    %mul3A_478 = vector.broadcast %slice3A_477 : vector<1x128xf32> to vector<512x128xf32>
    %mul3A_479 = arith.mulf %slice3A_476, %mul3A_478 : vector<512x128xf32>
    %slice3A_480 = vector.extract_strided_slice %get3A_421 {offsets = [0, 512], sizes = [1, 128], strides = [1, 1]} : vector<1x4096xf32> to vector<1x128xf32>
    %add3A_481 = vector.broadcast %slice3A_480 : vector<1x128xf32> to vector<512x128xf32>
    %add3A_482 = arith.addf %mul3A_479, %add3A_481 : vector<512x128xf32>
    %gt3A_483 = arith.cmpf ogt, %add3A_482, %select_n3A_472 : vector<512x128xf32>
    %select_n3A_484 = arith.select %gt3A_483, %add3A_482, %select_n3A_472 : vector<512x128xi1>, vector<512x128xf32>
    %jit3A_485 = arith.constant 4 : i32
    %broadcast_in_dim3A_486 = vector.broadcast %jit3A_485 : i32 to vector<512x128xi32>
    %select_n3A_487 = arith.select %gt3A_483, %broadcast_in_dim3A_486, %select_n3A_475 : vector<512x128xi1>, vector<512x128xi32>
    %slice3A_488 = vector.extract_strided_slice %dot_general3A_423 {offsets = [0, 640], sizes = [512, 128], strides = [1, 1]} : vector<512x4096xf32> to vector<512x128xf32>
    %slice3A_489 = vector.extract_strided_slice %get3A_418 {offsets = [0, 640], sizes = [1, 128], strides = [1, 1]} : vector<1x4096xf32> to vector<1x128xf32>
    %mul3A_490 = vector.broadcast %slice3A_489 : vector<1x128xf32> to vector<512x128xf32>
    %mul3A_491 = arith.mulf %slice3A_488, %mul3A_490 : vector<512x128xf32>
    %slice3A_492 = vector.extract_strided_slice %get3A_421 {offsets = [0, 640], sizes = [1, 128], strides = [1, 1]} : vector<1x4096xf32> to vector<1x128xf32>
    %add3A_493 = vector.broadcast %slice3A_492 : vector<1x128xf32> to vector<512x128xf32>
    %add3A_494 = arith.addf %mul3A_491, %add3A_493 : vector<512x128xf32>
    %gt3A_495 = arith.cmpf ogt, %add3A_494, %select_n3A_484 : vector<512x128xf32>
    %select_n3A_496 = arith.select %gt3A_495, %add3A_494, %select_n3A_484 : vector<512x128xi1>, vector<512x128xf32>
    %jit3A_497 = arith.constant 5 : i32
    %broadcast_in_dim3A_498 = vector.broadcast %jit3A_497 : i32 to vector<512x128xi32>
    %select_n3A_499 = arith.select %gt3A_495, %broadcast_in_dim3A_498, %select_n3A_487 : vector<512x128xi1>, vector<512x128xi32>
    %slice3A_500 = vector.extract_strided_slice %dot_general3A_423 {offsets = [0, 768], sizes = [512, 128], strides = [1, 1]} : vector<512x4096xf32> to vector<512x128xf32>
    %slice3A_501 = vector.extract_strided_slice %get3A_418 {offsets = [0, 768], sizes = [1, 128], strides = [1, 1]} : vector<1x4096xf32> to vector<1x128xf32>
    %mul3A_502 = vector.broadcast %slice3A_501 : vector<1x128xf32> to vector<512x128xf32>
    %mul3A_503 = arith.mulf %slice3A_500, %mul3A_502 : vector<512x128xf32>
    %slice3A_504 = vector.extract_strided_slice %get3A_421 {offsets = [0, 768], sizes = [1, 128], strides = [1, 1]} : vector<1x4096xf32> to vector<1x128xf32>
    %add3A_505 = vector.broadcast %slice3A_504 : vector<1x128xf32> to vector<512x128xf32>
    %add3A_506 = arith.addf %mul3A_503, %add3A_505 : vector<512x128xf32>
    %gt3A_507 = arith.cmpf ogt, %add3A_506, %select_n3A_496 : vector<512x128xf32>
    %select_n3A_508 = arith.select %gt3A_507, %add3A_506, %select_n3A_496 : vector<512x128xi1>, vector<512x128xf32>
    %jit3A_509 = arith.constant 6 : i32
    %broadcast_in_dim3A_510 = vector.broadcast %jit3A_509 : i32 to vector<512x128xi32>
    %select_n3A_511 = arith.select %gt3A_507, %broadcast_in_dim3A_510, %select_n3A_499 : vector<512x128xi1>, vector<512x128xi32>
    %slice3A_512 = vector.extract_strided_slice %dot_general3A_423 {offsets = [0, 896], sizes = [512, 128], strides = [1, 1]} : vector<512x4096xf32> to vector<512x128xf32>
    %slice3A_513 = vector.extract_strided_slice %get3A_418 {offsets = [0, 896], sizes = [1, 128], strides = [1, 1]} : vector<1x4096xf32> to vector<1x128xf32>
    %mul3A_514 = vector.broadcast %slice3A_513 : vector<1x128xf32> to vector<512x128xf32>
    %mul3A_515 = arith.mulf %slice3A_512, %mul3A_514 : vector<512x128xf32>
    %slice3A_516 = vector.extract_strided_slice %get3A_421 {offsets = [0, 896], sizes = [1, 128], strides = [1, 1]} : vector<1x4096xf32> to vector<1x128xf32>
    %add3A_517 = vector.broadcast %slice3A_516 : vector<1x128xf32> to vector<512x128xf32>
    %add3A_518 = arith.addf %mul3A_515, %add3A_517 : vector<512x128xf32>
    %gt3A_519 = arith.cmpf ogt, %add3A_518, %select_n3A_508 : vector<512x128xf32>
    %select_n3A_520 = arith.select %gt3A_519, %add3A_518, %select_n3A_508 : vector<512x128xi1>, vector<512x128xf32>
    %jit3A_521 = arith.constant 7 : i32
    %broadcast_in_dim3A_522 = vector.broadcast %jit3A_521 : i32 to vector<512x128xi32>
    %select_n3A_523 = arith.select %gt3A_519, %broadcast_in_dim3A_522, %select_n3A_511 : vector<512x128xi1>, vector<512x128xi32>
    %slice3A_524 = vector.extract_strided_slice %dot_general3A_423 {offsets = [0, 1024], sizes = [512, 128], strides = [1, 1]} : vector<512x4096xf32> to vector<512x128xf32>
    %slice3A_525 = vector.extract_strided_slice %get3A_418 {offsets = [0, 1024], sizes = [1, 128], strides = [1, 1]} : vector<1x4096xf32> to vector<1x128xf32>
    %mul3A_526 = vector.broadcast %slice3A_525 : vector<1x128xf32> to vector<512x128xf32>
    %mul3A_527 = arith.mulf %slice3A_524, %mul3A_526 : vector<512x128xf32>
    %slice3A_528 = vector.extract_strided_slice %get3A_421 {offsets = [0, 1024], sizes = [1, 128], strides = [1, 1]} : vector<1x4096xf32> to vector<1x128xf32>
    %add3A_529 = vector.broadcast %slice3A_528 : vector<1x128xf32> to vector<512x128xf32>
    %add3A_530 = arith.addf %mul3A_527, %add3A_529 : vector<512x128xf32>
    %gt3A_531 = arith.cmpf ogt, %add3A_530, %select_n3A_520 : vector<512x128xf32>
    %select_n3A_532 = arith.select %gt3A_531, %add3A_530, %select_n3A_520 : vector<512x128xi1>, vector<512x128xf32>
    %jit3A_533 = arith.constant 8 : i32
    %broadcast_in_dim3A_534 = vector.broadcast %jit3A_533 : i32 to vector<512x128xi32>
    %select_n3A_535 = arith.select %gt3A_531, %broadcast_in_dim3A_534, %select_n3A_523 : vector<512x128xi1>, vector<512x128xi32>
    %slice3A_536 = vector.extract_strided_slice %dot_general3A_423 {offsets = [0, 1152], sizes = [512, 128], strides = [1, 1]} : vector<512x4096xf32> to vector<512x128xf32>
    %slice3A_537 = vector.extract_strided_slice %get3A_418 {offsets = [0, 1152], sizes = [1, 128], strides = [1, 1]} : vector<1x4096xf32> to vector<1x128xf32>
    %mul3A_538 = vector.broadcast %slice3A_537 : vector<1x128xf32> to vector<512x128xf32>
    %mul3A_539 = arith.mulf %slice3A_536, %mul3A_538 : vector<512x128xf32>
    %slice3A_540 = vector.extract_strided_slice %get3A_421 {offsets = [0, 1152], sizes = [1, 128], strides = [1, 1]} : vector<1x4096xf32> to vector<1x128xf32>
    %add3A_541 = vector.broadcast %slice3A_540 : vector<1x128xf32> to vector<512x128xf32>
    %add3A_542 = arith.addf %mul3A_539, %add3A_541 : vector<512x128xf32>
    %gt3A_543 = arith.cmpf ogt, %add3A_542, %select_n3A_532 : vector<512x128xf32>
    %select_n3A_544 = arith.select %gt3A_543, %add3A_542, %select_n3A_532 : vector<512x128xi1>, vector<512x128xf32>
    %jit3A_545 = arith.constant 9 : i32
    %broadcast_in_dim3A_546 = vector.broadcast %jit3A_545 : i32 to vector<512x128xi32>
    %select_n3A_547 = arith.select %gt3A_543, %broadcast_in_dim3A_546, %select_n3A_535 : vector<512x128xi1>, vector<512x128xi32>
    %slice3A_548 = vector.extract_strided_slice %dot_general3A_423 {offsets = [0, 1280], sizes = [512, 128], strides = [1, 1]} : vector<512x4096xf32> to vector<512x128xf32>
    %slice3A_549 = vector.extract_strided_slice %get3A_418 {offsets = [0, 1280], sizes = [1, 128], strides = [1, 1]} : vector<1x4096xf32> to vector<1x128xf32>
    %mul3A_550 = vector.broadcast %slice3A_549 : vector<1x128xf32> to vector<512x128xf32>
    %mul3A_551 = arith.mulf %slice3A_548, %mul3A_550 : vector<512x128xf32>
    %slice3A_552 = vector.extract_strided_slice %get3A_421 {offsets = [0, 1280], sizes = [1, 128], strides = [1, 1]} : vector<1x4096xf32> to vector<1x128xf32>
    %add3A_553 = vector.broadcast %slice3A_552 : vector<1x128xf32> to vector<512x128xf32>
    %add3A_554 = arith.addf %mul3A_551, %add3A_553 : vector<512x128xf32>
    %gt3A_555 = arith.cmpf ogt, %add3A_554, %select_n3A_544 : vector<512x128xf32>
    %select_n3A_556 = arith.select %gt3A_555, %add3A_554, %select_n3A_544 : vector<512x128xi1>, vector<512x128xf32>
    %jit3A_557 = arith.constant 10 : i32
    %broadcast_in_dim3A_558 = vector.broadcast %jit3A_557 : i32 to vector<512x128xi32>
    %select_n3A_559 = arith.select %gt3A_555, %broadcast_in_dim3A_558, %select_n3A_547 : vector<512x128xi1>, vector<512x128xi32>
    %slice3A_560 = vector.extract_strided_slice %dot_general3A_423 {offsets = [0, 1408], sizes = [512, 128], strides = [1, 1]} : vector<512x4096xf32> to vector<512x128xf32>
    %slice3A_561 = vector.extract_strided_slice %get3A_418 {offsets = [0, 1408], sizes = [1, 128], strides = [1, 1]} : vector<1x4096xf32> to vector<1x128xf32>
    %mul3A_562 = vector.broadcast %slice3A_561 : vector<1x128xf32> to vector<512x128xf32>
    %mul3A_563 = arith.mulf %slice3A_560, %mul3A_562 : vector<512x128xf32>
    %slice3A_564 = vector.extract_strided_slice %get3A_421 {offsets = [0, 1408], sizes = [1, 128], strides = [1, 1]} : vector<1x4096xf32> to vector<1x128xf32>
    %add3A_565 = vector.broadcast %slice3A_564 : vector<1x128xf32> to vector<512x128xf32>
    %add3A_566 = arith.addf %mul3A_563, %add3A_565 : vector<512x128xf32>
    %gt3A_567 = arith.cmpf ogt, %add3A_566, %select_n3A_556 : vector<512x128xf32>
    %select_n3A_568 = arith.select %gt3A_567, %add3A_566, %select_n3A_556 : vector<512x128xi1>, vector<512x128xf32>
    %jit3A_569 = arith.constant 11 : i32
    %broadcast_in_dim3A_570 = vector.broadcast %jit3A_569 : i32 to vector<512x128xi32>
    %select_n3A_571 = arith.select %gt3A_567, %broadcast_in_dim3A_570, %select_n3A_559 : vector<512x128xi1>, vector<512x128xi32>
    %slice3A_572 = vector.extract_strided_slice %dot_general3A_423 {offsets = [0, 1536], sizes = [512, 128], strides = [1, 1]} : vector<512x4096xf32> to vector<512x128xf32>
    %slice3A_573 = vector.extract_strided_slice %get3A_418 {offsets = [0, 1536], sizes = [1, 128], strides = [1, 1]} : vector<1x4096xf32> to vector<1x128xf32>
    %mul3A_574 = vector.broadcast %slice3A_573 : vector<1x128xf32> to vector<512x128xf32>
    %mul3A_575 = arith.mulf %slice3A_572, %mul3A_574 : vector<512x128xf32>
    %slice3A_576 = vector.extract_strided_slice %get3A_421 {offsets = [0, 1536], sizes = [1, 128], strides = [1, 1]} : vector<1x4096xf32> to vector<1x128xf32>
    %add3A_577 = vector.broadcast %slice3A_576 : vector<1x128xf32> to vector<512x128xf32>
    %add3A_578 = arith.addf %mul3A_575, %add3A_577 : vector<512x128xf32>
    %gt3A_579 = arith.cmpf ogt, %add3A_578, %select_n3A_568 : vector<512x128xf32>
    %select_n3A_580 = arith.select %gt3A_579, %add3A_578, %select_n3A_568 : vector<512x128xi1>, vector<512x128xf32>
    %jit3A_581 = arith.constant 12 : i32
    %broadcast_in_dim3A_582 = vector.broadcast %jit3A_581 : i32 to vector<512x128xi32>
    %select_n3A_583 = arith.select %gt3A_579, %broadcast_in_dim3A_582, %select_n3A_571 : vector<512x128xi1>, vector<512x128xi32>
    %slice3A_584 = vector.extract_strided_slice %dot_general3A_423 {offsets = [0, 1664], sizes = [512, 128], strides = [1, 1]} : vector<512x4096xf32> to vector<512x128xf32>
    %slice3A_585 = vector.extract_strided_slice %get3A_418 {offsets = [0, 1664], sizes = [1, 128], strides = [1, 1]} : vector<1x4096xf32> to vector<1x128xf32>
    %mul3A_586 = vector.broadcast %slice3A_585 : vector<1x128xf32> to vector<512x128xf32>
    %mul3A_587 = arith.mulf %slice3A_584, %mul3A_586 : vector<512x128xf32>
    %slice3A_588 = vector.extract_strided_slice %get3A_421 {offsets = [0, 1664], sizes = [1, 128], strides = [1, 1]} : vector<1x4096xf32> to vector<1x128xf32>
    %add3A_589 = vector.broadcast %slice3A_588 : vector<1x128xf32> to vector<512x128xf32>
    %add3A_590 = arith.addf %mul3A_587, %add3A_589 : vector<512x128xf32>
    %gt3A_591 = arith.cmpf ogt, %add3A_590, %select_n3A_580 : vector<512x128xf32>
    %select_n3A_592 = arith.select %gt3A_591, %add3A_590, %select_n3A_580 : vector<512x128xi1>, vector<512x128xf32>
    %jit3A_593 = arith.constant 13 : i32
    %broadcast_in_dim3A_594 = vector.broadcast %jit3A_593 : i32 to vector<512x128xi32>
    %select_n3A_595 = arith.select %gt3A_591, %broadcast_in_dim3A_594, %select_n3A_583 : vector<512x128xi1>, vector<512x128xi32>
    %slice3A_596 = vector.extract_strided_slice %dot_general3A_423 {offsets = [0, 1792], sizes = [512, 128], strides = [1, 1]} : vector<512x4096xf32> to vector<512x128xf32>
    %slice3A_597 = vector.extract_strided_slice %get3A_418 {offsets = [0, 1792], sizes = [1, 128], strides = [1, 1]} : vector<1x4096xf32> to vector<1x128xf32>
    %mul3A_598 = vector.broadcast %slice3A_597 : vector<1x128xf32> to vector<512x128xf32>
    %mul3A_599 = arith.mulf %slice3A_596, %mul3A_598 : vector<512x128xf32>
    %slice3A_600 = vector.extract_strided_slice %get3A_421 {offsets = [0, 1792], sizes = [1, 128], strides = [1, 1]} : vector<1x4096xf32> to vector<1x128xf32>
    %add3A_601 = vector.broadcast %slice3A_600 : vector<1x128xf32> to vector<512x128xf32>
    %add3A_602 = arith.addf %mul3A_599, %add3A_601 : vector<512x128xf32>
    %gt3A_603 = arith.cmpf ogt, %add3A_602, %select_n3A_592 : vector<512x128xf32>
    %select_n3A_604 = arith.select %gt3A_603, %add3A_602, %select_n3A_592 : vector<512x128xi1>, vector<512x128xf32>
    %jit3A_605 = arith.constant 14 : i32
    %broadcast_in_dim3A_606 = vector.broadcast %jit3A_605 : i32 to vector<512x128xi32>
    %select_n3A_607 = arith.select %gt3A_603, %broadcast_in_dim3A_606, %select_n3A_595 : vector<512x128xi1>, vector<512x128xi32>
    %slice3A_608 = vector.extract_strided_slice %dot_general3A_423 {offsets = [0, 1920], sizes = [512, 128], strides = [1, 1]} : vector<512x4096xf32> to vector<512x128xf32>
    %slice3A_609 = vector.extract_strided_slice %get3A_418 {offsets = [0, 1920], sizes = [1, 128], strides = [1, 1]} : vector<1x4096xf32> to vector<1x128xf32>
    %mul3A_610 = vector.broadcast %slice3A_609 : vector<1x128xf32> to vector<512x128xf32>
    %mul3A_611 = arith.mulf %slice3A_608, %mul3A_610 : vector<512x128xf32>
    %slice3A_612 = vector.extract_strided_slice %get3A_421 {offsets = [0, 1920], sizes = [1, 128], strides = [1, 1]} : vector<1x4096xf32> to vector<1x128xf32>
    %add3A_613 = vector.broadcast %slice3A_612 : vector<1x128xf32> to vector<512x128xf32>
    %add3A_614 = arith.addf %mul3A_611, %add3A_613 : vector<512x128xf32>
    %gt3A_615 = arith.cmpf ogt, %add3A_614, %select_n3A_604 : vector<512x128xf32>
    %select_n3A_616 = arith.select %gt3A_615, %add3A_614, %select_n3A_604 : vector<512x128xi1>, vector<512x128xf32>
    %jit3A_617 = arith.constant 15 : i32
    %broadcast_in_dim3A_618 = vector.broadcast %jit3A_617 : i32 to vector<512x128xi32>
    %select_n3A_619 = arith.select %gt3A_615, %broadcast_in_dim3A_618, %select_n3A_607 : vector<512x128xi1>, vector<512x128xi32>
    %slice3A_620 = vector.extract_strided_slice %dot_general3A_423 {offsets = [0, 2048], sizes = [512, 128], strides = [1, 1]} : vector<512x4096xf32> to vector<512x128xf32>
    %slice3A_621 = vector.extract_strided_slice %get3A_418 {offsets = [0, 2048], sizes = [1, 128], strides = [1, 1]} : vector<1x4096xf32> to vector<1x128xf32>
    %mul3A_622 = vector.broadcast %slice3A_621 : vector<1x128xf32> to vector<512x128xf32>
    %mul3A_623 = arith.mulf %slice3A_620, %mul3A_622 : vector<512x128xf32>
    %slice3A_624 = vector.extract_strided_slice %get3A_421 {offsets = [0, 2048], sizes = [1, 128], strides = [1, 1]} : vector<1x4096xf32> to vector<1x128xf32>
    %add3A_625 = vector.broadcast %slice3A_624 : vector<1x128xf32> to vector<512x128xf32>
    %add3A_626 = arith.addf %mul3A_623, %add3A_625 : vector<512x128xf32>
    %gt3A_627 = arith.cmpf ogt, %add3A_626, %select_n3A_616 : vector<512x128xf32>
    %select_n3A_628 = arith.select %gt3A_627, %add3A_626, %select_n3A_616 : vector<512x128xi1>, vector<512x128xf32>
    %jit3A_629 = arith.constant 16 : i32
    %broadcast_in_dim3A_630 = vector.broadcast %jit3A_629 : i32 to vector<512x128xi32>
    %select_n3A_631 = arith.select %gt3A_627, %broadcast_in_dim3A_630, %select_n3A_619 : vector<512x128xi1>, vector<512x128xi32>
    %slice3A_632 = vector.extract_strided_slice %dot_general3A_423 {offsets = [0, 2176], sizes = [512, 128], strides = [1, 1]} : vector<512x4096xf32> to vector<512x128xf32>
    %slice3A_633 = vector.extract_strided_slice %get3A_418 {offsets = [0, 2176], sizes = [1, 128], strides = [1, 1]} : vector<1x4096xf32> to vector<1x128xf32>
    %mul3A_634 = vector.broadcast %slice3A_633 : vector<1x128xf32> to vector<512x128xf32>
    %mul3A_635 = arith.mulf %slice3A_632, %mul3A_634 : vector<512x128xf32>
    %slice3A_636 = vector.extract_strided_slice %get3A_421 {offsets = [0, 2176], sizes = [1, 128], strides = [1, 1]} : vector<1x4096xf32> to vector<1x128xf32>
    %add3A_637 = vector.broadcast %slice3A_636 : vector<1x128xf32> to vector<512x128xf32>
    %add3A_638 = arith.addf %mul3A_635, %add3A_637 : vector<512x128xf32>
    %gt3A_639 = arith.cmpf ogt, %add3A_638, %select_n3A_628 : vector<512x128xf32>
    %select_n3A_640 = arith.select %gt3A_639, %add3A_638, %select_n3A_628 : vector<512x128xi1>, vector<512x128xf32>
    %jit3A_641 = arith.constant 17 : i32
    %broadcast_in_dim3A_642 = vector.broadcast %jit3A_641 : i32 to vector<512x128xi32>
    %select_n3A_643 = arith.select %gt3A_639, %broadcast_in_dim3A_642, %select_n3A_631 : vector<512x128xi1>, vector<512x128xi32>
    %slice3A_644 = vector.extract_strided_slice %dot_general3A_423 {offsets = [0, 2304], sizes = [512, 128], strides = [1, 1]} : vector<512x4096xf32> to vector<512x128xf32>
    %slice3A_645 = vector.extract_strided_slice %get3A_418 {offsets = [0, 2304], sizes = [1, 128], strides = [1, 1]} : vector<1x4096xf32> to vector<1x128xf32>
    %mul3A_646 = vector.broadcast %slice3A_645 : vector<1x128xf32> to vector<512x128xf32>
    %mul3A_647 = arith.mulf %slice3A_644, %mul3A_646 : vector<512x128xf32>
    %slice3A_648 = vector.extract_strided_slice %get3A_421 {offsets = [0, 2304], sizes = [1, 128], strides = [1, 1]} : vector<1x4096xf32> to vector<1x128xf32>
    %add3A_649 = vector.broadcast %slice3A_648 : vector<1x128xf32> to vector<512x128xf32>
    %add3A_650 = arith.addf %mul3A_647, %add3A_649 : vector<512x128xf32>
    %gt3A_651 = arith.cmpf ogt, %add3A_650, %select_n3A_640 : vector<512x128xf32>
    %select_n3A_652 = arith.select %gt3A_651, %add3A_650, %select_n3A_640 : vector<512x128xi1>, vector<512x128xf32>
    %jit3A_653 = arith.constant 18 : i32
    %broadcast_in_dim3A_654 = vector.broadcast %jit3A_653 : i32 to vector<512x128xi32>
    %select_n3A_655 = arith.select %gt3A_651, %broadcast_in_dim3A_654, %select_n3A_643 : vector<512x128xi1>, vector<512x128xi32>
    %slice3A_656 = vector.extract_strided_slice %dot_general3A_423 {offsets = [0, 2432], sizes = [512, 128], strides = [1, 1]} : vector<512x4096xf32> to vector<512x128xf32>
    %slice3A_657 = vector.extract_strided_slice %get3A_418 {offsets = [0, 2432], sizes = [1, 128], strides = [1, 1]} : vector<1x4096xf32> to vector<1x128xf32>
    %mul3A_658 = vector.broadcast %slice3A_657 : vector<1x128xf32> to vector<512x128xf32>
    %mul3A_659 = arith.mulf %slice3A_656, %mul3A_658 : vector<512x128xf32>
    %slice3A_660 = vector.extract_strided_slice %get3A_421 {offsets = [0, 2432], sizes = [1, 128], strides = [1, 1]} : vector<1x4096xf32> to vector<1x128xf32>
    %add3A_661 = vector.broadcast %slice3A_660 : vector<1x128xf32> to vector<512x128xf32>
    %add3A_662 = arith.addf %mul3A_659, %add3A_661 : vector<512x128xf32>
    %gt3A_663 = arith.cmpf ogt, %add3A_662, %select_n3A_652 : vector<512x128xf32>
    %select_n3A_664 = arith.select %gt3A_663, %add3A_662, %select_n3A_652 : vector<512x128xi1>, vector<512x128xf32>
    %jit3A_665 = arith.constant 19 : i32
    %broadcast_in_dim3A_666 = vector.broadcast %jit3A_665 : i32 to vector<512x128xi32>
    %select_n3A_667 = arith.select %gt3A_663, %broadcast_in_dim3A_666, %select_n3A_655 : vector<512x128xi1>, vector<512x128xi32>
    %slice3A_668 = vector.extract_strided_slice %dot_general3A_423 {offsets = [0, 2560], sizes = [512, 128], strides = [1, 1]} : vector<512x4096xf32> to vector<512x128xf32>
    %slice3A_669 = vector.extract_strided_slice %get3A_418 {offsets = [0, 2560], sizes = [1, 128], strides = [1, 1]} : vector<1x4096xf32> to vector<1x128xf32>
    %mul3A_670 = vector.broadcast %slice3A_669 : vector<1x128xf32> to vector<512x128xf32>
    %mul3A_671 = arith.mulf %slice3A_668, %mul3A_670 : vector<512x128xf32>
    %slice3A_672 = vector.extract_strided_slice %get3A_421 {offsets = [0, 2560], sizes = [1, 128], strides = [1, 1]} : vector<1x4096xf32> to vector<1x128xf32>
    %add3A_673 = vector.broadcast %slice3A_672 : vector<1x128xf32> to vector<512x128xf32>
    %add3A_674 = arith.addf %mul3A_671, %add3A_673 : vector<512x128xf32>
    %gt3A_675 = arith.cmpf ogt, %add3A_674, %select_n3A_664 : vector<512x128xf32>
    %select_n3A_676 = arith.select %gt3A_675, %add3A_674, %select_n3A_664 : vector<512x128xi1>, vector<512x128xf32>
    %jit3A_677 = arith.constant 20 : i32
    %broadcast_in_dim3A_678 = vector.broadcast %jit3A_677 : i32 to vector<512x128xi32>
    %select_n3A_679 = arith.select %gt3A_675, %broadcast_in_dim3A_678, %select_n3A_667 : vector<512x128xi1>, vector<512x128xi32>
    %slice3A_680 = vector.extract_strided_slice %dot_general3A_423 {offsets = [0, 2688], sizes = [512, 128], strides = [1, 1]} : vector<512x4096xf32> to vector<512x128xf32>
    %slice3A_681 = vector.extract_strided_slice %get3A_418 {offsets = [0, 2688], sizes = [1, 128], strides = [1, 1]} : vector<1x4096xf32> to vector<1x128xf32>
    %mul3A_682 = vector.broadcast %slice3A_681 : vector<1x128xf32> to vector<512x128xf32>
    %mul3A_683 = arith.mulf %slice3A_680, %mul3A_682 : vector<512x128xf32>
    %slice3A_684 = vector.extract_strided_slice %get3A_421 {offsets = [0, 2688], sizes = [1, 128], strides = [1, 1]} : vector<1x4096xf32> to vector<1x128xf32>
    %add3A_685 = vector.broadcast %slice3A_684 : vector<1x128xf32> to vector<512x128xf32>
    %add3A_686 = arith.addf %mul3A_683, %add3A_685 : vector<512x128xf32>
    %gt3A_687 = arith.cmpf ogt, %add3A_686, %select_n3A_676 : vector<512x128xf32>
    %select_n3A_688 = arith.select %gt3A_687, %add3A_686, %select_n3A_676 : vector<512x128xi1>, vector<512x128xf32>
    %jit3A_689 = arith.constant 21 : i32
    %broadcast_in_dim3A_690 = vector.broadcast %jit3A_689 : i32 to vector<512x128xi32>
    %select_n3A_691 = arith.select %gt3A_687, %broadcast_in_dim3A_690, %select_n3A_679 : vector<512x128xi1>, vector<512x128xi32>
    %slice3A_692 = vector.extract_strided_slice %dot_general3A_423 {offsets = [0, 2816], sizes = [512, 128], strides = [1, 1]} : vector<512x4096xf32> to vector<512x128xf32>
    %slice3A_693 = vector.extract_strided_slice %get3A_418 {offsets = [0, 2816], sizes = [1, 128], strides = [1, 1]} : vector<1x4096xf32> to vector<1x128xf32>
    %mul3A_694 = vector.broadcast %slice3A_693 : vector<1x128xf32> to vector<512x128xf32>
    %mul3A_695 = arith.mulf %slice3A_692, %mul3A_694 : vector<512x128xf32>
    %slice3A_696 = vector.extract_strided_slice %get3A_421 {offsets = [0, 2816], sizes = [1, 128], strides = [1, 1]} : vector<1x4096xf32> to vector<1x128xf32>
    %add3A_697 = vector.broadcast %slice3A_696 : vector<1x128xf32> to vector<512x128xf32>
    %add3A_698 = arith.addf %mul3A_695, %add3A_697 : vector<512x128xf32>
    %gt3A_699 = arith.cmpf ogt, %add3A_698, %select_n3A_688 : vector<512x128xf32>
    %select_n3A_700 = arith.select %gt3A_699, %add3A_698, %select_n3A_688 : vector<512x128xi1>, vector<512x128xf32>
    %jit3A_701 = arith.constant 22 : i32
    %broadcast_in_dim3A_702 = vector.broadcast %jit3A_701 : i32 to vector<512x128xi32>
    %select_n3A_703 = arith.select %gt3A_699, %broadcast_in_dim3A_702, %select_n3A_691 : vector<512x128xi1>, vector<512x128xi32>
    %slice3A_704 = vector.extract_strided_slice %dot_general3A_423 {offsets = [0, 2944], sizes = [512, 128], strides = [1, 1]} : vector<512x4096xf32> to vector<512x128xf32>
    %slice3A_705 = vector.extract_strided_slice %get3A_418 {offsets = [0, 2944], sizes = [1, 128], strides = [1, 1]} : vector<1x4096xf32> to vector<1x128xf32>
    %mul3A_706 = vector.broadcast %slice3A_705 : vector<1x128xf32> to vector<512x128xf32>
    %mul3A_707 = arith.mulf %slice3A_704, %mul3A_706 : vector<512x128xf32>
    %slice3A_708 = vector.extract_strided_slice %get3A_421 {offsets = [0, 2944], sizes = [1, 128], strides = [1, 1]} : vector<1x4096xf32> to vector<1x128xf32>
    %add3A_709 = vector.broadcast %slice3A_708 : vector<1x128xf32> to vector<512x128xf32>
    %add3A_710 = arith.addf %mul3A_707, %add3A_709 : vector<512x128xf32>
    %gt3A_711 = arith.cmpf ogt, %add3A_710, %select_n3A_700 : vector<512x128xf32>
    %select_n3A_712 = arith.select %gt3A_711, %add3A_710, %select_n3A_700 : vector<512x128xi1>, vector<512x128xf32>
    %jit3A_713 = arith.constant 23 : i32
    %broadcast_in_dim3A_714 = vector.broadcast %jit3A_713 : i32 to vector<512x128xi32>
    %select_n3A_715 = arith.select %gt3A_711, %broadcast_in_dim3A_714, %select_n3A_703 : vector<512x128xi1>, vector<512x128xi32>
    %slice3A_716 = vector.extract_strided_slice %dot_general3A_423 {offsets = [0, 3072], sizes = [512, 128], strides = [1, 1]} : vector<512x4096xf32> to vector<512x128xf32>
    %slice3A_717 = vector.extract_strided_slice %get3A_418 {offsets = [0, 3072], sizes = [1, 128], strides = [1, 1]} : vector<1x4096xf32> to vector<1x128xf32>
    %mul3A_718 = vector.broadcast %slice3A_717 : vector<1x128xf32> to vector<512x128xf32>
    %mul3A_719 = arith.mulf %slice3A_716, %mul3A_718 : vector<512x128xf32>
    %slice3A_720 = vector.extract_strided_slice %get3A_421 {offsets = [0, 3072], sizes = [1, 128], strides = [1, 1]} : vector<1x4096xf32> to vector<1x128xf32>
    %add3A_721 = vector.broadcast %slice3A_720 : vector<1x128xf32> to vector<512x128xf32>
    %add3A_722 = arith.addf %mul3A_719, %add3A_721 : vector<512x128xf32>
    %gt3A_723 = arith.cmpf ogt, %add3A_722, %select_n3A_712 : vector<512x128xf32>
    %select_n3A_724 = arith.select %gt3A_723, %add3A_722, %select_n3A_712 : vector<512x128xi1>, vector<512x128xf32>
    %jit3A_725 = arith.constant 24 : i32
    %broadcast_in_dim3A_726 = vector.broadcast %jit3A_725 : i32 to vector<512x128xi32>
    %select_n3A_727 = arith.select %gt3A_723, %broadcast_in_dim3A_726, %select_n3A_715 : vector<512x128xi1>, vector<512x128xi32>
    %slice3A_728 = vector.extract_strided_slice %dot_general3A_423 {offsets = [0, 3200], sizes = [512, 128], strides = [1, 1]} : vector<512x4096xf32> to vector<512x128xf32>
    %slice3A_729 = vector.extract_strided_slice %get3A_418 {offsets = [0, 3200], sizes = [1, 128], strides = [1, 1]} : vector<1x4096xf32> to vector<1x128xf32>
    %mul3A_730 = vector.broadcast %slice3A_729 : vector<1x128xf32> to vector<512x128xf32>
    %mul3A_731 = arith.mulf %slice3A_728, %mul3A_730 : vector<512x128xf32>
    %slice3A_732 = vector.extract_strided_slice %get3A_421 {offsets = [0, 3200], sizes = [1, 128], strides = [1, 1]} : vector<1x4096xf32> to vector<1x128xf32>
    %add3A_733 = vector.broadcast %slice3A_732 : vector<1x128xf32> to vector<512x128xf32>
    %add3A_734 = arith.addf %mul3A_731, %add3A_733 : vector<512x128xf32>
    %gt3A_735 = arith.cmpf ogt, %add3A_734, %select_n3A_724 : vector<512x128xf32>
    %select_n3A_736 = arith.select %gt3A_735, %add3A_734, %select_n3A_724 : vector<512x128xi1>, vector<512x128xf32>
    %jit3A_737 = arith.constant 25 : i32
    %broadcast_in_dim3A_738 = vector.broadcast %jit3A_737 : i32 to vector<512x128xi32>
    %select_n3A_739 = arith.select %gt3A_735, %broadcast_in_dim3A_738, %select_n3A_727 : vector<512x128xi1>, vector<512x128xi32>
    %slice3A_740 = vector.extract_strided_slice %dot_general3A_423 {offsets = [0, 3328], sizes = [512, 128], strides = [1, 1]} : vector<512x4096xf32> to vector<512x128xf32>
    %slice3A_741 = vector.extract_strided_slice %get3A_418 {offsets = [0, 3328], sizes = [1, 128], strides = [1, 1]} : vector<1x4096xf32> to vector<1x128xf32>
    %mul3A_742 = vector.broadcast %slice3A_741 : vector<1x128xf32> to vector<512x128xf32>
    %mul3A_743 = arith.mulf %slice3A_740, %mul3A_742 : vector<512x128xf32>
    %slice3A_744 = vector.extract_strided_slice %get3A_421 {offsets = [0, 3328], sizes = [1, 128], strides = [1, 1]} : vector<1x4096xf32> to vector<1x128xf32>
    %add3A_745 = vector.broadcast %slice3A_744 : vector<1x128xf32> to vector<512x128xf32>
    %add3A_746 = arith.addf %mul3A_743, %add3A_745 : vector<512x128xf32>
    %gt3A_747 = arith.cmpf ogt, %add3A_746, %select_n3A_736 : vector<512x128xf32>
    %select_n3A_748 = arith.select %gt3A_747, %add3A_746, %select_n3A_736 : vector<512x128xi1>, vector<512x128xf32>
    %jit3A_749 = arith.constant 26 : i32
    %broadcast_in_dim3A_750 = vector.broadcast %jit3A_749 : i32 to vector<512x128xi32>
    %select_n3A_751 = arith.select %gt3A_747, %broadcast_in_dim3A_750, %select_n3A_739 : vector<512x128xi1>, vector<512x128xi32>
    %slice3A_752 = vector.extract_strided_slice %dot_general3A_423 {offsets = [0, 3456], sizes = [512, 128], strides = [1, 1]} : vector<512x4096xf32> to vector<512x128xf32>
    %slice3A_753 = vector.extract_strided_slice %get3A_418 {offsets = [0, 3456], sizes = [1, 128], strides = [1, 1]} : vector<1x4096xf32> to vector<1x128xf32>
    %mul3A_754 = vector.broadcast %slice3A_753 : vector<1x128xf32> to vector<512x128xf32>
    %mul3A_755 = arith.mulf %slice3A_752, %mul3A_754 : vector<512x128xf32>
    %slice3A_756 = vector.extract_strided_slice %get3A_421 {offsets = [0, 3456], sizes = [1, 128], strides = [1, 1]} : vector<1x4096xf32> to vector<1x128xf32>
    %add3A_757 = vector.broadcast %slice3A_756 : vector<1x128xf32> to vector<512x128xf32>
    %add3A_758 = arith.addf %mul3A_755, %add3A_757 : vector<512x128xf32>
    %gt3A_759 = arith.cmpf ogt, %add3A_758, %select_n3A_748 : vector<512x128xf32>
    %select_n3A_760 = arith.select %gt3A_759, %add3A_758, %select_n3A_748 : vector<512x128xi1>, vector<512x128xf32>
    %jit3A_761 = arith.constant 27 : i32
    %broadcast_in_dim3A_762 = vector.broadcast %jit3A_761 : i32 to vector<512x128xi32>
    %select_n3A_763 = arith.select %gt3A_759, %broadcast_in_dim3A_762, %select_n3A_751 : vector<512x128xi1>, vector<512x128xi32>
    %slice3A_764 = vector.extract_strided_slice %dot_general3A_423 {offsets = [0, 3584], sizes = [512, 128], strides = [1, 1]} : vector<512x4096xf32> to vector<512x128xf32>
    %slice3A_765 = vector.extract_strided_slice %get3A_418 {offsets = [0, 3584], sizes = [1, 128], strides = [1, 1]} : vector<1x4096xf32> to vector<1x128xf32>
    %mul3A_766 = vector.broadcast %slice3A_765 : vector<1x128xf32> to vector<512x128xf32>
    %mul3A_767 = arith.mulf %slice3A_764, %mul3A_766 : vector<512x128xf32>
    %slice3A_768 = vector.extract_strided_slice %get3A_421 {offsets = [0, 3584], sizes = [1, 128], strides = [1, 1]} : vector<1x4096xf32> to vector<1x128xf32>
    %add3A_769 = vector.broadcast %slice3A_768 : vector<1x128xf32> to vector<512x128xf32>
    %add3A_770 = arith.addf %mul3A_767, %add3A_769 : vector<512x128xf32>
    %gt3A_771 = arith.cmpf ogt, %add3A_770, %select_n3A_760 : vector<512x128xf32>
    %select_n3A_772 = arith.select %gt3A_771, %add3A_770, %select_n3A_760 : vector<512x128xi1>, vector<512x128xf32>
    %jit3A_773 = arith.constant 28 : i32
    %broadcast_in_dim3A_774 = vector.broadcast %jit3A_773 : i32 to vector<512x128xi32>
    %select_n3A_775 = arith.select %gt3A_771, %broadcast_in_dim3A_774, %select_n3A_763 : vector<512x128xi1>, vector<512x128xi32>
    %slice3A_776 = vector.extract_strided_slice %dot_general3A_423 {offsets = [0, 3712], sizes = [512, 128], strides = [1, 1]} : vector<512x4096xf32> to vector<512x128xf32>
    %slice3A_777 = vector.extract_strided_slice %get3A_418 {offsets = [0, 3712], sizes = [1, 128], strides = [1, 1]} : vector<1x4096xf32> to vector<1x128xf32>
    %mul3A_778 = vector.broadcast %slice3A_777 : vector<1x128xf32> to vector<512x128xf32>
    %mul3A_779 = arith.mulf %slice3A_776, %mul3A_778 : vector<512x128xf32>
    %slice3A_780 = vector.extract_strided_slice %get3A_421 {offsets = [0, 3712], sizes = [1, 128], strides = [1, 1]} : vector<1x4096xf32> to vector<1x128xf32>
    %add3A_781 = vector.broadcast %slice3A_780 : vector<1x128xf32> to vector<512x128xf32>
    %add3A_782 = arith.addf %mul3A_779, %add3A_781 : vector<512x128xf32>
    %gt3A_783 = arith.cmpf ogt, %add3A_782, %select_n3A_772 : vector<512x128xf32>
    %select_n3A_784 = arith.select %gt3A_783, %add3A_782, %select_n3A_772 : vector<512x128xi1>, vector<512x128xf32>
    %jit3A_785 = arith.constant 29 : i32
    %broadcast_in_dim3A_786 = vector.broadcast %jit3A_785 : i32 to vector<512x128xi32>
    %select_n3A_787 = arith.select %gt3A_783, %broadcast_in_dim3A_786, %select_n3A_775 : vector<512x128xi1>, vector<512x128xi32>
    %slice3A_788 = vector.extract_strided_slice %dot_general3A_423 {offsets = [0, 3840], sizes = [512, 128], strides = [1, 1]} : vector<512x4096xf32> to vector<512x128xf32>
    %slice3A_789 = vector.extract_strided_slice %get3A_418 {offsets = [0, 3840], sizes = [1, 128], strides = [1, 1]} : vector<1x4096xf32> to vector<1x128xf32>
    %mul3A_790 = vector.broadcast %slice3A_789 : vector<1x128xf32> to vector<512x128xf32>
    %mul3A_791 = arith.mulf %slice3A_788, %mul3A_790 : vector<512x128xf32>
    %slice3A_792 = vector.extract_strided_slice %get3A_421 {offsets = [0, 3840], sizes = [1, 128], strides = [1, 1]} : vector<1x4096xf32> to vector<1x128xf32>
    %add3A_793 = vector.broadcast %slice3A_792 : vector<1x128xf32> to vector<512x128xf32>
    %add3A_794 = arith.addf %mul3A_791, %add3A_793 : vector<512x128xf32>
    %gt3A_795 = arith.cmpf ogt, %add3A_794, %select_n3A_784 : vector<512x128xf32>
    %select_n3A_796 = arith.select %gt3A_795, %add3A_794, %select_n3A_784 : vector<512x128xi1>, vector<512x128xf32>
    %jit3A_797 = arith.constant 30 : i32
    %broadcast_in_dim3A_798 = vector.broadcast %jit3A_797 : i32 to vector<512x128xi32>
    %select_n3A_799 = arith.select %gt3A_795, %broadcast_in_dim3A_798, %select_n3A_787 : vector<512x128xi1>, vector<512x128xi32>
    %slice3A_800 = vector.extract_strided_slice %dot_general3A_423 {offsets = [0, 3968], sizes = [512, 128], strides = [1, 1]} : vector<512x4096xf32> to vector<512x128xf32>
    %slice3A_801 = vector.extract_strided_slice %get3A_418 {offsets = [0, 3968], sizes = [1, 128], strides = [1, 1]} : vector<1x4096xf32> to vector<1x128xf32>
    %mul3A_802 = vector.broadcast %slice3A_801 : vector<1x128xf32> to vector<512x128xf32>
    %mul3A_803 = arith.mulf %slice3A_800, %mul3A_802 : vector<512x128xf32>
    %slice3A_804 = vector.extract_strided_slice %get3A_421 {offsets = [0, 3968], sizes = [1, 128], strides = [1, 1]} : vector<1x4096xf32> to vector<1x128xf32>
    %add3A_805 = vector.broadcast %slice3A_804 : vector<1x128xf32> to vector<512x128xf32>
    %add3A_806 = arith.addf %mul3A_803, %add3A_805 : vector<512x128xf32>
    %gt3A_807 = arith.cmpf ogt, %add3A_806, %select_n3A_796 : vector<512x128xf32>
    %select_n3A_808 = arith.select %gt3A_807, %add3A_806, %select_n3A_796 : vector<512x128xi1>, vector<512x128xf32>
    %jit3A_809 = arith.constant 31 : i32
    %broadcast_in_dim3A_810 = vector.broadcast %jit3A_809 : i32 to vector<512x128xi32>
    %select_n3A_811 = arith.select %gt3A_807, %broadcast_in_dim3A_810, %select_n3A_799 : vector<512x128xi1>, vector<512x128xi32>
    %mul3A_812 = arith.constant 128 : i32
    %mul3A_813 = vector.broadcast %mul3A_812 : i32 to vector<512x128xi32>
    %mul3A_814 = arith.muli %select_n3A_811, %mul3A_813 : vector<512x128xi32>
    %add3A_815 = arith.addi %mul3A_814, %iota3A : vector<512x128xi32>
    %transpose3A_816 = tpu.transpose %select_n3A_808, [1, 0] : vector<512x128xf32> -> vector<128x512xf32>
    %transpose3A_817 = tpu.transpose %add3A_815, [1, 0] : vector<512x128xi32> -> vector<128x512xi32>
    %reduce_max3A_818 = arith.constant dense<0xFF800000> : vector<512xf32>
    %reduce_max3A_819 = vector.multi_reduction <maximumf>, %transpose3A_816, %reduce_max3A_818 [0] : vector<128x512xf32> to vector<512xf32>
    %broadcast_in_dim3A_820 = vector.shape_cast %reduce_max3A_819 : vector<512xf32> to vector<1x512xf32>
    %eq3A_821 = vector.broadcast %broadcast_in_dim3A_820 : vector<1x512xf32> to vector<128x512xf32>
    %eq3A_822 = arith.cmpf oeq, %transpose3A_816, %eq3A_821 : vector<128x512xf32>
    %jit3A_823 = arith.constant 4096 : i32
    %broadcast_in_dim3A_824 = vector.broadcast %jit3A_823 : i32 to vector<128x512xi32>
    %select_n3A_825 = arith.select %eq3A_822, %transpose3A_817, %broadcast_in_dim3A_824 : vector<128x512xi1>, vector<128x512xi32>
    %reduce_min3A_826 = arith.constant dense<2147483647> : vector<512xi32>
    %reduce_min3A_827 = vector.multi_reduction <minsi>, %select_n3A_825, %reduce_min3A_826 [0] : vector<128x512xi32> to vector<512xi32>
    %mul3A_828 = arith.mulf %reduce_max3A_819, %div3A_6 : vector<512xf32>
    %reshape3A = vector.shape_cast %mul3A_412 : vector<512xf32> to vector<1x1x512xf32>
    %swap3A = arith.constant 0 : index
    %swap3A_829 = arith.constant 0 : index
    %swap3A_830 = arith.constant 0 : index
    %swap3A_831 = vector.load %arg6[%swap3A, %swap3A_829, %swap3A_830] : memref<1x1x512xf32, #tpu.memory_space<vmem>>, vector<1x1x512xf32>
    tpu.vector_store %arg6[%swap3A, %swap3A_829, %swap3A_830], %reshape3A {strides = array<i32>} : memref<1x1x512xf32, #tpu.memory_space<vmem>>, vector<1x1x512xf32>,
    %reshape3A_832 = vector.shape_cast %reduce_min3A_411 : vector<512xi32> to vector<1x1x512xi32>
    %swap3A_833 = arith.constant 0 : index
    %swap3A_834 = arith.constant 0 : index
    %swap3A_835 = arith.constant 0 : index
    %swap3A_836 = vector.load %arg7[%swap3A_833, %swap3A_834, %swap3A_835] : memref<1x1x512xi32, #tpu.memory_space<vmem>>, vector<1x1x512xi32>
    tpu.vector_store %arg7[%swap3A_833, %swap3A_834, %swap3A_835], %reshape3A_832 {strides = array<i32>} : memref<1x1x512xi32, #tpu.memory_space<vmem>>, vector<1x1x512xi32>,
    %reshape3A_837 = vector.shape_cast %mul3A_828 : vector<512xf32> to vector<1x1x512xf32>
    %swap3A_838 = arith.constant 0 : index
    %swap3A_839 = arith.constant 0 : index
    %swap3A_840 = arith.constant 0 : index
    %swap3A_841 = vector.load %arg8[%swap3A_838, %swap3A_839, %swap3A_840] : memref<1x1x512xf32, #tpu.memory_space<vmem>>, vector<1x1x512xf32>
    tpu.vector_store %arg8[%swap3A_838, %swap3A_839, %swap3A_840], %reshape3A_837 {strides = array<i32>} : memref<1x1x512xf32, #tpu.memory_space<vmem>>, vector<1x1x512xf32>,
    %reshape3A_842 = vector.shape_cast %reduce_min3A_827 : vector<512xi32> to vector<1x1x512xi32>
    %swap3A_843 = arith.constant 0 : index
    %swap3A_844 = arith.constant 0 : index
    %swap3A_845 = arith.constant 0 : index
    %swap3A_846 = vector.load %arg9[%swap3A_843, %swap3A_844, %swap3A_845] : memref<1x1x512xi32, #tpu.memory_space<vmem>>, vector<1x1x512xi32>
    tpu.vector_store %arg9[%swap3A_843, %swap3A_844, %swap3A_845], %reshape3A_842 {strides = array<i32>} : memref<1x1x512xi32, #tpu.memory_space<vmem>>, vector<1x1x512xi32>,
    return
  }
  func.func @transform_0(%arg0: i32) -> (i32, i32) {
    %c0_i32 = arith.constant 0 : i32
    %c0_i32_0 = arith.constant 0 : i32
    return %c0_i32, %arg0 : i32, i32
  }
  func.func @transform_1(%arg0: i32) -> (i32, i32) {
    %c1_i32 = arith.constant 1 : i32
    %c0_i32 = arith.constant 0 : i32
    %c0_i32_0 = arith.constant 0 : i32
    return %c1_i32, %c0_i32 : i32, i32
  }
  func.func @transform_2(%arg0: i32) -> (i32, i32) {
    %c0_i32 = arith.constant 0 : i32
    %c0_i32_0 = arith.constant 0 : i32
    %c0_i32_1 = arith.constant 0 : i32
    return %c0_i32, %c0_i32_0 : i32, i32
  }
  func.func @transform_3(%arg0: i32) -> (i32, i32) {
    %c0_i32 = arith.constant 0 : i32
    %c0_i32_0 = arith.constant 0 : i32
    %c0_i32_1 = arith.constant 0 : i32
    return %c0_i32, %c0_i32_0 : i32, i32
  }
  func.func @transform_4(%arg0: i32) -> (i32, i32) {
    %c0_i32 = arith.constant 0 : i32
    %c0_i32_0 = arith.constant 0 : i32
    %c0_i32_1 = arith.constant 0 : i32
    return %c0_i32, %c0_i32_0 : i32, i32
  }
  func.func @transform_5(%arg0: i32) -> (i32, i32, i32) {
    %c0_i32 = arith.constant 0 : i32
    %c0_i32_0 = arith.constant 0 : i32
    %c0_i32_1 = arith.constant 0 : i32
    return %arg0, %c0_i32, %c0_i32_0 : i32, i32, i32
  }
  func.func @transform_6(%arg0: i32) -> (i32, i32, i32) {
    %c0_i32 = arith.constant 0 : i32
    %c0_i32_0 = arith.constant 0 : i32
    %c0_i32_1 = arith.constant 0 : i32
    return %arg0, %c0_i32, %c0_i32_0 : i32, i32, i32
  }
  func.func @transform_7(%arg0: i32) -> (i32, i32, i32) {
    %c0_i32 = arith.constant 0 : i32
    %c0_i32_0 = arith.constant 0 : i32
    %c0_i32_1 = arith.constant 0 : i32
    return %arg0, %c0_i32, %c0_i32_0 : i32, i32, i32
  }
  func.func @transform_8(%arg0: i32) -> (i32, i32, i32) {
    %c0_i32 = arith.constant 0 : i32
    %c0_i32_0 = arith.constant 0 : i32
    %c0_i32_1 = arith.constant 0 : i32
    return %arg0, %c0_i32, %c0_i32_0 : i32, i32, i32
  }
}

</mosaic_0001>

<sc_bundles>
// kernel: kernel.6.cloned.1.call-start
scs
__scs_entry_jumppad:
0x0: {  	(pc) =	sbr.rel $0x88, $3  }
0x1: {  	(tag) =	ssettag $0x0;
	lr =	simm.s32 $0x1  }
0x2: {  	[smem:$0x3F9D] =	sst lr;
	_ =	strace $0xD0000000  }
0x3: {  	_ = 	snop  }
0x4: {  	_ = 	snop  }
0x5: {  	_ = 	snop  }
0x6: {  	_ = 	snop  }
0x7: {  	_ = 	snop  }
__scs_overlays_trampoline_lowered:
0x8: {  	[smem:$0x3FAC] =	sst s0  }
0x9: {  	[smem:$0x3FAD] =	sst s1  }
0xa: {  	[smem:$0x3FAE] =	sst s2  }
0xb: {  	[smem:$0x3FAF] =	sst s3  }
0xc: {  	[smem:$0x3FB0] =	sst s4  }
0xd: {  	[smem:$0x3FB1] =	sst s5  }
0xe: {  	[smem:$0x3FB2] =	sst s6  }
0xf: {  	[smem:$0x3FB3] =	sst s7  }
0x10: {  	[smem:$0x3FB4] =	sst s8  }
0x11: {  	[smem:$0x3FB5] =	sst s9;
	s0 =	simm.s32 @!p0 $0x0  }
0x12: {  	s1 =	sld [smem:$0x3F9B];
	s0 =	simm.s32 @p0 $0x1  }
0x13: {  	[smem:$0x3FB6] =	sst s0;
	s0 =	simm.s32 @!p1 $0x0  }
0x14: {  	s2 =	sld [smem:$0x3F9A];
	s0 =	simm.s32 @p1 $0x1  }
0x15: {  	[smem:$0x3FB7] =	sst s0;
	s0 =	simm.s32 @!p2 $0x0  }
0x16: {  	s3 =	sld [smem:$0x3FDB];
	s0 =	simm.s32 @p2 $0x1  }
0x17: {  	s4 =	simm.s32 $0x1BF5;
	[smem:$0x3FB9] =	sst s0  }
0x18: {  	s0 =	sld [smem:$0x3F9C];
	_ =	swait.ge [sflag:s4], $0x0  }
0x19: {  	s7 =	sld [smem:$0x3F9D]  }
0x1a: {  	s8 =	sadd.s32 $0xFFFFE003, lr  }
0x1b: {  	s9 =	sadd.s32 $0xFFFFFEF7, lr;
	s5 =	simm.s32 $0xFFFFFFFF;
	p2 =	slt.u32 s8, $0xFFFFF086  }
0x1c: {  	p1 =	slt.u32 s9, $0xF7A;
	s5 =	simm.s32 @!p2 $0x0  }
0x1d: {  	s5 =	simm.s32 @p1 $0x1;
	p0 =	seq.s32 s7, s2  }
0x1e: {  	s7 =	smul.u32 @!p0 $0xF7A, s2;
	p2 =	seq.s32 @!p0 s5, $0x0  }
0x1f: {  	s9 =	smul.u32 $0xF7A, s1;
	s8 =	simm.s32 @!p0 $0x1BF5;
	p2 =	por !p2, p0  }
0x20: {  	[sflag:s8] =	ssyncset.s32 @!p0 $0xFFFFF086;
	s6 =	sadd.s32 @!p0 s3, s7;
	s7 =	simm.s32 @!p0 $0x108  }
0x21: {  	s3 =	sadd.s32 s3, s9;
	s6 =	sadd.s32 @!p0 $0x88, s6;
	s7 =	simm.s32 @p2 $0x1082  }
0x22: {  	[simem:s7], [sflag:s8] =	dma.local @!p0 [hbm:s6], $0xF7A  }
0x23: {  	s9 =	sor.u32 $0xD0000000, s2;
	s6 =	simm.s32 $0x108;
	_ =	swait.ge @!p0 [sflag:s8], $0x0  }
0x24: {  	s3 =	sadd.s32 $0x88, s3;
	s6 =	simm.s32 @!p1 $0x1082;
	[sflag:s4] =	ssyncset.s32 $0xFFFFF086  }
0x25: {  	[simem:s6], [sflag:s4] =	dma.local [hbm:s3], $0xF7A  }
0x26: {  	[smem:$0x3F9D] =	sst s1;
	(tag) =	ssettag s2;
	_ =	strace s9  }
0x27: {  	s1 =	sld [smem:$0x3FAD]  }
0x28: {  	s2 =	sld [smem:$0x3FAE]  }
0x29: {  	s4 =	sld [smem:$0x3FB0]  }
0x2a: {  	p0 =	seq.s32 s5, $0x0;
	s5 =	sld [smem:$0x3FB1]  }
0x2b: {  	s6 =	sld [smem:$0x3FB2]  }
0x2c: {  	s7 =	sld [smem:$0x3FB3]  }
0x2d: {  	s3 =	simm.s32 $0x108;
	s8 =	sld [smem:$0x3FB4]  }
0x2e: {  	s3 =	simm.s32 @!p0 $0x1082;
	s9 =	sld [smem:$0x3FB5]  }
0x2f: {  	lr =	sadd.s32 s0, s3;
	s0 =	sld [smem:$0x3FAC]  }
0x30: {  	s3 =	sld [smem:$0x3FAF]  }
0x31: {  	[smem:$0x3FB8] =	sst s10  }
0x32: {  	s10 =	sld [smem:$0x3FB6];
	_ =	sdelay $0x3  }
0x33: {  	p0 =	seq.s32 s10, $0x1;
	s10 =	sld [smem:$0x3FB8];
	_ =	sdelay $0x3  }
0x34: {  	[smem:$0x3FB8] =	sst s10  }
0x35: {  	s10 =	sld [smem:$0x3FB7];
	_ =	sdelay $0x3  }
0x36: {  	p1 =	seq.s32 s10, $0x1;
	s10 =	sld [smem:$0x3FB8];
	_ =	sdelay $0x3  }
0x37: {  	[smem:$0x3FB8] =	sst s10  }
0x38: {  	s10 =	sld [smem:$0x3FB9]  }
0x39: {  	_ = 	snop;
	(pc) =	sbr.ind lr, $3  }
0x3a: {  	_ = 	snop  }
0x3b: {  	_ = 	snop  }
0x3c: {  	p2 =	seq.s32 s10, $0x1;
	s10 =	sld [smem:$0x3FB8]  }
0x3d: {  	_ =	shalt  }
0x3e: {  	_ =	shalt  }
0x3f: {  	_ =	shalt  }
0x40: {  	_ =	shalt  }
0x41: {  	_ =	shalt  }
0x42: {  	_ =	shalt  }
0x43: {  	_ =	shalt  }
0x44: {  	_ =	shalt  }
0x45: {  	_ =	shalt  }
0x46: {  	_ =	shalt  }
0x47: {  	_ =	shalt  }
0x48: {  	_ =	shalt  }
0x49: {  	_ =	shalt  }
0x4a: {  	_ =	shalt  }
0x4b: {  	_ =	shalt  }
0x4c: {  	_ =	shalt  }
0x4d: {  	_ =	shalt  }
0x4e: {  	_ =	shalt  }
0x4f: {  	_ =	shalt  }
0x50: {  	_ =	shalt  }
0x51: {  	_ =	shalt  }
0x52: {  	_ =	shalt  }
0x53: {  	_ =	shalt  }
0x54: {  	_ =	shalt  }
0x55: {  	_ =	shalt  }
0x56: {  	_ =	shalt  }
0x57: {  	_ =	shalt  }
0x58: {  	_ =	shalt  }
0x59: {  	_ =	shalt  }
0x5a: {  	_ =	shalt  }
0x5b: {  	_ =	shalt  }
0x5c: {  	_ =	shalt  }
0x5d: {  	_ =	shalt  }
0x5e: {  	_ =	shalt  }
0x5f: {  	_ =	shalt  }
0x60: {  	_ =	shalt  }
0x61: {  	_ =	shalt  }
0x62: {  	_ =	shalt  }
0x63: {  	_ =	shalt  }
0x64: {  	_ =	shalt  }
0x65: {  	_ =	shalt  }
0x66: {  	_ =	shalt  }
0x67: {  	_ =	shalt  }
0x68: {  	_ =	shalt  }
0x69: {  	_ =	shalt  }
0x6a: {  	_ =	shalt  }
0x6b: {  	_ =	shalt  }
0x6c: {  	_ =	shalt  }
0x6d: {  	_ =	shalt  }
0x6e: {  	_ =	shalt  }
0x6f: {  	_ =	shalt  }
0x70: {  	_ =	shalt  }
0x71: {  	_ =	shalt  }
0x72: {  	_ =	shalt  }
0x73: {  	_ =	shalt  }
0x74: {  	_ =	shalt  }
0x75: {  	_ =	shalt  }
0x76: {  	_ =	shalt  }
0x77: {  	_ =	shalt  }
0x78: {  	_ =	shalt  }
0x79: {  	_ =	shalt  }
0x7a: {  	_ =	shalt  }
0x7b: {  	_ =	shalt  }
0x7c: {  	_ =	shalt  }
0x7d: {  	_ =	shalt  }
0x7e: {  	_ =	shalt  }
0x7f: {  	_ =	shalt  }
0x80: {  	_ =	shalt  }
0x81: {  	_ =	shalt  }
0x82: {  	_ =	shalt  }
0x83: {  	_ =	shalt  }
0x84: {  	_ =	shalt  }
0x85: {  	_ =	shalt  }
0x86: {  	_ =	shalt  }
0x87: {  	_ =	shalt  }
.Lfunc_end0:
.L_simem_size_0:
called_computation_lowered:
.L_overlay_start_0:
0x88: {  	s2 =	sld [smem:$0x3FD9]  }
0x89: {  	s3 =	sld [smem:$0x3FFE];
	_ =	sdelay $0x1  }
0x8a: {  	s1 =	srdreg.scid  }
0x8b: {  	s0 =	sand.u32 $0x1, s1  }
0x8c: {  	s17 =	sshll.u32 s0, $0xA;
	s2 =	sadd.s32 s3, s2  }
0x8d: {  	s2 =	sadd.s32 s2, s17  }
0x8e: {  	[smem:$0x3FC4] =	sst s2  }
0x8f: {  	_ = 	snop  }
0x90: {  	s2 =	sld [smem:$0x3FC7]  }
0x91: {  	s18 =	sld [smem:$0x3FC6];
	(tm) =	ssettm $0x1  }
0x92: {  	s4 =	sld [smem:$0x3FFB];
	_ =	sdelay $0x3  }
0x93: {  	_ =	strace s4  }
0x94: {  	s4 =	sld [smem:$0x3FFC];
	_ =	sdelay $0x3  }
0x95: {  	_ =	strace s4  }
0x96: {  	s4 =	sld [smem:$0x3FFD];
	_ =	sdelay $0x3  }
0x97: {  	_ =	strace s4  }
0x98: {  	_ =	strace $0x8FFFFFFF  }
0x99: {  	s19 =	sld [smem:$0x3FDB];
	_ =	sdelay $0x1  }
0x9a: {  	s5 =	simm.s32 $_scs_section_size  }
0x9b: {  	s6 =	simm.s32 $_size__tile_overlayer_lowered;
	s7 =	simm.s32 $_tile_overlayer_lowered  }
0x9c: {  	s22 =	simm.s32 $0x1BFF;
	s21 =	sshll.u32 s7, $0x1;
	s4 =	sadd.s32 s5, s19  }
0x9d: {  	s8 =	simm.s32 $0x0;
	s20 =	sshll.u32 s6, $0x1;
	s6 =	sadd.s32 s21, s4  }
0x9e: {  	[timem:s8], [sflag:s22] =	dma.local [hbm:s6], s20  }
0x9f: {  	_ =	swait.ge [sflag:s22], s20  }
0xa0: {  	s5 =	ssub.s32 $0x0, s20;
	[sflag:s22] =	ssyncset.done $0x0  }
0xa1: {  	[sflag:s22] =	ssyncadd.s32 s5;
	_ =	sdelay $0x1  }
0xa2: {  	s23 =	simm.s32 $0x1B8B  }
0xa3: {  	_ =	swait.ge [sflag:s23], $0x1  }
0xa4: {  	[sflag:s23] =	ssyncset.done $0x0  }
0xa5: {  	s25 =	simm.s32 $0x1B8E;
	s24 =	sld [smem:$0x3FFE];
	[sflag:s23] =	ssyncadd.s32 $0xFFFFFFFF  }
0xa6: {  	s26 =	simm.s32 $execute0_lowered;
	[smem:$0x3FD2] =	sst s25  }
0xa7: {  	s6 =	sshll.u32 s26, $0x1;
	_ =	strace $0x80000046;
	[dreg:$0x1] =	wrdreg $0xFFFFFFFF  }
0xa8: {  	s28 =	simm.s32 $_size_execute0_lowered;
	s4 =	sadd.s32 s4, s6;
	[dreg:$0x0] =	wrdreg $0x0  }
0xa9: {  	s6 =	sshll.u32 s28, $0x1;
	[dreg:$0x2] =	wrdreg s4  }
0xaa: {  	[dreg:$0x3] =	wrdreg s6  }
0xab: {  	[dreg:$0x4] =	wrdreg $0xC0  }
0xac: {  	_ =	task [dreg:s8], $0x5FFFF  }
0xad: {  	[dreg:$0x1] =	wrdreg $0xFFFFFFFF  }
0xae: {  	[dreg:$0x0] =	wrdreg $0x60  }
0xaf: {  	[dreg:$0x2] =	wrdreg s2  }
0xb0: {  	[dreg:$0x3] =	wrdreg s18  }
0xb1: {  	[dreg:$0x4] =	wrdreg s24  }
0xb2: {  	[dreg:$0x5] =	wrdreg $0x9  }
0xb3: {  	_ =	task.clear_ibuf [dreg:s8], $0x6FFFF;
	_ =	strace $0x90000046  }
0xb4: {  	s29 =	simm.s32 $0x9;
	_ =	strace $0x80000048  }
0xb5: {  	_ =	swait.ge [sflag:s29], $0x1  }
0xb6: {  	[sflag:s29] =	ssyncadd.s32 $0xFFFFFFFF  }
0xb7: {  	_ =	strace $0x90000048  }
0xb8: {  	_ =	sfence  }
0xb9: {  	s30 =	sld [smem:$0x0];
	_ =	sdelay $0x2  }
0xba: {  	s31 =	sshll.u32 s1, $0xD;
	s1 =	sshrl.u32 s1, $0x2  }
0xbb: {  	s3 =	sand.u32 $0x4000, s31;
	s1 =	sadd.s32 s1, s30  }
0xbc: {  	s0 =	sor.u32 s3, s0;
	s1 =	sshll.u32 s1, $0x11  }
0xbd: {  	s0 =	sor.u32 s1, s0  }
0xbe: {  	s0 =	sadd.s32 $0x8F2B, s0  }
0xbf: {  	[sflag:s0] =	ssyncadd.remote.s32 $0x1  }
0xc0: {  	_ =	sfence.sel $0xFFFF  }
0xc1: {  	[dreg:$0x0] =	wrdreg $0xFFFFFFFF;
	(pc) =	sbr.abs _section_cstart, $3  }
0xc2: {  	[dreg:$0x1] =	wrdreg $0xFFFFFFFF  }
0xc3: {  	_ =	task.clear_ibuf [dreg:s8], $0x2FFFF;
	_ =	strace $0x9FFFFFFF  }
0xc4: {  	(tm) =	ssettm $0x7FFFFFFF  }
0xc5: {  	_ =	shalt  }
tec
execute0_lowered:
.L_overlay_start_1:
0x0: {  	(tag) =	ssettag $0x1  }
0x1: {  	s0 =	srdreg.scid  }
0x2: {  	s4 =	sand.u32 $0x1, s0;
	s0 =	stileid.u32  }
0x3: {  	s6 =	sor.u32 s0, s4  }
0x4: {  	p0 =	sne.s32 s6, $0x0  }
.Ltmp0:
0x5: {  	_ = 	snop;
	(pc) =	sbr.rel @p0 .LBB2_5-.Ltmp0, $4  }
0x6: {  	s1 =	rddreg [dreg:$0x0]  }
0x7: {  	s3 =	rddreg [dreg:$0x1]  }
0x8: {  	s5 =	rddreg [dreg:$0x2]  }
0x9: {  	s2 =	rddreg [dreg:$0x3];
	_ =	strace $0x80000047  }
0xa: {  	s6 =	ssub.s32 $0x2, s4;
	s4 =	sadd.s32 $0x2800, s5  }
0xb: {  	s5 =	sadd.s32 $0x2A00, s5;
	s8 =	simm.s32 $0x1;
	s9 =	simm.s32 $0x1000  }
0xc: {  	s10 =	simm.s32 $0x2000;
	s11 =	simm.s32 $0x3000;
	s7 =	sshrl.u32 s6, $0x1  }
0xd: {  	s12 =	simm.s32 $0x0;
	s6 =	ssub.s32 s6, s7;
	s7 =	simm.s32 $0x0  }
.LBB2_2:
0xe: {  	[tilespmem:s7], [sflag:$0x1] =	stream.linear.gather [hbm4b:s1+s7], $0x1000, $0x38;
	[tilespmem:$0x4000] =	vst v63  }
0xf: {  	_ =	swait.ge [sflag:s8], $0x1000  }
0x10: {  	[sflag:s8] =	ssyncset.done $0x0  }
0x11: {  	[sflag:s8] =	ssyncadd.s32 $0xFFFFF000  }
0x12: {  	[tilespmem:s9], [sflag:$0x1] =	stream.linear.gather [hbm4b:s3+s7], $0x1000, $0x38;
	[tilespmem:$0x4000] =	vst v63  }
0x13: {  	_ =	swait.ge [sflag:s8], $0x1000  }
0x14: {  	[sflag:s8] =	ssyncset.done $0x0  }
0x15: {  	s13 =	simm.s32 $0x20;
	[sflag:s8] =	ssyncadd.s32 $0xFFFFF000  }
0x16: {  	s14 =	simm.s32 $0x1020;
	v0 =	vld [tilespmem:s13+$0xFFFFFFE0]  }
0x17: {  	v1 =	vld [tilespmem:s14+$0xFFFFFFE0];
	_ =	sdelay $0x3  }
0x18: {  	(xrf0) =	vadd.scan.msk.s32 $0xffff, v0  }
0x19: {  	(xrf0) =	vadd.scan.msk.s32 $0xffff, v1;
	_ =	sdelay $0x4  }
0x1a: {  	v2, _, _ =	vpop (xrf0)  }
0x1b: {  	v0 =	vsub.s32 s7, v0;
	v3, _, _ =	vpop (xrf0);
	(v2sf) =	vpush v2, $0xF  }
0x1c: {  	s15 =	simm.s32 $0x2020;
	v1 =	vsub.s32 s7, v1;
	v0 =	vadd.s32 v2, v0;
	(v2sf) =	vpush v3, $0xF  }
0x1d: {  	s16 =	simm.s32 $0x3020;
	[tilespmem:s15+$0xFFFFFFE0] =	vst v0;
	v0 =	vadd.s32 v3, v1  }
0x1e: {  	[tilespmem:s16+$0xFFFFFFE0] =	vst v0  }
0x1f: {  	v0 =	vld [tilespmem:s13+$0xFFFFFFF0]  }
0x20: {  	v1 =	vld [tilespmem:s14+$0xFFFFFFF0];
	_ =	sdelay $0x3  }
0x21: {  	(xrf0) =	vadd.scan.msk.s32 $0xffff, v0  }
0x22: {  	(xrf0) =	vadd.scan.msk.s32 $0xffff, v1;
	_ =	sdelay $0x4  }
0x23: {  	v2, _, _ =	vpop (xrf0);
	s17 =	spop (v2sf)  }
0x24: {  	v0 =	vsub.s32 v2, v0;
	v3, _, _ =	vpop (xrf0);
	s17 =	sadd.s32 $0x0, s17;
	s18 =	spop (v2sf);
	(v2sf) =	vpush v2, $0xF  }
0x25: {  	v1 =	vsub.s32 v3, v1;
	s18 =	sadd.s32 $0x0, s18;
	v0 =	vadd.s32 s17, v0;
	(v2sf) =	vpush v3, $0xF  }
0x26: {  	[tilespmem:s15+$0xFFFFFFF0] =	vst v0;
	v0 =	vadd.s32 s18, v1  }
0x27: {  	[tilespmem:s16+$0xFFFFFFF0] =	vst v0  }
0x28: {  	v0 =	vld [tilespmem:s13+$0x0]  }
0x29: {  	v1 =	vld [tilespmem:s14+$0x0];
	_ =	sdelay $0x3  }
0x2a: {  	(xrf0) =	vadd.scan.msk.s32 $0xffff, v0  }
0x2b: {  	(xrf0) =	vadd.scan.msk.s32 $0xffff, v1;
	_ =	sdelay $0x4  }
0x2c: {  	s19 =	spop (v2sf);
	v2, _, _ =	vpop (xrf0)  }
0x2d: {  	s17 =	sadd.s32 s17, s19;
	v0 =	vsub.s32 v2, v0;
	s29 =	spop (v2sf);
	v3, _, _ =	vpop (xrf0)  }
0x2e: {  	(v2sf) =	vpush v2, $0xF;
	s18 =	sadd.s32 s18, s29;
	v0 =	vadd.s32 s17, v0;
	v1 =	vsub.s32 v3, v1  }
0x2f: {  	(v2sf) =	vpush v3, $0xF;
	[tilespmem:s15+$0x0] =	vst v0;
	v0 =	vadd.s32 s18, v1  }
0x30: {  	[tilespmem:s16+$0x0] =	vst v0  }
0x31: {  	v0 =	vld [tilespmem:s13+$0x10]  }
0x32: {  	v1 =	vld [tilespmem:s14+$0x10];
	_ =	sdelay $0x3  }
0x33: {  	(xrf0) =	vadd.scan.msk.s32 $0xffff, v0  }
0x34: {  	(xrf0) =	vadd.scan.msk.s32 $0xffff, v1;
	_ =	sdelay $0x4  }
0x35: {  	v2, _, _ =	vpop (xrf0)  }
0x36: {  	s30 =	spop (v2sf);
	(v2sf) =	vpush v2, $0xF;
	v0 =	vsub.s32 v2, v0;
	v2, _, _ =	vpop (xrf0)  }
0x37: {  	s19 =	sadd.s32 s17, s30;
	s31 =	spop (v2sf);
	(v2sf) =	vpush v2, $0xF  }
0x38: {  	s18 =	sadd.s32 s18, s31;
	v0 =	vadd.s32 s19, v0;
	v1 =	vsub.s32 v2, v1  }
0x39: {  	[tilespmem:s15+$0x10] =	vst v0;
	v0 =	vadd.s32 s18, v1  }
0x3a: {  	s15 =	simm.s32 $0x60;
	[tilespmem:s16+$0x10] =	vst v0  }
0x3b: {  	s16 =	simm.s32 $0x1060;
	v1 =	vld [tilespmem:s15+$0xFFFFFFE0]  }
0x3c: {  	v0 =	vld [tilespmem:s16+$0xFFFFFFE0];
	_ =	sdelay $0x3  }
0x3d: {  	(xrf0) =	vadd.scan.msk.s32 $0xffff, v1  }
0x3e: {  	(xrf0) =	vadd.scan.msk.s32 $0xffff, v0;
	_ =	sdelay $0x2  }
0x3f: {  	s13 =	simm.s32 $0x3060  }
0x40: {  	s14 =	simm.s32 $0x2060;
	s17 =	simm.s32 $0x4;
	s20 =	spop (v2sf)  }
.LBB2_3:
0x41: {  	s17 =	sadd.s32 $0x4, s17;
	v2, _, _ =	vpop (xrf0);
	s19 =	sadd.s32 s19, s20;
	s20 =	spop (v2sf)  }
0x42: {  	p0 =	slt.u32 s17, $0xFC;
	v1 =	vsub.s32 s19, v1;
	v3, _, _ =	vpop (xrf0);
	(v2sf) =	vpush v2, $0xF;
	s18 =	sadd.s32 s18, s20  }
0x43: {  	v1 =	vadd.s32 v2, v1;
	v0 =	vsub.s32 s18, v0;
	(v2sf) =	vpush v3, $0xF  }
0x44: {  	[tilespmem:s14+$0xFFFFFFE0] =	vst v1;
	v0 =	vadd.s32 v3, v0  }
0x45: {  	[tilespmem:s13+$0xFFFFFFE0] =	vst v0  }
0x46: {  	v0 =	vld [tilespmem:s15+$0xFFFFFFF0]  }
0x47: {  	v1 =	vld [tilespmem:s16+$0xFFFFFFF0];
	_ =	sdelay $0x3  }
0x48: {  	(xrf0) =	vadd.scan.msk.s32 $0xffff, v0  }
0x49: {  	(xrf0) =	vadd.scan.msk.s32 $0xffff, v1;
	_ =	sdelay $0x4  }
0x4a: {  	s20 =	spop (v2sf);
	v2, _, _ =	vpop (xrf0)  }
0x4b: {  	s19 =	sadd.s32 s19, s20;
	v0 =	vsub.s32 v2, v0;
	s20 =	spop (v2sf);
	v3, _, _ =	vpop (xrf0);
	(v2sf) =	vpush v2, $0xF  }
0x4c: {  	s18 =	sadd.s32 s18, s20;
	v0 =	vadd.s32 s19, v0;
	v1 =	vsub.s32 v3, v1;
	(v2sf) =	vpush v3, $0xF  }
0x4d: {  	[tilespmem:s14+$0xFFFFFFF0] =	vst v0;
	v0 =	vadd.s32 s18, v1  }
0x4e: {  	[tilespmem:s13+$0xFFFFFFF0] =	vst v0  }
0x4f: {  	v0 =	vld [tilespmem:s15+$0x0]  }
0x50: {  	v1 =	vld [tilespmem:s16+$0x0];
	_ =	sdelay $0x3  }
0x51: {  	(xrf0) =	vadd.scan.msk.s32 $0xffff, v0  }
0x52: {  	(xrf0) =	vadd.scan.msk.s32 $0xffff, v1;
	_ =	sdelay $0x4  }
0x53: {  	s20 =	spop (v2sf);
	v2, _, _ =	vpop (xrf0)  }
0x54: {  	s19 =	sadd.s32 s19, s20;
	v0 =	vsub.s32 v2, v0;
	s20 =	spop (v2sf);
	v3, _, _ =	vpop (xrf0);
	(v2sf) =	vpush v2, $0xF  }
0x55: {  	s18 =	sadd.s32 s18, s20;
	v0 =	vadd.s32 s19, v0;
	v1 =	vsub.s32 v3, v1;
	(v2sf) =	vpush v3, $0xF  }
0x56: {  	[tilespmem:s14+$0x0] =	vst v0;
	v0 =	vadd.s32 s18, v1  }
0x57: {  	[tilespmem:s13+$0x0] =	vst v0  }
0x58: {  	v0 =	vld [tilespmem:s15+$0x10]  }
0x59: {  	v1 =	vld [tilespmem:s16+$0x10];
	_ =	sdelay $0x3  }
0x5a: {  	(xrf0) =	vadd.scan.msk.s32 $0xffff, v0  }
0x5b: {  	(xrf0) =	vadd.scan.msk.s32 $0xffff, v1;
	_ =	sdelay $0x4  }
0x5c: {  	s20 =	spop (v2sf);
	v2, _, _ =	vpop (xrf0)  }
0x5d: {  	s19 =	sadd.s32 s19, s20;
	v0 =	vsub.s32 v2, v0;
	s20 =	spop (v2sf);
	v3, _, _ =	vpop (xrf0);
	(v2sf) =	vpush v2, $0xF  }
0x5e: {  	s18 =	sadd.s32 s18, s20;
	v0 =	vadd.s32 s19, v0;
	v1 =	vsub.s32 v3, v1;
	(v2sf) =	vpush v3, $0xF  }
0x5f: {  	[tilespmem:s14+$0x10] =	vst v0;
	v0 =	vadd.s32 s18, v1  }
0x60: {  	[tilespmem:s13+$0x10] =	vst v0  }
0x61: {  	s15 =	sadd.s32 $0x40, s15  }
0x62: {  	s16 =	sadd.s32 $0x40, s16;
	v1 =	vld [tilespmem:s15+$0xFFFFFFE0]  }
0x63: {  	v0 =	vld [tilespmem:s16+$0xFFFFFFE0];
	_ =	sdelay $0x3  }
0x64: {  	(xrf0) =	vadd.scan.msk.s32 $0xffff, v1  }
.Ltmp1:
0x65: {  	(xrf0) =	vadd.scan.msk.s32 $0xffff, v0;
	(pc) =	sbr.rel @p0 .LBB2_3-.Ltmp1, $2  }
0x66: {  	_ =	sdelay $0x2  }
0x67: {  	s14 =	sadd.s32 $0x40, s14;
	s13 =	sadd.s32 $0x40, s13;
	s20 =	spop (v2sf)  }
0x68: {  	v2, _, _ =	vpop (xrf0);
	s17 =	sadd.s32 s19, s20;
	s22 =	spop (v2sf)  }
0x69: {  	v1 =	vsub.s32 s17, v1;
	v3, _, _ =	vpop (xrf0);
	(v2sf) =	vpush v2, $0xF;
	s18 =	sadd.s32 s18, s22  }
0x6a: {  	v1 =	vadd.s32 v2, v1;
	v0 =	vsub.s32 s18, v0;
	(v2sf) =	vpush v3, $0xF  }
0x6b: {  	[tilespmem:s14+$0xFFFFFFE0] =	vst v1;
	v0 =	vadd.s32 v3, v0  }
0x6c: {  	[tilespmem:s13+$0xFFFFFFE0] =	vst v0  }
0x6d: {  	v0 =	vld [tilespmem:s15+$0xFFFFFFF0]  }
0x6e: {  	v1 =	vld [tilespmem:s16+$0xFFFFFFF0];
	_ =	sdelay $0x3  }
0x6f: {  	(xrf0) =	vadd.scan.msk.s32 $0xffff, v0  }
0x70: {  	(xrf0) =	vadd.scan.msk.s32 $0xffff, v1;
	_ =	sdelay $0x4  }
0x71: {  	s23 =	spop (v2sf);
	v53, _, _ =	vpop (xrf0)  }
0x72: {  	s17 =	sadd.s32 s17, s23;
	v0 =	vsub.s32 v53, v0;
	s24 =	spop (v2sf);
	v54, _, _ =	vpop (xrf0);
	(v2sf) =	vpush v53, $0xF  }
0x73: {  	s18 =	sadd.s32 s18, s24;
	v0 =	vadd.s32 s17, v0;
	v1 =	vsub.s32 v54, v1;
	(v2sf) =	vpush v54, $0xF  }
0x74: {  	[tilespmem:s14+$0xFFFFFFF0] =	vst v0;
	v55 =	vadd.s32 s18, v1  }
0x75: {  	[tilespmem:s13+$0xFFFFFFF0] =	vst v55  }
0x76: {  	v0 =	vld [tilespmem:s15+$0x0]  }
0x77: {  	v56 =	vld [tilespmem:s16+$0x0];
	_ =	sdelay $0x3  }
0x78: {  	(xrf0) =	vadd.scan.msk.s32 $0xffff, v0  }
0x79: {  	(xrf0) =	vadd.scan.msk.s32 $0xffff, v56;
	_ =	sdelay $0x4  }
0x7a: {  	s25 =	spop (v2sf);
	v57, _, _ =	vpop (xrf0)  }
0x7b: {  	s17 =	sadd.s32 s17, s25;
	v0 =	vsub.s32 v57, v0;
	s26 =	spop (v2sf);
	v58, _, _ =	vpop (xrf0)  }
0x7c: {  	s18 =	sadd.s32 s18, s26;
	v0 =	vadd.s32 s17, v0;
	v1 =	vsub.s32 v58, v56  }
0x7d: {  	[tilespmem:s14+$0x0] =	vst v0;
	v59 =	vadd.s32 s18, v1  }
0x7e: {  	[tilespmem:s13+$0x0] =	vst v59  }
0x7f: {  	v0 =	vld [tilespmem:s15+$0x10]  }
0x80: {  	v60 =	vld [tilespmem:s16+$0x10];
	_ =	sdelay $0x3  }
0x81: {  	(xrf0) =	vadd.scan.msk.s32 $0xffff, v0  }
0x82: {  	(v2sf) =	vpush v57, $0xF;
	(xrf0) =	vadd.scan.msk.s32 $0xffff, v60  }
0x83: {  	(v2sf) =	vpush v58, $0xF;
	_ =	sdelay $0x3  }
0x84: {  	v61, _, _ =	vpop (xrf0)  }
0x85: {  	v62, _, _ =	vpop (xrf0);
	(v2sf) =	vpush v61, $0xF  }
0x86: {  	(v2sf) =	vpush v62, $0xF;
	_ =	sdelay $0x7  }
0x87: {  	s28 =	spop (v2sf)  }
0x88: {  	s29 =	spop (v2sf);
	s15 =	sadd.s32 s17, s28;
	v0 =	vsub.s32 v61, v0  }
0x89: {  	s16 =	sadd.s32 s18, s29;
	v0 =	vadd.s32 s15, v0;
	v1 =	vsub.s32 v62, v60  }
0x8a: {  	[tilespmem:s14+$0x10] =	vst v0;
	v63 =	vadd.s32 s16, v1  }
0x8b: {  	[tilespmem:s13+$0x10] =	vst v63  }
0x8c: {  	[hbm4b:s4+s7] =	stream.linear.scatter [tilespmem:s10], [sflag:$0x1], $0x1000, $0x38;
	[tilespmem:$0x4000] =	vst v63  }
0x8d: {  	s30 =	spop (v2sf)  }
0x8e: {  	s31 =	spop (v2sf)  }
0x8f: {  	s12 =	sadd.s32 $0x1, s12;
	_ =	swait.ge [sflag:s8], $0x1000  }
0x90: {  	p0 =	sne.s32 s12, s6;
	[sflag:s8] =	ssyncset.done $0x0  }
.Ltmp2:
0x91: {  	[sflag:s8] =	ssyncadd.s32 $0xFFFFF000;
	(pc) =	sbr.rel @p0 .LBB2_2-.Ltmp2, $4  }
0x92: {  	[hbm4b:s5+s7] =	stream.linear.scatter [tilespmem:s11], [sflag:$0x1], $0x1000, $0x38;
	[tilespmem:$0x4000] =	vst v63  }
0x93: {  	_ =	swait.ge [sflag:s8], $0x1000  }
0x94: {  	[sflag:s8] =	ssyncset.done $0x0  }
0x95: {  	[sflag:s8] =	ssyncadd.s32 $0xFFFFF000  }
.LBB2_5:
0x96: {  	_ =	sfence.sel $0x180000  }
0x97: {  	[bflag:$0x0] =	sbarrier.arrive $0xFFFF  }
0x98: {  	p0 =	sne.s32 s0, $0x0;
	_ =	strace $0x90000047  }
0x99: {  	s0 =	sadd.s32 @!p0 $0x100000, s2;
	[bflag:$0x2] =	sbarrier.arrive $0xFFFF  }
0x9a: {  	[sflag:s0] =	ssyncadd.tile.s32 @!p0 $0x1;
	_ =	shalt  }
.Lfunc_end2:
_tile_overlayer_lowered:
.L_overlay_start_2:
0x9b: {  	(tag) =	ssettag $0x2  }
0x9c: {  	s0 =	rddreg [dreg:$0x0];
	s2 =	stileid.u32  }
0x9d: {  	s1 =	rddreg [dreg:$0x1];
	p0 =	sne.s32 s2, $0x0  }
0x9e: {  	s3 =	rddreg [dreg:$0x2];
	[bflag:$0x3] =	sbarrier.arrive $0xFFFF;
	s2 =	simm.s32 @!p0 $0x1C01  }
0x9f: {  	[timem:s3], [sflag:s2] =	dma.local @!p0 [hbm:s0], s1  }
0xa0: {  	s0 =	simm.s32 @!p0 $0x1  }
0xa1: {  	_ =	swait.ge @!p0 [sflag:s0], s1  }
0xa2: {  	s1 =	ssub.s32 @!p0 $0x0, s1;
	[sflag:s0] =	ssyncset.done @!p0 $0x0  }
0xa3: {  	[sflag:s0] =	ssyncadd.s32 @!p0 s1  }
0xa4: {  	[bflag:$0x3] =	sbarrier.arrive $0xFFFF  }
0xa5: {  	_ =	shalt  }

// kernel: kernel.9.cloned.1.call-start
scs
__scs_entry_jumppad:
0x0: {  	(pc) =	sbr.rel $0x88, $3  }
0x1: {  	(tag) =	ssettag $0x0;
	lr =	simm.s32 $0x1  }
0x2: {  	[smem:$0x3F9D] =	sst lr;
	_ =	strace $0xD0000000  }
0x3: {  	_ = 	snop  }
0x4: {  	_ = 	snop  }
0x5: {  	_ = 	snop  }
0x6: {  	_ = 	snop  }
0x7: {  	_ = 	snop  }
__scs_overlays_trampoline_lowered:
0x8: {  	[smem:$0x3FAC] =	sst s0  }
0x9: {  	[smem:$0x3FAD] =	sst s1  }
0xa: {  	[smem:$0x3FAE] =	sst s2  }
0xb: {  	[smem:$0x3FAF] =	sst s3  }
0xc: {  	[smem:$0x3FB0] =	sst s4  }
0xd: {  	[smem:$0x3FB1] =	sst s5  }
0xe: {  	[smem:$0x3FB2] =	sst s6  }
0xf: {  	[smem:$0x3FB3] =	sst s7  }
0x10: {  	[smem:$0x3FB4] =	sst s8  }
0x11: {  	[smem:$0x3FB5] =	sst s9;
	s0 =	simm.s32 @!p0 $0x0  }
0x12: {  	s1 =	sld [smem:$0x3F9B];
	s0 =	simm.s32 @p0 $0x1  }
0x13: {  	[smem:$0x3FB6] =	sst s0;
	s0 =	simm.s32 @!p1 $0x0  }
0x14: {  	s2 =	sld [smem:$0x3F9A];
	s0 =	simm.s32 @p1 $0x1  }
0x15: {  	[smem:$0x3FB7] =	sst s0;
	s0 =	simm.s32 @!p2 $0x0  }
0x16: {  	s3 =	sld [smem:$0x3FDB];
	s0 =	simm.s32 @p2 $0x1  }
0x17: {  	s4 =	simm.s32 $0x1BF5;
	[smem:$0x3FB9] =	sst s0  }
0x18: {  	s0 =	sld [smem:$0x3F9C];
	_ =	swait.ge [sflag:s4], $0x0  }
0x19: {  	s7 =	sld [smem:$0x3F9D]  }
0x1a: {  	s8 =	sadd.s32 $0xFFFFE003, lr  }
0x1b: {  	s9 =	sadd.s32 $0xFFFFFEF7, lr;
	s5 =	simm.s32 $0xFFFFFFFF;
	p2 =	slt.u32 s8, $0xFFFFF086  }
0x1c: {  	p1 =	slt.u32 s9, $0xF7A;
	s5 =	simm.s32 @!p2 $0x0  }
0x1d: {  	s5 =	simm.s32 @p1 $0x1;
	p0 =	seq.s32 s7, s2  }
0x1e: {  	s7 =	smul.u32 @!p0 $0xF7A, s2;
	p2 =	seq.s32 @!p0 s5, $0x0  }
0x1f: {  	s9 =	smul.u32 $0xF7A, s1;
	s8 =	simm.s32 @!p0 $0x1BF5;
	p2 =	por !p2, p0  }
0x20: {  	[sflag:s8] =	ssyncset.s32 @!p0 $0xFFFFF086;
	s6 =	sadd.s32 @!p0 s3, s7;
	s7 =	simm.s32 @!p0 $0x108  }
0x21: {  	s3 =	sadd.s32 s3, s9;
	s6 =	sadd.s32 @!p0 $0x88, s6;
	s7 =	simm.s32 @p2 $0x1082  }
0x22: {  	[simem:s7], [sflag:s8] =	dma.local @!p0 [hbm:s6], $0xF7A  }
0x23: {  	s9 =	sor.u32 $0xD0000000, s2;
	s6 =	simm.s32 $0x108;
	_ =	swait.ge @!p0 [sflag:s8], $0x0  }
0x24: {  	s3 =	sadd.s32 $0x88, s3;
	s6 =	simm.s32 @!p1 $0x1082;
	[sflag:s4] =	ssyncset.s32 $0xFFFFF086  }
0x25: {  	[simem:s6], [sflag:s4] =	dma.local [hbm:s3], $0xF7A  }
0x26: {  	[smem:$0x3F9D] =	sst s1;
	(tag) =	ssettag s2;
	_ =	strace s9  }
0x27: {  	s1 =	sld [smem:$0x3FAD]  }
0x28: {  	s2 =	sld [smem:$0x3FAE]  }
0x29: {  	s4 =	sld [smem:$0x3FB0]  }
0x2a: {  	p0 =	seq.s32 s5, $0x0;
	s5 =	sld [smem:$0x3FB1]  }
0x2b: {  	s6 =	sld [smem:$0x3FB2]  }
0x2c: {  	s7 =	sld [smem:$0x3FB3]  }
0x2d: {  	s3 =	simm.s32 $0x108;
	s8 =	sld [smem:$0x3FB4]  }
0x2e: {  	s3 =	simm.s32 @!p0 $0x1082;
	s9 =	sld [smem:$0x3FB5]  }
0x2f: {  	lr =	sadd.s32 s0, s3;
	s0 =	sld [smem:$0x3FAC]  }
0x30: {  	s3 =	sld [smem:$0x3FAF]  }
0x31: {  	[smem:$0x3FB8] =	sst s10  }
0x32: {  	s10 =	sld [smem:$0x3FB6];
	_ =	sdelay $0x3  }
0x33: {  	p0 =	seq.s32 s10, $0x1;
	s10 =	sld [smem:$0x3FB8];
	_ =	sdelay $0x3  }
0x34: {  	[smem:$0x3FB8] =	sst s10  }
0x35: {  	s10 =	sld [smem:$0x3FB7];
	_ =	sdelay $0x3  }
0x36: {  	p1 =	seq.s32 s10, $0x1;
	s10 =	sld [smem:$0x3FB8];
	_ =	sdelay $0x3  }
0x37: {  	[smem:$0x3FB8] =	sst s10  }
0x38: {  	s10 =	sld [smem:$0x3FB9]  }
0x39: {  	_ = 	snop;
	(pc) =	sbr.ind lr, $3  }
0x3a: {  	_ = 	snop  }
0x3b: {  	_ = 	snop  }
0x3c: {  	p2 =	seq.s32 s10, $0x1;
	s10 =	sld [smem:$0x3FB8]  }
0x3d: {  	_ =	shalt  }
0x3e: {  	_ =	shalt  }
0x3f: {  	_ =	shalt  }
0x40: {  	_ =	shalt  }
0x41: {  	_ =	shalt  }
0x42: {  	_ =	shalt  }
0x43: {  	_ =	shalt  }
0x44: {  	_ =	shalt  }
0x45: {  	_ =	shalt  }
0x46: {  	_ =	shalt  }
0x47: {  	_ =	shalt  }
0x48: {  	_ =	shalt  }
0x49: {  	_ =	shalt  }
0x4a: {  	_ =	shalt  }
0x4b: {  	_ =	shalt  }
0x4c: {  	_ =	shalt  }
0x4d: {  	_ =	shalt  }
0x4e: {  	_ =	shalt  }
0x4f: {  	_ =	shalt  }
0x50: {  	_ =	shalt  }
0x51: {  	_ =	shalt  }
0x52: {  	_ =	shalt  }
0x53: {  	_ =	shalt  }
0x54: {  	_ =	shalt  }
0x55: {  	_ =	shalt  }
0x56: {  	_ =	shalt  }
0x57: {  	_ =	shalt  }
0x58: {  	_ =	shalt  }
0x59: {  	_ =	shalt  }
0x5a: {  	_ =	shalt  }
0x5b: {  	_ =	shalt  }
0x5c: {  	_ =	shalt  }
0x5d: {  	_ =	shalt  }
0x5e: {  	_ =	shalt  }
0x5f: {  	_ =	shalt  }
0x60: {  	_ =	shalt  }
0x61: {  	_ =	shalt  }
0x62: {  	_ =	shalt  }
0x63: {  	_ =	shalt  }
0x64: {  	_ =	shalt  }
0x65: {  	_ =	shalt  }
0x66: {  	_ =	shalt  }
0x67: {  	_ =	shalt  }
0x68: {  	_ =	shalt  }
0x69: {  	_ =	shalt  }
0x6a: {  	_ =	shalt  }
0x6b: {  	_ =	shalt  }
0x6c: {  	_ =	shalt  }
0x6d: {  	_ =	shalt  }
0x6e: {  	_ =	shalt  }
0x6f: {  	_ =	shalt  }
0x70: {  	_ =	shalt  }
0x71: {  	_ =	shalt  }
0x72: {  	_ =	shalt  }
0x73: {  	_ =	shalt  }
0x74: {  	_ =	shalt  }
0x75: {  	_ =	shalt  }
0x76: {  	_ =	shalt  }
0x77: {  	_ =	shalt  }
0x78: {  	_ =	shalt  }
0x79: {  	_ =	shalt  }
0x7a: {  	_ =	shalt  }
0x7b: {  	_ =	shalt  }
0x7c: {  	_ =	shalt  }
0x7d: {  	_ =	shalt  }
0x7e: {  	_ =	shalt  }
0x7f: {  	_ =	shalt  }
0x80: {  	_ =	shalt  }
0x81: {  	_ =	shalt  }
0x82: {  	_ =	shalt  }
0x83: {  	_ =	shalt  }
0x84: {  	_ =	shalt  }
0x85: {  	_ =	shalt  }
0x86: {  	_ =	shalt  }
0x87: {  	_ =	shalt  }
.Lfunc_end0:
.L_simem_size_0:
called_computation.1_lowered:
.L_overlay_start_0:
0x88: {  	s2 =	sld [smem:$0x3FD9]  }
0x89: {  	s3 =	sld [smem:$0x3FFE];
	_ =	sdelay $0x1  }
0x8a: {  	s1 =	srdreg.scid  }
0x8b: {  	s0 =	sand.u32 $0x1, s1  }
0x8c: {  	s17 =	sshll.u32 s0, $0xA;
	s2 =	sadd.s32 s3, s2  }
0x8d: {  	s2 =	sadd.s32 s2, s17  }
0x8e: {  	[smem:$0x3FC4] =	sst s2  }
0x8f: {  	_ = 	snop  }
0x90: {  	s2 =	sld [smem:$0x3FC7]  }
0x91: {  	s18 =	sld [smem:$0x3FC6]  }
0x92: {  	s4 =	sld [smem:$0x3FD0];
	(tm) =	ssettm $0x1  }
0x93: {  	s5 =	sld [smem:$0x3FFB];
	_ =	sdelay $0x3  }
0x94: {  	_ =	strace s5  }
0x95: {  	s5 =	sld [smem:$0x3FFC];
	_ =	sdelay $0x3  }
0x96: {  	_ =	strace s5  }
0x97: {  	s5 =	sld [smem:$0x3FFD];
	_ =	sdelay $0x3  }
0x98: {  	_ =	strace s5  }
0x99: {  	_ =	strace $0x8FFFFFFF  }
0x9a: {  	s19 =	sld [smem:$0x3FDB];
	_ =	sdelay $0x1  }
0x9b: {  	s6 =	simm.s32 $_scs_section_size  }
0x9c: {  	s7 =	simm.s32 $_size__tile_overlayer_lowered;
	s8 =	simm.s32 $_tile_overlayer_lowered  }
0x9d: {  	s22 =	simm.s32 $0x1BFF;
	s21 =	sshll.u32 s8, $0x1;
	s5 =	sadd.s32 s6, s19  }
0x9e: {  	s9 =	simm.s32 $0x0;
	s20 =	sshll.u32 s7, $0x1;
	s7 =	sadd.s32 s21, s5  }
0x9f: {  	[timem:s9], [sflag:s22] =	dma.local [hbm:s7], s20  }
0xa0: {  	_ =	swait.ge [sflag:s22], s20  }
0xa1: {  	s6 =	ssub.s32 $0x0, s20;
	[sflag:s22] =	ssyncset.done $0x0  }
0xa2: {  	[sflag:s22] =	ssyncadd.s32 s6;
	_ =	sdelay $0x1  }
0xa3: {  	s23 =	simm.s32 $0x1B8B  }
0xa4: {  	_ =	swait.ge [sflag:s23], $0x1  }
0xa5: {  	[sflag:s23] =	ssyncset.done $0x0  }
0xa6: {  	s25 =	simm.s32 $0x1B8E;
	s24 =	sld [smem:$0x3FFE];
	[sflag:s23] =	ssyncadd.s32 $0xFFFFFFFF  }
0xa7: {  	s26 =	simm.s32 $execute0_lowered;
	[smem:$0x3FD2] =	sst s25  }
0xa8: {  	s7 =	sshll.u32 s26, $0x1;
	_ =	strace $0x80000049;
	[dreg:$0x1] =	wrdreg $0xFFFFFFFF  }
0xa9: {  	s28 =	simm.s32 $_size_execute0_lowered;
	s5 =	sadd.s32 s5, s7;
	[dreg:$0x0] =	wrdreg $0x0  }
0xaa: {  	s7 =	sshll.u32 s28, $0x1;
	[dreg:$0x2] =	wrdreg s5  }
0xab: {  	[dreg:$0x3] =	wrdreg s7  }
0xac: {  	[dreg:$0x4] =	wrdreg $0xC0  }
0xad: {  	_ =	task [dreg:s9], $0x5FFFF  }
0xae: {  	[dreg:$0x1] =	wrdreg $0xFFFFFFFF  }
0xaf: {  	[dreg:$0x0] =	wrdreg $0x60  }
0xb0: {  	[dreg:$0x2] =	wrdreg s4  }
0xb1: {  	[dreg:$0x3] =	wrdreg s24  }
0xb2: {  	[dreg:$0x4] =	wrdreg s2  }
0xb3: {  	[dreg:$0x5] =	wrdreg s18  }
0xb4: {  	[dreg:$0x6] =	wrdreg $0x9  }
0xb5: {  	_ =	task.clear_ibuf [dreg:s9], $0x7FFFF;
	_ =	strace $0x90000049  }
0xb6: {  	s29 =	simm.s32 $0x9;
	_ =	strace $0x8000004B  }
0xb7: {  	_ =	swait.ge [sflag:s29], $0x1  }
0xb8: {  	[sflag:s29] =	ssyncadd.s32 $0xFFFFFFFF  }
0xb9: {  	_ =	strace $0x9000004B  }
0xba: {  	_ =	sfence  }
0xbb: {  	s30 =	sld [smem:$0x0];
	_ =	sdelay $0x2  }
0xbc: {  	s31 =	sshll.u32 s1, $0xD;
	s1 =	sshrl.u32 s1, $0x2  }
0xbd: {  	s3 =	sand.u32 $0x4000, s31;
	s1 =	sadd.s32 s1, s30  }
0xbe: {  	s0 =	sor.u32 s3, s0;
	s1 =	sshll.u32 s1, $0x11  }
0xbf: {  	s0 =	sor.u32 s1, s0  }
0xc0: {  	s0 =	sadd.s32 $0x8F2B, s0  }
0xc1: {  	[sflag:s0] =	ssyncadd.remote.s32 $0x1  }
0xc2: {  	_ =	sfence.sel $0xFFFF  }
0xc3: {  	[dreg:$0x0] =	wrdreg $0xFFFFFFFF;
	(pc) =	sbr.abs _section_cstart, $3  }
0xc4: {  	[dreg:$0x1] =	wrdreg $0xFFFFFFFF  }
0xc5: {  	_ =	task.clear_ibuf [dreg:s9], $0x2FFFF;
	_ =	strace $0x9FFFFFFF  }
0xc6: {  	(tm) =	ssettm $0x7FFFFFFF  }
0xc7: {  	_ =	shalt  }
tec
execute0_lowered:
.L_overlay_start_1:
0x0: {  	(tag) =	ssettag $0x1  }
0x1: {  	s1 =	srdreg.scid  }
0x2: {  	s2 =	stileid.u32;
	s1 =	sand.u32 $0x1, s1  }
0x3: {  	s2 =	sor.u32 s2, s1  }
0x4: {  	p0 =	sne.s32 s2, $0x0  }
.Ltmp0:
0x5: {  	_ = 	snop;
	(pc) =	sbr.rel @p0 .LBB2_8-.Ltmp0, $2  }
0x6: {  	_ =	sdelay $0x2  }
0x7: {  	s0 =	rddreg [dreg:$0x1];
	_ =	strace $0x8000004A  }
0x8: {  	s5 =	sadd.s32 $0x2E00, s0  }
0x9: {  	s6 =	sadd.s32 $0x2C00, s0;
	s7 =	sadd.s32 $0x3000, s0;
	s8 =	sadd.s32 $0x2800, s0  }
0xa: {  	s9 =	sadd.s32 $0x2A00, s0;
	s1 =	ssub.s32 $0x2, s1;
	s10 =	sadd.s32 $0x3200, s0  }
0xb: {  	s11 =	sadd.s32 $0x3400, s0;
	s12 =	sadd.s32 $0x3600, s0;
	s13 =	sadd.s32 $0x3800, s0  }
0xc: {  	s15 =	simm.s32 $0x0;
	s16 =	simm.s32 $0x1;
	s24 =	simm.s32 $0x8000  }
0xd: {  	s25 =	simm.s32 $0xB000;
	s26 =	simm.s32 $0xC000;
	s2 =	sshrl.u32 s1, $0x1  }
0xe: {  	v0 =	vimm.f32 $0.0e+00;
	v1 =	vimm.f32 $1.000000000e+00;
	v2 =	vlaneseq.u32;
	s29 =	simm.s32 $0xA000;
	s30 =	simm.s32 $0x0;
	s14 =	ssub.s32 s1, s2  }
.LBB2_2:
0xf: {  	s0 =	rddreg [dreg:$0x0]  }
0x10: {  	[tilespmem:s15], [sflag:$0x1] =	stream.linear.gather [hbm4b:s0+s15], $0x1000, $0x38;
	[tilespmem:$0xD000] =	vst v63  }
0x11: {  	_ =	swait.ge [sflag:s16], $0x1000  }
0x12: {  	[sflag:s16] =	ssyncset.done $0x0  }
0x13: {  	s17 =	simm.s32 $0x1000;
	[sflag:s16] =	ssyncadd.s32 $0xFFFFF000  }
0x14: {  	[tilespmem:s17], [sflag:$0x1] =	stream.linear.gather [hbm4b:s5+s15], $0x1000, $0x38;
	[tilespmem:$0xD000] =	vst v63  }
0x15: {  	_ =	swait.ge [sflag:s16], $0x1000  }
0x16: {  	[sflag:s16] =	ssyncset.done $0x0  }
0x17: {  	s18 =	simm.s32 $0x2000;
	[sflag:s16] =	ssyncadd.s32 $0xFFFFF000  }
0x18: {  	[tilespmem:s18], [sflag:$0x1] =	stream.linear.gather [hbm4b:s6+s15], $0x1000, $0x38;
	[tilespmem:$0xD000] =	vst v63  }
0x19: {  	_ =	swait.ge [sflag:s16], $0x1000  }
0x1a: {  	[sflag:s16] =	ssyncset.done $0x0  }
0x1b: {  	s19 =	simm.s32 $0x3000;
	[sflag:s16] =	ssyncadd.s32 $0xFFFFF000  }
0x1c: {  	[tilespmem:s19], [sflag:$0x1] =	stream.linear.gather [hbm4b:s7+s15], $0x1000, $0x38;
	[tilespmem:$0xD000] =	vst v63  }
0x1d: {  	_ =	swait.ge [sflag:s16], $0x1000  }
0x1e: {  	[sflag:s16] =	ssyncset.done $0x0  }
0x1f: {  	[sflag:s16] =	ssyncadd.s32 $0xFFFFF000  }
0x20: {  	s1 =	simm.s32 $0x4000;
	s20 =	rddreg [dreg:$0x2]  }
0x21: {  	[tilespmem:s1], [sflag:$0x1] =	stream.linear.gather [hbm4b:s20+s15], $0x1000, $0x38;
	[tilespmem:$0xD000] =	vst v63  }
0x22: {  	_ =	swait.ge [sflag:s16], $0x1000  }
0x23: {  	[sflag:s16] =	ssyncset.done $0x0  }
0x24: {  	[sflag:s16] =	ssyncadd.s32 $0xFFFFF000  }
0x25: {  	s22 =	simm.s32 $0x5000;
	s21 =	rddreg [dreg:$0x3]  }
0x26: {  	[tilespmem:s22], [sflag:$0x1] =	stream.linear.gather [hbm4b:s21+s15], $0x1000, $0x38;
	[tilespmem:$0xD000] =	vst v63  }
0x27: {  	_ =	swait.ge [sflag:s16], $0x1000  }
0x28: {  	[sflag:s16] =	ssyncset.done $0x0  }
0x29: {  	s23 =	simm.s32 $0x6000;
	[sflag:s16] =	ssyncadd.s32 $0xFFFFF000  }
0x2a: {  	[tilespmem:s23], [sflag:$0x1] =	stream.linear.gather [hbm4b:s8+s15], $0x1000, $0x38;
	[tilespmem:$0xD000] =	vst v63  }
0x2b: {  	_ =	swait.ge [sflag:s16], $0x1000  }
0x2c: {  	[sflag:s16] =	ssyncset.done $0x0  }
0x2d: {  	s28 =	simm.s32 $0x7000;
	[sflag:s16] =	ssyncadd.s32 $0xFFFFF000  }
0x2e: {  	[tilespmem:s28], [sflag:$0x1] =	stream.linear.gather [hbm4b:s9+s15], $0x1000, $0x38;
	[tilespmem:$0xD000] =	vst v63  }
0x2f: {  	_ =	swait.ge [sflag:s16], $0x1000  }
0x30: {  	[sflag:s16] =	ssyncset.done $0x0  }
0x31: {  	s2 =	simm.s32 $0xB040;
	[sflag:s16] =	ssyncadd.s32 $0xFFFFF000  }
0x32: {  	s18 =	simm.s32 $0xC040;
	[tilespmem:s2+$0xFFFFFFC0] =	vst v0  }
0x33: {  	[tilespmem:s18+$0xFFFFFFC0] =	vst v0  }
0x34: {  	[tilespmem:s2+$0xFFFFFFD0] =	vst v0  }
0x35: {  	[tilespmem:s18+$0xFFFFFFD0] =	vst v0  }
0x36: {  	[tilespmem:s2+$0xFFFFFFE0] =	vst v0  }
0x37: {  	[tilespmem:s18+$0xFFFFFFE0] =	vst v0  }
0x38: {  	[tilespmem:s2+$0xFFFFFFF0] =	vst v0  }
0x39: {  	[tilespmem:s18+$0xFFFFFFF0] =	vst v0  }
0x3a: {  	[tilespmem:s2+$0x0] =	vst v0  }
0x3b: {  	[tilespmem:s18+$0x0] =	vst v0  }
0x3c: {  	[tilespmem:s2+$0x10] =	vst v0  }
0x3d: {  	[tilespmem:s18+$0x10] =	vst v0  }
0x3e: {  	[tilespmem:s2+$0x20] =	vst v0  }
0x3f: {  	s31 =	simm.s32 $0x4020;
	s3 =	simm.s32 $0x5020;
	s4 =	simm.s32 $0x3020;
	[tilespmem:s18+$0x20] =	vst v0  }
0x40: {  	s0 =	simm.s32 $0x7020;
	s17 =	simm.s32 $0x2020;
	s19 =	simm.s32 $0x0;
	[tilespmem:s2+$0x30] =	vst v0  }
0x41: {  	s1 =	simm.s32 $0x1020;
	s20 =	simm.s32 $0xB0C0;
	s2 =	simm.s32 $0xFFFFFFFC;
	[tilespmem:s18+$0x30] =	vst v0  }
.LBB2_3:
0x42: {  	[tilespmem:s20+$0xFFFFFFC0] =	vst v0;
	s18 =	sadd.s32 $0x80, s18  }
0x43: {  	[tilespmem:s18+$0xFFFFFFC0] =	vst v0  }
0x44: {  	[tilespmem:s20+$0xFFFFFFD0] =	vst v0  }
0x45: {  	[tilespmem:s18+$0xFFFFFFD0] =	vst v0  }
0x46: {  	[tilespmem:s20+$0xFFFFFFE0] =	vst v0  }
0x47: {  	[tilespmem:s18+$0xFFFFFFE0] =	vst v0  }
0x48: {  	[tilespmem:s20+$0xFFFFFFF0] =	vst v0  }
0x49: {  	[tilespmem:s18+$0xFFFFFFF0] =	vst v0  }
0x4a: {  	[tilespmem:s20+$0x0] =	vst v0  }
0x4b: {  	s19 =	sadd.s32 $0x8, s19;
	[tilespmem:s18+$0x0] =	vst v0  }
0x4c: {  	p0 =	slt.u32 s19, $0xF8;
	[tilespmem:s20+$0x10] =	vst v0  }
.Ltmp1:
0x4d: {  	[tilespmem:s18+$0x10] =	vst v0;
	(pc) =	sbr.rel @p0 .LBB2_3-.Ltmp1, $4  }
0x4e: {  	[tilespmem:s20+$0x20] =	vst v0  }
0x4f: {  	[tilespmem:s18+$0x20] =	vst v0  }
0x50: {  	[tilespmem:s20+$0x30] =	vst v0  }
0x51: {  	s20 =	sadd.s32 $0x80, s20;
	[tilespmem:s18+$0x30] =	vst v0  }
0x52: {  	s23 =	simm.s32 $0x4020;
	s28 =	simm.s32 $0xFFFFFFFC  }
.LBB2_5:
0x53: {  	v3 =	vld [tilespmem:s3+$0xFFFFFFE0];
	_ =	sdelay $0x2  }
0x54: {  	v4 =	vld [tilespmem:s0+$0xFFFFFFE0];
	_ =	sdelay $0x1  }
0x55: {  	vm0 =	veq.s32 v3, $0x1  }
0x56: {  	v3 =	vld [tilespmem:s1+$0xFFFFFFE0];
	_ =	sdelay $0x2  }
0x57: {  	v5 =	vld [tilespmem:s23+$0xFFFFFFE0];
	_ =	sdelay $0x1  }
0x58: {  	[tilespmem:v4+s24+$0x0] =	vst.idx.msk vm0, v3  }
0x59: {  	v3 =	vld [tilespmem:s17+$0xFFFFFFE0];
	_ =	sdelay $0x1  }
0x5a: {  	vm1 =	veq.s32 v5, $0x1;
	_ =	sdelay $0x5  }
0x5b: {  	[tilespmem:v3+s25+$0x0] =	vst.idx.msk vm1, v1  }
0x5c: {  	v3 =	vld [tilespmem:s4+$0xFFFFFFE0];
	_ =	sdelay $0x7  }
0x5d: {  	[tilespmem:v3+s26+$0x0] =	vst.idx.msk vm0, v1  }
0x5e: {  	v3 =	vld [tilespmem:s3+$0xFFFFFFF0];
	_ =	sdelay $0x2  }
0x5f: {  	v4 =	vld [tilespmem:s0+$0xFFFFFFF0];
	_ =	sdelay $0x1  }
0x60: {  	vm10 =	veq.s32 v3, $0x1  }
0x61: {  	v3 =	vld [tilespmem:s1+$0xFFFFFFF0];
	_ =	sdelay $0x2  }
0x62: {  	v61 =	vld [tilespmem:s23+$0xFFFFFFF0];
	_ =	sdelay $0x1  }
0x63: {  	[tilespmem:v4+s24+$0x0] =	vst.idx.msk vm10, v3  }
0x64: {  	v3 =	vld [tilespmem:s17+$0xFFFFFFF0];
	_ =	sdelay $0x1  }
0x65: {  	vm11 =	veq.s32 v61, $0x1;
	_ =	sdelay $0x5  }
0x66: {  	[tilespmem:v3+s25+$0x0] =	vst.idx.msk vm11, v1  }
0x67: {  	v3 =	vld [tilespmem:s4+$0xFFFFFFF0];
	_ =	sdelay $0x7  }
0x68: {  	[tilespmem:v3+s26+$0x0] =	vst.idx.msk vm10, v1  }
0x69: {  	v3 =	vld [tilespmem:s3+$0x0];
	_ =	sdelay $0x2  }
0x6a: {  	v4 =	vld [tilespmem:s0+$0x0];
	_ =	sdelay $0x1  }
0x6b: {  	vm12 =	veq.s32 v3, $0x1  }
0x6c: {  	v3 =	vld [tilespmem:s1+$0x0];
	_ =	sdelay $0x2  }
0x6d: {  	v62 =	vld [tilespmem:s23+$0x0];
	_ =	sdelay $0x1  }
0x6e: {  	[tilespmem:v4+s24+$0x0] =	vst.idx.msk vm12, v3  }
0x6f: {  	v3 =	vld [tilespmem:s17+$0x0];
	_ =	sdelay $0x1  }
0x70: {  	vm13 =	veq.s32 v62, $0x1;
	_ =	sdelay $0x5  }
0x71: {  	[tilespmem:v3+s25+$0x0] =	vst.idx.msk vm13, v1  }
0x72: {  	v3 =	vld [tilespmem:s4+$0x0];
	_ =	sdelay $0x7  }
0x73: {  	[tilespmem:v3+s26+$0x0] =	vst.idx.msk vm12, v1  }
0x74: {  	v3 =	vld [tilespmem:s3+$0x10];
	_ =	sdelay $0x2  }
0x75: {  	v4 =	vld [tilespmem:s0+$0x10];
	_ =	sdelay $0x1  }
0x76: {  	vm14 =	veq.s32 v3, $0x1  }
0x77: {  	v3 =	vld [tilespmem:s1+$0x10];
	_ =	sdelay $0x2  }
0x78: {  	v63 =	vld [tilespmem:s23+$0x10];
	_ =	sdelay $0x1  }
0x79: {  	[tilespmem:v4+s24+$0x0] =	vst.idx.msk vm14, v3  }
0x7a: {  	v3 =	vld [tilespmem:s17+$0x10];
	_ =	sdelay $0x1  }
0x7b: {  	vm15 =	veq.s32 v63, $0x1;
	_ =	sdelay $0x5  }
0x7c: {  	[tilespmem:v3+s25+$0x0] =	vst.idx.msk vm15, v1  }
0x7d: {  	v3 =	vld [tilespmem:s4+$0x10];
	_ =	sdelay $0x1  }
0x7e: {  	s28 =	sadd.s32 $0x4, s28  }
0x7f: {  	p0 =	slt.u32 s28, $0xFC  }
.Ltmp2:
0x80: {  	_ = 	snop;
	(pc) =	sbr.rel @p0 .LBB2_5-.Ltmp2, $4  }
0x81: {  	s18 =	simm.s32 $0x0;
	s19 =	simm.s32 $0x9020  }
0x82: {  	s20 =	simm.s32 $0x20;
	s21 =	simm.s32 $0x6020;
	s22 =	simm.s32 $0xA020  }
0x83: {  	s0 =	sadd.s32 $0x40, s0;
	s3 =	sadd.s32 $0x40, s3;
	s23 =	sadd.s32 $0x40, s23  }
0x84: {  	s1 =	sadd.s32 $0x40, s1;
	s17 =	sadd.s32 $0x40, s17;
	s4 =	sadd.s32 $0x40, s4;
	[tilespmem:v3+s26+$0x0] =	vst.idx.msk vm14, v1  }
.LBB2_6:
0x85: {  	v3 =	vld [tilespmem:s21+$0xFFFFFFE0];
	_ =	sdelay $0x5  }
0x86: {  	v4 =	vld [tilespmem:s31+$0xFFFFFFE0]  }
0x87: {  	v5 =	vld [tilespmem:s20+$0xFFFFFFE0]  }
0x88: {  	v3 =	vld.idx.msk [tilespmem:v3+s24+$0x0], $0xffff;
	_ =	sdelay $0x2  }
0x89: {  	v6 =	vmov s18  }
0x8a: {  	vm1 =	vne.s32 v6, v2;
	vm0 =	veq.s32 v4, $0x1  }
0x8b: {  	vm0 =	vmand vm1, vm0;
	vm2 =	vge.f32 v5, v3  }
0x8c: {  	vm15 =	vmneg vm2;
	vm2 =	vmand vm2, vm0  }
0x8d: {  	v3 =	vsel vm2, $0x3F800000, v0;
	vm0 =	vmand vm0, vm15  }
0x8e: {  	[tilespmem:s19+$0xFFFFFFE0] =	vst v3;
	v3 =	vsel vm0, $0x3F800000, v0  }
0x8f: {  	[tilespmem:s22+$0xFFFFFFE0] =	vst v3  }
0x90: {  	v3 =	vld [tilespmem:s21+$0xFFFFFFF0];
	_ =	sdelay $0x5  }
0x91: {  	v58 =	vld [tilespmem:s20+$0xFFFFFFF0]  }
0x92: {  	v59 =	vld [tilespmem:s31+$0xFFFFFFF0]  }
0x93: {  	v3 =	vld.idx.msk [tilespmem:v3+s24+$0x0], $0xffff;
	_ =	sdelay $0x4  }
0x94: {  	vm5 =	veq.s32 v59, $0x1;
	vm4 =	vge.f32 v58, v3  }
0x95: {  	vm6 =	vmneg vm4;
	vm0 =	vmand vm4, vm5  }
0x96: {  	v3 =	vsel vm0, $0x3F800000, v0;
	vm7 =	vmand vm5, vm6  }
0x97: {  	[tilespmem:s19+$0xFFFFFFF0] =	vst v3;
	v3 =	vsel vm7, $0x3F800000, v0  }
0x98: {  	[tilespmem:s22+$0xFFFFFFF0] =	vst v3  }
0x99: {  	v3 =	vld [tilespmem:s21+$0x0];
	_ =	sdelay $0x5  }
0x9a: {  	v60 =	vld [tilespmem:s20+$0x0]  }
0x9b: {  	v61 =	vld [tilespmem:s31+$0x0]  }
0x9c: {  	v3 =	vld.idx.msk [tilespmem:v3+s24+$0x0], $0xffff;
	_ =	sdelay $0x4  }
0x9d: {  	vm9 =	veq.s32 v61, $0x1;
	vm8 =	vge.f32 v60, v3  }
0x9e: {  	vm10 =	vmneg vm8;
	vm0 =	vmand vm8, vm9  }
0x9f: {  	v3 =	vsel vm0, $0x3F800000, v0;
	vm11 =	vmand vm9, vm10  }
0xa0: {  	[tilespmem:s19+$0x0] =	vst v3;
	v3 =	vsel vm11, $0x3F800000, v0  }
0xa1: {  	[tilespmem:s22+$0x0] =	vst v3  }
0xa2: {  	v3 =	vld [tilespmem:s21+$0x10];
	_ =	sdelay $0x5  }
0xa3: {  	v62 =	vld [tilespmem:s20+$0x10]  }
0xa4: {  	v63 =	vld [tilespmem:s31+$0x10]  }
0xa5: {  	v3 =	vld.idx.msk [tilespmem:v3+s24+$0x0], $0xffff;
	_ =	sdelay $0x2  }
0xa6: {  	s2 =	sadd.s32 $0x4, s2  }
0xa7: {  	p0 =	slt.u32 s2, $0xFC  }
.Ltmp3:
0xa8: {  	vm13 =	veq.s32 v63, $0x1;
	vm12 =	vge.f32 v62, v3;
	(pc) =	sbr.rel @p0 .LBB2_6-.Ltmp3, $4  }
0xa9: {  	vm14 =	vmneg vm12;
	vm0 =	vmand vm12, vm13  }
0xaa: {  	v3 =	vsel vm0, $0x3F800000, v0;
	vm15 =	vmand vm13, vm14  }
0xab: {  	s18 =	sadd.s32 $0x40, s18;
	s31 =	sadd.s32 $0x40, s31;
	s20 =	sadd.s32 $0x40, s20;
	[tilespmem:s19+$0x10] =	vst v3;
	v3 =	vsel vm15, $0x3F800000, v0  }
0xac: {  	s21 =	sadd.s32 $0x40, s21;
	s19 =	sadd.s32 $0x40, s19;
	[tilespmem:s22+$0x10] =	vst v3;
	s22 =	sadd.s32 $0x40, s22  }
0xad: {  	s0 =	simm.s32 $0x9000  }
0xae: {  	[hbm4b:s10+s15] =	stream.linear.scatter [tilespmem:s0], [sflag:$0x1], $0x1000, $0x38;
	[tilespmem:$0xD000] =	vst v63  }
0xaf: {  	_ =	swait.ge [sflag:s16], $0x1000  }
0xb0: {  	[sflag:s16] =	ssyncset.done $0x0  }
0xb1: {  	[sflag:s16] =	ssyncadd.s32 $0xFFFFF000  }
0xb2: {  	[hbm4b:s11+s15] =	stream.linear.scatter [tilespmem:s29], [sflag:$0x1], $0x1000, $0x38;
	[tilespmem:$0xD000] =	vst v63  }
0xb3: {  	_ =	swait.ge [sflag:s16], $0x1000  }
0xb4: {  	[sflag:s16] =	ssyncset.done $0x0  }
0xb5: {  	[sflag:s16] =	ssyncadd.s32 $0xFFFFF000  }
0xb6: {  	[hbm4b:s12+s15] =	stream.linear.scatter [tilespmem:s25], [sflag:$0x1], $0x1000, $0x38;
	[tilespmem:$0xD000] =	vst v63  }
0xb7: {  	s30 =	sadd.s32 $0x1, s30;
	_ =	swait.ge [sflag:s16], $0x1000  }
0xb8: {  	p0 =	sne.s32 s30, s14;
	[sflag:s16] =	ssyncset.done $0x0  }
.Ltmp4:
0xb9: {  	[sflag:s16] =	ssyncadd.s32 $0xFFFFF000;
	(pc) =	sbr.rel @p0 .LBB2_2-.Ltmp4, $4  }
0xba: {  	[hbm4b:s13+s15] =	stream.linear.scatter [tilespmem:s26], [sflag:$0x1], $0x1000, $0x38;
	[tilespmem:$0xD000] =	vst v63  }
0xbb: {  	_ =	swait.ge [sflag:s16], $0x1000  }
0xbc: {  	[sflag:s16] =	ssyncset.done $0x0  }
0xbd: {  	[sflag:s16] =	ssyncadd.s32 $0xFFFFF000  }
.LBB2_8:
0xbe: {  	_ =	sfence.sel $0x180000  }
0xbf: {  	[bflag:$0x0] =	sbarrier.arrive $0xFFFF  }
0xc0: {  	_ =	strace $0x9000004A  }
0xc1: {  	s0 =	stileid.u32;
	[bflag:$0x2] =	sbarrier.arrive $0xFFFF  }
0xc2: {  	p0 =	sne.s32 s0, $0x0;
	s0 =	rddreg [dreg:$0x4]  }
0xc3: {  	s0 =	sadd.s32 @!p0 $0x100000, s0  }
0xc4: {  	[sflag:s0] =	ssyncadd.tile.s32 @!p0 $0x1;
	_ =	shalt  }
.Lfunc_end2:
_tile_overlayer_lowered:
.L_overlay_start_2:
0xc5: {  	(tag) =	ssettag $0x2  }
0xc6: {  	s0 =	rddreg [dreg:$0x0];
	s2 =	stileid.u32  }
0xc7: {  	s1 =	rddreg [dreg:$0x1];
	p0 =	sne.s32 s2, $0x0  }
0xc8: {  	s3 =	rddreg [dreg:$0x2];
	[bflag:$0x3] =	sbarrier.arrive $0xFFFF;
	s2 =	simm.s32 @!p0 $0x1C01  }
0xc9: {  	[timem:s3], [sflag:s2] =	dma.local @!p0 [hbm:s0], s1  }
0xca: {  	s0 =	simm.s32 @!p0 $0x1  }
0xcb: {  	_ =	swait.ge @!p0 [sflag:s0], s1  }
0xcc: {  	s1 =	ssub.s32 @!p0 $0x0, s1;
	[sflag:s0] =	ssyncset.done @!p0 $0x0  }
0xcd: {  	[sflag:s0] =	ssyncadd.s32 @!p0 s1  }
0xce: {  	[bflag:$0x3] =	sbarrier.arrive $0xFFFF  }
0xcf: {  	_ =	shalt  }

</sc_bundles>
